<compile_context>
chip_gen: v7x
topology: tpu7x:2x2x1
jax: 0.10.2.dev20260603
libtpu: 0.0.44.dev20260713+nightly
codegen_flags: <defaults>
</compile_context>

<pallas_src>
import jax
import jax.numpy as jnp
from jax import lax
from jax.experimental import pallas as pl
from jax.experimental.pallas import tpu as pltpu
from jax.experimental.pallas import tpu_sc as plsc

N = 10000
E = 320000
NC = 2
NS = 16
NW = NC * NS
C = 128
NR = E // C
K = 80
W_ROWS = 44
W_BASE = NR - W_ROWS
W_OFF = (NW - 1) * K - W_BASE
NP = 10240
ROWS_PER_TILE = NP // NS
D = 128

_BLK = 2000
_GRID = N // _BLK


def _sc_degree_body(ei_hbm, ones_hbm, zeros_hbm, out_hbm, dst_v, ones_v, acc):
    c = lax.axis_index("c")
    s = lax.axis_index("s")
    wid = s * NC + c
    last = wid == NW - 1
    trips = jnp.where(last, NR - (NW - 1) * K, K)
    off = jnp.where(last, W_OFF, 0)
    row0 = s * ROWS_PER_TILE
    pltpu.sync_copy(zeros_hbm.at[pl.ds(row0, ROWS_PER_TILE)],
                    acc.at[pl.ds(row0, ROWS_PER_TILE)])

    @pl.when(jnp.logical_not(last))
    def _():
        pltpu.sync_copy(ei_hbm.at[1, pl.ds(wid * K, K)],
                        dst_v.at[pl.ds(0, K)])

    @pl.when(last)
    def _():
        pltpu.sync_copy(ei_hbm.at[1, pl.ds(W_BASE, W_ROWS)],
                        dst_v.at[pl.ds(0, W_ROWS)])

    pltpu.sync_copy(ones_hbm, ones_v)
    plsc.subcore_barrier()

    def step(j, carry):
        pltpu.sync_copy(ones_v, acc.at[dst_v.at[off + j]], add=True)
        return carry

    lax.fori_loop(0, trips, step, 0)
    plsc.subcore_barrier()
    pltpu.sync_copy(acc.at[pl.ds(row0, ROWS_PER_TILE)],
                    out_hbm.at[c, pl.ds(row0, ROWS_PER_TILE)])


def _sc_spmm_body(ys_hbm, ei_hbm, zeros_hbm, out_hbm,
                  src_v, dst_v, rows_a, rows_b, acc, sem_a, sem_b):
    c = lax.axis_index("c")
    s = lax.axis_index("s")
    wid = s * NC + c
    last = wid == NW - 1
    not_last = jnp.logical_not(last)
    row0 = s * ROWS_PER_TILE
    KH = K // 2
    LP = (NR - (NW - 1) * K) // 2

    def gather(j, buf, sem):
        return pltpu.make_async_copy(ys_hbm.at[src_v.at[j]], buf, sem)

    def loop(pairs, off):
        def step(jj, carry):
            ja = off + 2 * jj
            gather(ja + 1, rows_b, sem_b).start()
            gather(ja, rows_a, sem_a).wait()
            pltpu.sync_copy(rows_a, acc.at[dst_v.at[ja]], add=True)

            @pl.when(jj < pairs - 1)
            def _():
                gather(ja + 2, rows_a, sem_a).start()

            gather(ja + 1, rows_b, sem_b).wait()
            pltpu.sync_copy(rows_b, acc.at[dst_v.at[ja + 1]], add=True)
            return carry

        lax.fori_loop(0, pairs, step, 0)

    @pl.when(not_last)
    def _():
        pltpu.sync_copy(ei_hbm.at[0, pl.ds(wid * K, KH)],
                        src_v.at[pl.ds(0, KH)])
        pltpu.sync_copy(ei_hbm.at[1, pl.ds(wid * K, KH)],
                        dst_v.at[pl.ds(0, KH)])
        gather(0, rows_a, sem_a).start()

    @pl.when(last)
    def _():
        pltpu.sync_copy(ei_hbm.at[0, pl.ds(W_BASE, W_ROWS)],
                        src_v.at[pl.ds(0, W_ROWS)])
        pltpu.sync_copy(ei_hbm.at[1, pl.ds(W_BASE, W_ROWS)],
                        dst_v.at[pl.ds(0, W_ROWS)])
        gather(W_OFF, rows_a, sem_a).start()

    @pl.when(c == 0)
    def _():
        pltpu.sync_copy(ys_hbm.at[pl.ds(row0, ROWS_PER_TILE)],
                        acc.at[pl.ds(row0, ROWS_PER_TILE)])

    @pl.when(c == 1)
    def _():
        pltpu.sync_copy(zeros_hbm.at[pl.ds(row0, ROWS_PER_TILE)],
                        acc.at[pl.ds(row0, ROWS_PER_TILE)])

    plsc.subcore_barrier()

    @pl.when(not_last)
    def _():
        loop(KH // 2, 0)
        pltpu.sync_copy(ei_hbm.at[0, pl.ds(wid * K + KH, KH)],
                        src_v.at[pl.ds(0, KH)])
        pltpu.sync_copy(ei_hbm.at[1, pl.ds(wid * K + KH, KH)],
                        dst_v.at[pl.ds(0, KH)])
        gather(0, rows_a, sem_a).start()
        loop(KH // 2, 0)

    @pl.when(last)
    def _():
        loop(LP, W_OFF)

    plsc.subcore_barrier()
    pltpu.sync_copy(acc.at[pl.ds(row0, ROWS_PER_TILE)],
                    out_hbm.at[pl.ds(row0, ROWS_PER_TILE), pl.ds(c * D, D)])


def _sc_degree(ei3):
    mesh = plsc.VectorSubcoreMesh(core_axis_name="c", subcore_axis_name="s")
    ones = jnp.ones((C,), jnp.float32)
    zeros = jnp.zeros((NP,), jnp.float32)
    k = pl.kernel(
        _sc_degree_body,
        out_type=jax.ShapeDtypeStruct((NC, NP), jnp.float32),
        mesh=mesh,
        scratch_types=[
            pltpu.VMEM((K, C), jnp.int32),
            pltpu.VMEM((C,), jnp.float32),
            pltpu.VMEM_SHARED((NP,), jnp.float32),
        ],
    )
    return k(ei3, ones, zeros)


def _sc_spmm(ys, ei3):
    mesh = plsc.VectorSubcoreMesh(core_axis_name="c", subcore_axis_name="s")
    zeros = jnp.zeros((NP, D), jnp.float32)
    k = pl.kernel(
        _sc_spmm_body,
        out_type=jax.ShapeDtypeStruct((NP, NC * D), jnp.float32),
        mesh=mesh,
        scratch_types=[
            pltpu.VMEM((W_ROWS, C), jnp.int32),
            pltpu.VMEM((W_ROWS, C), jnp.int32),
            pltpu.VMEM((C, D), jnp.float32),
            pltpu.VMEM((C, D), jnp.float32),
            pltpu.VMEM_SHARED((NP, D), jnp.float32),
            pltpu.SemaphoreType.DMA,
            pltpu.SemaphoreType.DMA,
        ],
    )
    return k(ys, ei3, zeros)


def _tc_mm_body(x_ref, w_ref, o_ref):
    o_ref[...] = jnp.dot(x_ref[...], w_ref[...],
                         preferred_element_type=jnp.float32)


def _tc_dinv_body(d_ref, o_ref):
    deg = d_ref[0:1, :] + d_ref[1:2, :] + 1.0
    dinv = lax.rsqrt(deg)
    o_ref[...] = jnp.broadcast_to(dinv, (128, o_ref.shape[0])).T


def _tc_scale_body(y_ref, dv_ref, o_ref):
    o_ref[...] = y_ref[...] * dv_ref[...]


def _tc_mid_body(p_ref, dv_ref, b_ref, w_ref, o_ref):
    dinv = dv_ref[...]
    psum = p_ref[:, :D] + p_ref[:, D:]
    h = jnp.maximum(dinv * psum + b_ref[...], 0.0)
    o_ref[...] = jnp.dot(h, w_ref[...], preferred_element_type=jnp.float32) * dinv


def _tc_final_body(q_ref, dv_ref, b_ref, o_ref):
    full = dv_ref[...] * (q_ref[:, :D] + q_ref[:, D:])
    o_ref[...] = full[:, :o_ref.shape[1]] + b_ref[...]


def _row_blocked(d):
    return pl.BlockSpec((_BLK, d), lambda i: (i, 0))


def _full(shape):
    return pl.BlockSpec(shape, lambda i: tuple(0 for _ in shape))


def kernel(x, edge_index, W1, b1, W2, b2):
    ei3 = edge_index.reshape(2, NR, C)
    d_hid = W1.shape[1]
    d_out = W2.shape[1]

    y1 = pl.pallas_call(
        _tc_mm_body,
        grid=(_GRID,),
        in_specs=[_row_blocked(x.shape[1]), _full(W1.shape)],
        out_specs=_row_blocked(d_hid),
        out_shape=jax.ShapeDtypeStruct((N, d_hid), jnp.float32),
    )(x, W1)

    degp = _sc_degree(ei3)

    dinvb = pl.pallas_call(
        _tc_dinv_body,
        grid=(NP // 1280,),
        in_specs=[pl.BlockSpec((NC, 1280), lambda i: (0, i))],
        out_specs=pl.BlockSpec((1280, 128), lambda i: (i, 0)),
        out_shape=jax.ShapeDtypeStruct((NP, 128), jnp.float32),
    )(degp)

    ys1 = pl.pallas_call(
        _tc_scale_body,
        grid=(_GRID,),
        in_specs=[_row_blocked(d_hid), _row_blocked(128)],
        out_specs=_row_blocked(d_hid),
        out_shape=jax.ShapeDtypeStruct((NP, d_hid), jnp.float32),
    )(y1, dinvb)

    p = _sc_spmm(ys1, ei3)

    W2p = jnp.zeros((d_hid, d_hid), jnp.float32).at[:, :d_out].set(W2)

    ys2 = pl.pallas_call(
        _tc_mid_body,
        grid=(_GRID,),
        in_specs=[_row_blocked(NC * D), _row_blocked(128),
                  _full((1, d_hid)), _full(W2p.shape)],
        out_specs=_row_blocked(d_hid),
        out_shape=jax.ShapeDtypeStruct((NP, d_hid), jnp.float32),
    )(p, dinvb, b1.reshape(1, d_hid), W2p)

    q = _sc_spmm(ys2, ei3)

    out = pl.pallas_call(
        _tc_final_body,
        grid=(_GRID,),
        in_specs=[_row_blocked(NC * D),
                  _row_blocked(128), _full((1, d_out))],
        out_specs=_row_blocked(d_out),
        out_shape=jax.ShapeDtypeStruct((N, d_out), jnp.float32),
    )(q, dinvb, b2.reshape(1, d_out))

    return out

# --- scband reference (transcript-rebuilt; emitter-appended) ---
"""Pipeline reference for scband-gdaes-2310692405397 (READ-ONLY COPY).

The authoritative reference and input builder live on the scoring server;
editing this copy changes nothing except your own understanding.
"""

import jax, jax.numpy as jnp
import numpy as np

N = 10000
E = 320000
D_IN = 128
D_HID = 128
D_OUT = 64


def setup_inputs(seed: int = 0) -> dict:
    key = jax.random.key(seed)
    k1, k2, k3, k4, k5, k6 = jax.random.split(key, 6)
    x = jax.random.normal(k1, (N, D_IN), dtype=jnp.float32)
    edge_index = jax.random.randint(k2, (2, E), 0, N, dtype=jnp.int32)
    # GCNConv-style weights (glorot-ish scaling)
    W1 = jax.random.normal(k3, (D_IN, D_HID), dtype=jnp.float32) * (1.0 / np.sqrt(D_IN))
    b1 = jnp.zeros((D_HID,), dtype=jnp.float32)
    W2 = jax.random.normal(k4, (D_HID, D_OUT), dtype=jnp.float32) * (1.0 / np.sqrt(D_HID))
    b2 = jnp.zeros((D_OUT,), dtype=jnp.float32)
    return {"x": x, "edge_index": edge_index, "W1": W1, "b1": b1, "W2": W2, "b2": b2}


def gcn_conv(x, edge_index, W, b):
    n = x.shape[0]
    x = x @ W
    loop = jnp.arange(n, dtype=edge_index.dtype)
    src = jnp.concatenate([edge_index[0], loop])
    dst = jnp.concatenate([edge_index[1], loop])
    ones = jnp.ones(src.shape[0], dtype=x.dtype)
    deg = jax.ops.segment_sum(ones, dst, num_segments=n)
    dinv = jnp.where(deg > 0, 1.0 / jnp.sqrt(deg), 0.0)
    norm = dinv[src] * dinv[dst]
    msg = x[src] * norm[:, None]
    out = jax.ops.segment_sum(msg, dst, num_segments=n)
    return out + b


def reference(x, edge_index, W1, b1, W2, b2):
    # MPGNNEncoder forward (eval mode: dropout = identity, norm=False -> Identity BN)
    h = gcn_conv(x, edge_index, W1, b1)
    h = jax.nn.relu(h)
    h = gcn_conv(h, edge_index, W2, b2)
    return h

if __name__ == "__main__":
    import jax
    _d = setup_inputs()
    print(jax.jit(kernel)(*tuple(_d.values())))

</pallas_src>

<mosaic_0001>
#map = affine_map<(d0, d1) -> (0, 0)>
#map1 = affine_map<(d0, d1) -> (0, 0, 0)>
module attributes {stable_mosaic.version = 14 : i64} {
  func.func @_sc_spmm_body(%arg0: i32, %arg1: i32, %arg2: memref<10240x128xf32, #tpu.memory_space<hbm>>, %arg3: memref<2x2500x128xi32, #tpu.memory_space<hbm>>, %arg4: memref<10240x128xf32, #tpu.memory_space<hbm>>, %arg5: memref<10240x256xf32, #tpu.memory_space<hbm>>, %arg6: memref<44x128xi32, #tpu.memory_space<vmem>>, %arg7: memref<44x128xi32, #tpu.memory_space<vmem>>, %arg8: memref<128x128xf32, #tpu.memory_space<vmem>>, %arg9: memref<128x128xf32, #tpu.memory_space<vmem>>, %arg10: memref<10240x128xf32, #tpu.memory_space<vmem_shared>>, %arg11: memref<!tpu.dma_semaphore, #tpu.memory_space<semaphore_mem>>, %arg12: memref<!tpu.dma_semaphore, #tpu.memory_space<semaphore_mem>>) attributes {dimension_semantics = [#tpu.dimension_semantics<core_parallel>, #tpu.dimension_semantics<subcore_parallel>], iteration_bounds = array<i64: 2, 16>, scalar_prefetch = 0 : i64, scratch_operands = 7 : i64, tpu.core_type = #tpu.core_type<sc_vector_subcore>, window_params = [{transform_indices = #map}, {transform_indices = #map1}, {transform_indices = #map}, {transform_indices = #map}]} {
    %mul3A = arith.constant 2 : i32
    %mul3A_0 = arith.muli %arg1, %mul3A : i32
    %add3A = arith.addi %mul3A_0, %arg0 : i32
    %eq3A = arith.constant 31 : i32
    %eq3A_1 = arith.cmpi eq, %add3A, %eq3A : i32
    %not3A = arith.constant true
    %not3A_2 = arith.xori %eq3A_1, %not3A : i1
    %mul3A_3 = arith.constant 640 : i32
    %mul3A_4 = arith.muli %arg1, %mul3A_3 : i32
    %convert_element_type3A = arith.extui %not3A_2 : i1 to i32
    %cond3A = arith.constant 0 : i32
    %cond3A_5 = arith.cmpi ne, %convert_element_type3A, %cond3A : i32
    scf.if %cond3A_5 {
      %mul3A_28 = arith.constant 80 : i32
      %mul3A_29 = arith.muli %add3A, %mul3A_28 : i32
      %run_scoped3A = arith.constant 0 : i32
      "tpu.region"() ({
        %run_scoped3A_39 = tpu.sem_alloc : memref<!tpu.dma_semaphore, #tpu.memory_space<semaphore_mem>>
        %dma_start3A_40 = arith.constant 0 : i32
        %dma_start3A_41 = arith.constant 0 : i32
        %dma_start3A_42 = tpu.memref_slice %arg6[%dma_start3A_40, %dma_start3A_41] : memref<44x128xi32, #tpu.memory_space<vmem>> -> memref<40x128xi32, #tpu.memory_space<vmem>>
        %dma_start3A_43 = arith.constant 0 : i32
        %dma_start3A_44 = tpu.memref_slice %arg3[%run_scoped3A, %mul3A_29, %dma_start3A_43] : memref<2x2500x128xi32, #tpu.memory_space<hbm>> -> memref<1x40x128xi32, #tpu.memory_space<hbm>>
        %dma_start3A_45 = tpu.memref_squeeze %dma_start3A_44 : memref<1x40x128xi32, #tpu.memory_space<hbm>> -> memref<40x128xi32, #tpu.memory_space<hbm>>
        %dma_start3A_46 = arith.constant 0 : i32
        %dma_start3A_47 = arith.constant 0 : i32
        %dma_start3A_48 = tpu.memref_slice %arg6[%dma_start3A_46, %dma_start3A_47] : memref<44x128xi32, #tpu.memory_space<vmem>> -> memref<40x128xi32, #tpu.memory_space<vmem>>
        %dma_start3A_49 = arith.constant 0 : i32
        %dma_start3A_50 = tpu.memref_slice %arg3[%run_scoped3A, %mul3A_29, %dma_start3A_49] : memref<2x2500x128xi32, #tpu.memory_space<hbm>> -> memref<1x40x128xi32, #tpu.memory_space<hbm>>
        %dma_start3A_51 = tpu.memref_squeeze %dma_start3A_50 : memref<1x40x128xi32, #tpu.memory_space<hbm>> -> memref<40x128xi32, #tpu.memory_space<hbm>>
        tpu.enqueue_dma source(%dma_start3A_51 : memref<40x128xi32, #tpu.memory_space<hbm>>) target(%dma_start3A_48 : memref<40x128xi32, #tpu.memory_space<vmem>>) target_semaphore(%run_scoped3A_39 : memref<!tpu.dma_semaphore, #tpu.memory_space<semaphore_mem>>)
        %dma_wait3A = arith.constant 0 : i32
        %dma_wait3A_52 = arith.constant 0 : i32
        %dma_wait3A_53 = tpu.memref_slice %arg6[%dma_wait3A, %dma_wait3A_52] : memref<44x128xi32, #tpu.memory_space<vmem>> -> memref<40x128xi32, #tpu.memory_space<vmem>>
        %dma_wait3A_54 = arith.constant 0 : i32
        %dma_wait3A_55 = tpu.memref_slice %arg3[%run_scoped3A, %mul3A_29, %dma_wait3A_54] : memref<2x2500x128xi32, #tpu.memory_space<hbm>> -> memref<1x40x128xi32, #tpu.memory_space<hbm>>
        %dma_wait3A_56 = tpu.memref_squeeze %dma_wait3A_55 : memref<1x40x128xi32, #tpu.memory_space<hbm>> -> memref<40x128xi32, #tpu.memory_space<hbm>>
        %dma_wait3A_57 = arith.constant 0 : i32
        %dma_wait3A_58 = arith.constant 0 : i32
        %dma_wait3A_59 = tpu.memref_slice %arg6[%dma_wait3A_57, %dma_wait3A_58] : memref<44x128xi32, #tpu.memory_space<vmem>> -> memref<40x128xi32, #tpu.memory_space<vmem>>
        %dma_wait3A_60 = arith.constant 0 : i32
        %dma_wait3A_61 = tpu.memref_slice %arg3[%run_scoped3A, %mul3A_29, %dma_wait3A_60] : memref<2x2500x128xi32, #tpu.memory_space<hbm>> -> memref<1x40x128xi32, #tpu.memory_space<hbm>>
        %dma_wait3A_62 = tpu.memref_squeeze %dma_wait3A_61 : memref<1x40x128xi32, #tpu.memory_space<hbm>> -> memref<40x128xi32, #tpu.memory_space<hbm>>
        tpu.wait_dma2 semaphore(%run_scoped3A_39 : memref<!tpu.dma_semaphore, #tpu.memory_space<semaphore_mem>>) src(%dma_wait3A_62 : memref<40x128xi32, #tpu.memory_space<hbm>>) dst(%dma_wait3A_59 : memref<40x128xi32, #tpu.memory_space<vmem>>)
        tpu.yield
      }) : () -> ()
      %mul3A_30 = arith.constant 80 : i32
      %mul3A_31 = arith.muli %add3A, %mul3A_30 : i32
      %run_scoped3A_32 = arith.constant 1 : i32
      "tpu.region"() ({
        %run_scoped3A_39 = tpu.sem_alloc : memref<!tpu.dma_semaphore, #tpu.memory_space<semaphore_mem>>
        %dma_start3A_40 = arith.constant 0 : i32
        %dma_start3A_41 = arith.constant 0 : i32
        %dma_start3A_42 = tpu.memref_slice %arg7[%dma_start3A_40, %dma_start3A_41] : memref<44x128xi32, #tpu.memory_space<vmem>> -> memref<40x128xi32, #tpu.memory_space<vmem>>
        %dma_start3A_43 = arith.constant 0 : i32
        %dma_start3A_44 = tpu.memref_slice %arg3[%run_scoped3A_32, %mul3A_31, %dma_start3A_43] : memref<2x2500x128xi32, #tpu.memory_space<hbm>> -> memref<1x40x128xi32, #tpu.memory_space<hbm>>
        %dma_start3A_45 = tpu.memref_squeeze %dma_start3A_44 : memref<1x40x128xi32, #tpu.memory_space<hbm>> -> memref<40x128xi32, #tpu.memory_space<hbm>>
        %dma_start3A_46 = arith.constant 0 : i32
        %dma_start3A_47 = arith.constant 0 : i32
        %dma_start3A_48 = tpu.memref_slice %arg7[%dma_start3A_46, %dma_start3A_47] : memref<44x128xi32, #tpu.memory_space<vmem>> -> memref<40x128xi32, #tpu.memory_space<vmem>>
        %dma_start3A_49 = arith.constant 0 : i32
        %dma_start3A_50 = tpu.memref_slice %arg3[%run_scoped3A_32, %mul3A_31, %dma_start3A_49] : memref<2x2500x128xi32, #tpu.memory_space<hbm>> -> memref<1x40x128xi32, #tpu.memory_space<hbm>>
        %dma_start3A_51 = tpu.memref_squeeze %dma_start3A_50 : memref<1x40x128xi32, #tpu.memory_space<hbm>> -> memref<40x128xi32, #tpu.memory_space<hbm>>
        tpu.enqueue_dma source(%dma_start3A_51 : memref<40x128xi32, #tpu.memory_space<hbm>>) target(%dma_start3A_48 : memref<40x128xi32, #tpu.memory_space<vmem>>) target_semaphore(%run_scoped3A_39 : memref<!tpu.dma_semaphore, #tpu.memory_space<semaphore_mem>>)
        %dma_wait3A = arith.constant 0 : i32
        %dma_wait3A_52 = arith.constant 0 : i32
        %dma_wait3A_53 = tpu.memref_slice %arg7[%dma_wait3A, %dma_wait3A_52] : memref<44x128xi32, #tpu.memory_space<vmem>> -> memref<40x128xi32, #tpu.memory_space<vmem>>
        %dma_wait3A_54 = arith.constant 0 : i32
        %dma_wait3A_55 = tpu.memref_slice %arg3[%run_scoped3A_32, %mul3A_31, %dma_wait3A_54] : memref<2x2500x128xi32, #tpu.memory_space<hbm>> -> memref<1x40x128xi32, #tpu.memory_space<hbm>>
        %dma_wait3A_56 = tpu.memref_squeeze %dma_wait3A_55 : memref<1x40x128xi32, #tpu.memory_space<hbm>> -> memref<40x128xi32, #tpu.memory_space<hbm>>
        %dma_wait3A_57 = arith.constant 0 : i32
        %dma_wait3A_58 = arith.constant 0 : i32
        %dma_wait3A_59 = tpu.memref_slice %arg7[%dma_wait3A_57, %dma_wait3A_58] : memref<44x128xi32, #tpu.memory_space<vmem>> -> memref<40x128xi32, #tpu.memory_space<vmem>>
        %dma_wait3A_60 = arith.constant 0 : i32
        %dma_wait3A_61 = tpu.memref_slice %arg3[%run_scoped3A_32, %mul3A_31, %dma_wait3A_60] : memref<2x2500x128xi32, #tpu.memory_space<hbm>> -> memref<1x40x128xi32, #tpu.memory_space<hbm>>
        %dma_wait3A_62 = tpu.memref_squeeze %dma_wait3A_61 : memref<1x40x128xi32, #tpu.memory_space<hbm>> -> memref<40x128xi32, #tpu.memory_space<hbm>>
        tpu.wait_dma2 semaphore(%run_scoped3A_39 : memref<!tpu.dma_semaphore, #tpu.memory_space<semaphore_mem>>) src(%dma_wait3A_62 : memref<40x128xi32, #tpu.memory_space<hbm>>) dst(%dma_wait3A_59 : memref<40x128xi32, #tpu.memory_space<vmem>>)
        tpu.yield
      }) : () -> ()
      %dma_start3A = arith.constant 0 : i32
      %dma_start3A_33 = arith.constant 0 : i32
      %dma_start3A_34 = tpu.memref_slice %arg6[%dma_start3A, %dma_start3A_33] : memref<44x128xi32, #tpu.memory_space<vmem>> -> memref<1x128xi32, #tpu.memory_space<vmem>>
      %dma_start3A_35 = tpu.memref_squeeze %dma_start3A_34 : memref<1x128xi32, #tpu.memory_space<vmem>> -> memref<128xi32, #tpu.memory_space<vmem>>
      %dma_start3A_36 = arith.constant 0 : i32
      %dma_start3A_37 = arith.constant 0 : i32
      %dma_start3A_38 = tpu.memref_slice %arg2[%dma_start3A_36, %dma_start3A_37] : memref<10240x128xf32, #tpu.memory_space<hbm>> -> memref<10240x128xf32, #tpu.memory_space<hbm>>
      tpu.enqueue_indirect_dma source(%dma_start3A_38 : memref<10240x128xf32, #tpu.memory_space<hbm>>) target(%arg8 : memref<128x128xf32, #tpu.memory_space<vmem>>) offsets(%dma_start3A_35 : memref<128xi32, #tpu.memory_space<vmem>>) semaphore(%arg11 : memref<!tpu.dma_semaphore, #tpu.memory_space<semaphore_mem>>)
    } else {
    }
    %convert_element_type3A_6 = arith.extui %eq3A_1 : i1 to i32
    %cond3A_7 = arith.constant 0 : i32
    %cond3A_8 = arith.cmpi ne, %convert_element_type3A_6, %cond3A_7 : i32
    scf.if %cond3A_8 {
      %run_scoped3A = arith.constant 0 : i32
      "tpu.region"() ({
        %run_scoped3A_35 = tpu.sem_alloc : memref<!tpu.dma_semaphore, #tpu.memory_space<semaphore_mem>>
        %dma_start3A_36 = arith.constant 0 : i32
        %dma_start3A_37 = arith.constant 0 : i32
        %dma_start3A_38 = tpu.memref_slice %arg6[%dma_start3A_36, %dma_start3A_37] : memref<44x128xi32, #tpu.memory_space<vmem>> -> memref<44x128xi32, #tpu.memory_space<vmem>>
        %dma_start3A_39 = arith.constant 2456 : i32
        %dma_start3A_40 = arith.constant 0 : i32
        %dma_start3A_41 = tpu.memref_slice %arg3[%run_scoped3A, %dma_start3A_39, %dma_start3A_40] : memref<2x2500x128xi32, #tpu.memory_space<hbm>> -> memref<1x44x128xi32, #tpu.memory_space<hbm>>
        %dma_start3A_42 = tpu.memref_squeeze %dma_start3A_41 : memref<1x44x128xi32, #tpu.memory_space<hbm>> -> memref<44x128xi32, #tpu.memory_space<hbm>>
        %dma_start3A_43 = arith.constant 0 : i32
        %dma_start3A_44 = arith.constant 0 : i32
        %dma_start3A_45 = tpu.memref_slice %arg6[%dma_start3A_43, %dma_start3A_44] : memref<44x128xi32, #tpu.memory_space<vmem>> -> memref<44x128xi32, #tpu.memory_space<vmem>>
        %dma_start3A_46 = arith.constant 2456 : i32
        %dma_start3A_47 = arith.constant 0 : i32
        %dma_start3A_48 = tpu.memref_slice %arg3[%run_scoped3A, %dma_start3A_46, %dma_start3A_47] : memref<2x2500x128xi32, #tpu.memory_space<hbm>> -> memref<1x44x128xi32, #tpu.memory_space<hbm>>
        %dma_start3A_49 = tpu.memref_squeeze %dma_start3A_48 : memref<1x44x128xi32, #tpu.memory_space<hbm>> -> memref<44x128xi32, #tpu.memory_space<hbm>>
        tpu.enqueue_dma source(%dma_start3A_49 : memref<44x128xi32, #tpu.memory_space<hbm>>) target(%dma_start3A_45 : memref<44x128xi32, #tpu.memory_space<vmem>>) target_semaphore(%run_scoped3A_35 : memref<!tpu.dma_semaphore, #tpu.memory_space<semaphore_mem>>)
        %dma_wait3A = arith.constant 0 : i32
        %dma_wait3A_50 = arith.constant 0 : i32
        %dma_wait3A_51 = tpu.memref_slice %arg6[%dma_wait3A, %dma_wait3A_50] : memref<44x128xi32, #tpu.memory_space<vmem>> -> memref<44x128xi32, #tpu.memory_space<vmem>>
        %dma_wait3A_52 = arith.constant 2456 : i32
        %dma_wait3A_53 = arith.constant 0 : i32
        %dma_wait3A_54 = tpu.memref_slice %arg3[%run_scoped3A, %dma_wait3A_52, %dma_wait3A_53] : memref<2x2500x128xi32, #tpu.memory_space<hbm>> -> memref<1x44x128xi32, #tpu.memory_space<hbm>>
        %dma_wait3A_55 = tpu.memref_squeeze %dma_wait3A_54 : memref<1x44x128xi32, #tpu.memory_space<hbm>> -> memref<44x128xi32, #tpu.memory_space<hbm>>
        %dma_wait3A_56 = arith.constant 0 : i32
        %dma_wait3A_57 = arith.constant 0 : i32
        %dma_wait3A_58 = tpu.memref_slice %arg6[%dma_wait3A_56, %dma_wait3A_57] : memref<44x128xi32, #tpu.memory_space<vmem>> -> memref<44x128xi32, #tpu.memory_space<vmem>>
        %dma_wait3A_59 = arith.constant 2456 : i32
        %dma_wait3A_60 = arith.constant 0 : i32
        %dma_wait3A_61 = tpu.memref_slice %arg3[%run_scoped3A, %dma_wait3A_59, %dma_wait3A_60] : memref<2x2500x128xi32, #tpu.memory_space<hbm>> -> memref<1x44x128xi32, #tpu.memory_space<hbm>>
        %dma_wait3A_62 = tpu.memref_squeeze %dma_wait3A_61 : memref<1x44x128xi32, #tpu.memory_space<hbm>> -> memref<44x128xi32, #tpu.memory_space<hbm>>
        tpu.wait_dma2 semaphore(%run_scoped3A_35 : memref<!tpu.dma_semaphore, #tpu.memory_space<semaphore_mem>>) src(%dma_wait3A_62 : memref<44x128xi32, #tpu.memory_space<hbm>>) dst(%dma_wait3A_58 : memref<44x128xi32, #tpu.memory_space<vmem>>)
        tpu.yield
      }) : () -> ()
      %run_scoped3A_28 = arith.constant 1 : i32
      "tpu.region"() ({
        %run_scoped3A_35 = tpu.sem_alloc : memref<!tpu.dma_semaphore, #tpu.memory_space<semaphore_mem>>
        %dma_start3A_36 = arith.constant 0 : i32
        %dma_start3A_37 = arith.constant 0 : i32
        %dma_start3A_38 = tpu.memref_slice %arg7[%dma_start3A_36, %dma_start3A_37] : memref<44x128xi32, #tpu.memory_space<vmem>> -> memref<44x128xi32, #tpu.memory_space<vmem>>
        %dma_start3A_39 = arith.constant 2456 : i32
        %dma_start3A_40 = arith.constant 0 : i32
        %dma_start3A_41 = tpu.memref_slice %arg3[%run_scoped3A_28, %dma_start3A_39, %dma_start3A_40] : memref<2x2500x128xi32, #tpu.memory_space<hbm>> -> memref<1x44x128xi32, #tpu.memory_space<hbm>>
        %dma_start3A_42 = tpu.memref_squeeze %dma_start3A_41 : memref<1x44x128xi32, #tpu.memory_space<hbm>> -> memref<44x128xi32, #tpu.memory_space<hbm>>
        %dma_start3A_43 = arith.constant 0 : i32
        %dma_start3A_44 = arith.constant 0 : i32
        %dma_start3A_45 = tpu.memref_slice %arg7[%dma_start3A_43, %dma_start3A_44] : memref<44x128xi32, #tpu.memory_space<vmem>> -> memref<44x128xi32, #tpu.memory_space<vmem>>
        %dma_start3A_46 = arith.constant 2456 : i32
        %dma_start3A_47 = arith.constant 0 : i32
        %dma_start3A_48 = tpu.memref_slice %arg3[%run_scoped3A_28, %dma_start3A_46, %dma_start3A_47] : memref<2x2500x128xi32, #tpu.memory_space<hbm>> -> memref<1x44x128xi32, #tpu.memory_space<hbm>>
        %dma_start3A_49 = tpu.memref_squeeze %dma_start3A_48 : memref<1x44x128xi32, #tpu.memory_space<hbm>> -> memref<44x128xi32, #tpu.memory_space<hbm>>
        tpu.enqueue_dma source(%dma_start3A_49 : memref<44x128xi32, #tpu.memory_space<hbm>>) target(%dma_start3A_45 : memref<44x128xi32, #tpu.memory_space<vmem>>) target_semaphore(%run_scoped3A_35 : memref<!tpu.dma_semaphore, #tpu.memory_space<semaphore_mem>>)
        %dma_wait3A = arith.constant 0 : i32
        %dma_wait3A_50 = arith.constant 0 : i32
        %dma_wait3A_51 = tpu.memref_slice %arg7[%dma_wait3A, %dma_wait3A_50] : memref<44x128xi32, #tpu.memory_space<vmem>> -> memref<44x128xi32, #tpu.memory_space<vmem>>
        %dma_wait3A_52 = arith.constant 2456 : i32
        %dma_wait3A_53 = arith.constant 0 : i32
        %dma_wait3A_54 = tpu.memref_slice %arg3[%run_scoped3A_28, %dma_wait3A_52, %dma_wait3A_53] : memref<2x2500x128xi32, #tpu.memory_space<hbm>> -> memref<1x44x128xi32, #tpu.memory_space<hbm>>
        %dma_wait3A_55 = tpu.memref_squeeze %dma_wait3A_54 : memref<1x44x128xi32, #tpu.memory_space<hbm>> -> memref<44x128xi32, #tpu.memory_space<hbm>>
        %dma_wait3A_56 = arith.constant 0 : i32
        %dma_wait3A_57 = arith.constant 0 : i32
        %dma_wait3A_58 = tpu.memref_slice %arg7[%dma_wait3A_56, %dma_wait3A_57] : memref<44x128xi32, #tpu.memory_space<vmem>> -> memref<44x128xi32, #tpu.memory_space<vmem>>
        %dma_wait3A_59 = arith.constant 2456 : i32
        %dma_wait3A_60 = arith.constant 0 : i32
        %dma_wait3A_61 = tpu.memref_slice %arg3[%run_scoped3A_28, %dma_wait3A_59, %dma_wait3A_60] : memref<2x2500x128xi32, #tpu.memory_space<hbm>> -> memref<1x44x128xi32, #tpu.memory_space<hbm>>
        %dma_wait3A_62 = tpu.memref_squeeze %dma_wait3A_61 : memref<1x44x128xi32, #tpu.memory_space<hbm>> -> memref<44x128xi32, #tpu.memory_space<hbm>>
        tpu.wait_dma2 semaphore(%run_scoped3A_35 : memref<!tpu.dma_semaphore, #tpu.memory_space<semaphore_mem>>) src(%dma_wait3A_62 : memref<44x128xi32, #tpu.memory_space<hbm>>) dst(%dma_wait3A_58 : memref<44x128xi32, #tpu.memory_space<vmem>>)
        tpu.yield
      }) : () -> ()
      %dma_start3A = arith.constant 24 : i32
      %dma_start3A_29 = arith.constant 0 : i32
      %dma_start3A_30 = tpu.memref_slice %arg6[%dma_start3A, %dma_start3A_29] : memref<44x128xi32, #tpu.memory_space<vmem>> -> memref<1x128xi32, #tpu.memory_space<vmem>>
      %dma_start3A_31 = tpu.memref_squeeze %dma_start3A_30 : memref<1x128xi32, #tpu.memory_space<vmem>> -> memref<128xi32, #tpu.memory_space<vmem>>
      %dma_start3A_32 = arith.constant 0 : i32
      %dma_start3A_33 = arith.constant 0 : i32
      %dma_start3A_34 = tpu.memref_slice %arg2[%dma_start3A_32, %dma_start3A_33] : memref<10240x128xf32, #tpu.memory_space<hbm>> -> memref<10240x128xf32, #tpu.memory_space<hbm>>
      tpu.enqueue_indirect_dma source(%dma_start3A_34 : memref<10240x128xf32, #tpu.memory_space<hbm>>) target(%arg8 : memref<128x128xf32, #tpu.memory_space<vmem>>) offsets(%dma_start3A_31 : memref<128xi32, #tpu.memory_space<vmem>>) semaphore(%arg11 : memref<!tpu.dma_semaphore, #tpu.memory_space<semaphore_mem>>)
    } else {
    }
    %eq3A_9 = arith.constant 0 : i32
    %eq3A_10 = arith.cmpi eq, %arg0, %eq3A_9 : i32
    %convert_element_type3A_11 = arith.extui %eq3A_10 : i1 to i32
    %cond3A_12 = arith.constant 0 : i32
    %cond3A_13 = arith.cmpi ne, %convert_element_type3A_11, %cond3A_12 : i32
    scf.if %cond3A_13 {
      "tpu.region"() ({
        %run_scoped3A = tpu.sem_alloc : memref<!tpu.dma_semaphore, #tpu.memory_space<semaphore_mem>>
        %dma_start3A = arith.constant 0 : i32
        %dma_start3A_28 = tpu.memref_slice %arg10[%mul3A_4, %dma_start3A] : memref<10240x128xf32, #tpu.memory_space<vmem_shared>> -> memref<640x128xf32, #tpu.memory_space<vmem_shared>>
        %dma_start3A_29 = arith.constant 0 : i32
        %dma_start3A_30 = tpu.memref_slice %arg2[%mul3A_4, %dma_start3A_29] : memref<10240x128xf32, #tpu.memory_space<hbm>> -> memref<640x128xf32, #tpu.memory_space<hbm>>
        tpu.enqueue_dma source(%dma_start3A_30 : memref<640x128xf32, #tpu.memory_space<hbm>>) target(%dma_start3A_28 : memref<640x128xf32, #tpu.memory_space<vmem_shared>>) target_semaphore(%run_scoped3A : memref<!tpu.dma_semaphore, #tpu.memory_space<semaphore_mem>>)
        %dma_wait3A = arith.constant 0 : i32
        %dma_wait3A_31 = tpu.memref_slice %arg10[%mul3A_4, %dma_wait3A] : memref<10240x128xf32, #tpu.memory_space<vmem_shared>> -> memref<640x128xf32, #tpu.memory_space<vmem_shared>>
        %dma_wait3A_32 = arith.constant 0 : i32
        %dma_wait3A_33 = tpu.memref_slice %arg2[%mul3A_4, %dma_wait3A_32] : memref<10240x128xf32, #tpu.memory_space<hbm>> -> memref<640x128xf32, #tpu.memory_space<hbm>>
        tpu.wait_dma2 semaphore(%run_scoped3A : memref<!tpu.dma_semaphore, #tpu.memory_space<semaphore_mem>>) src(%dma_wait3A_33 : memref<640x128xf32, #tpu.memory_space<hbm>>) dst(%dma_wait3A_31 : memref<640x128xf32, #tpu.memory_space<vmem_shared>>)
        tpu.yield
      }) : () -> ()
    } else {
    }
    %eq3A_14 = arith.constant 1 : i32
    %eq3A_15 = arith.cmpi eq, %arg0, %eq3A_14 : i32
    %convert_element_type3A_16 = arith.extui %eq3A_15 : i1 to i32
    %cond3A_17 = arith.constant 0 : i32
    %cond3A_18 = arith.cmpi ne, %convert_element_type3A_16, %cond3A_17 : i32
    scf.if %cond3A_18 {
      "tpu.region"() ({
        %run_scoped3A = tpu.sem_alloc : memref<!tpu.dma_semaphore, #tpu.memory_space<semaphore_mem>>
        %dma_start3A = arith.constant 0 : i32
        %dma_start3A_28 = tpu.memref_slice %arg10[%mul3A_4, %dma_start3A] : memref<10240x128xf32, #tpu.memory_space<vmem_shared>> -> memref<640x128xf32, #tpu.memory_space<vmem_shared>>
        %dma_start3A_29 = arith.constant 0 : i32
        %dma_start3A_30 = tpu.memref_slice %arg4[%mul3A_4, %dma_start3A_29] : memref<10240x128xf32, #tpu.memory_space<hbm>> -> memref<640x128xf32, #tpu.memory_space<hbm>>
        tpu.enqueue_dma source(%dma_start3A_30 : memref<640x128xf32, #tpu.memory_space<hbm>>) target(%dma_start3A_28 : memref<640x128xf32, #tpu.memory_space<vmem_shared>>) target_semaphore(%run_scoped3A : memref<!tpu.dma_semaphore, #tpu.memory_space<semaphore_mem>>)
        %dma_wait3A = arith.constant 0 : i32
        %dma_wait3A_31 = tpu.memref_slice %arg10[%mul3A_4, %dma_wait3A] : memref<10240x128xf32, #tpu.memory_space<vmem_shared>> -> memref<640x128xf32, #tpu.memory_space<vmem_shared>>
        %dma_wait3A_32 = arith.constant 0 : i32
        %dma_wait3A_33 = tpu.memref_slice %arg4[%mul3A_4, %dma_wait3A_32] : memref<10240x128xf32, #tpu.memory_space<hbm>> -> memref<640x128xf32, #tpu.memory_space<hbm>>
        tpu.wait_dma2 semaphore(%run_scoped3A : memref<!tpu.dma_semaphore, #tpu.memory_space<semaphore_mem>>) src(%dma_wait3A_33 : memref<640x128xf32, #tpu.memory_space<hbm>>) dst(%dma_wait3A_31 : memref<640x128xf32, #tpu.memory_space<vmem_shared>>)
        tpu.yield
      }) : () -> ()
    } else {
    }
    %barrier3A = arith.constant 0 : index
    tpu.barrier barrier_id(%barrier3A)
    %convert_element_type3A_19 = arith.extui %not3A_2 : i1 to i32
    %cond3A_20 = arith.constant 0 : i32
    %cond3A_21 = arith.cmpi ne, %convert_element_type3A_19, %cond3A_20 : i32
    scf.if %cond3A_21 {
      %scan3A = arith.constant 0 : i32
      %scan3A_28 = arith.constant 0 : i32
      %scan3A_29 = arith.constant 20 : i32
      %scan3A_30 = arith.addi %scan3A_28, %scan3A_29 : i32
      %scan3A_31 = arith.constant 1 : i32
      scf.for %scan3A_54 = %scan3A_28 to %scan3A_30 step %scan3A_31  : i32 {
        %mul3A_55 = arith.constant 2 : i32
        %mul3A_56 = arith.muli %mul3A_55, %scan3A_54 : i32
        %add3A_57 = arith.constant 0 : i32
        %add3A_58 = arith.addi %add3A_57, %mul3A_56 : i32
        %add3A_59 = arith.constant 1 : i32
        %add3A_60 = arith.addi %add3A_58, %add3A_59 : i32
        %dma_start3A_61 = arith.constant 0 : i32
        %dma_start3A_62 = tpu.memref_slice %arg6[%add3A_60, %dma_start3A_61] : memref<44x128xi32, #tpu.memory_space<vmem>> -> memref<1x128xi32, #tpu.memory_space<vmem>>
        %dma_start3A_63 = tpu.memref_squeeze %dma_start3A_62 : memref<1x128xi32, #tpu.memory_space<vmem>> -> memref<128xi32, #tpu.memory_space<vmem>>
        %dma_start3A_64 = arith.constant 0 : i32
        %dma_start3A_65 = arith.constant 0 : i32
        %dma_start3A_66 = tpu.memref_slice %arg2[%dma_start3A_64, %dma_start3A_65] : memref<10240x128xf32, #tpu.memory_space<hbm>> -> memref<10240x128xf32, #tpu.memory_space<hbm>>
        tpu.enqueue_indirect_dma source(%dma_start3A_66 : memref<10240x128xf32, #tpu.memory_space<hbm>>) target(%arg9 : memref<128x128xf32, #tpu.memory_space<vmem>>) offsets(%dma_start3A_63 : memref<128xi32, #tpu.memory_space<vmem>>) semaphore(%arg12 : memref<!tpu.dma_semaphore, #tpu.memory_space<semaphore_mem>>)
        %dma_wait3A = arith.constant 0 : i32
        %dma_wait3A_67 = tpu.memref_slice %arg6[%add3A_58, %dma_wait3A] : memref<44x128xi32, #tpu.memory_space<vmem>> -> memref<1x128xi32, #tpu.memory_space<vmem>>
        %dma_wait3A_68 = tpu.memref_squeeze %dma_wait3A_67 : memref<1x128xi32, #tpu.memory_space<vmem>> -> memref<128xi32, #tpu.memory_space<vmem>>
        %dma_wait3A_69 = arith.constant 0 : i32
        %dma_wait3A_70 = arith.constant 0 : i32
        %dma_wait3A_71 = tpu.memref_slice %arg2[%dma_wait3A_69, %dma_wait3A_70] : memref<10240x128xf32, #tpu.memory_space<hbm>> -> memref<10240x128xf32, #tpu.memory_space<hbm>>
        tpu.wait_indirect_dma semaphore(%arg11 : memref<!tpu.dma_semaphore, #tpu.memory_space<semaphore_mem>>) src(%dma_wait3A_71 : memref<10240x128xf32, #tpu.memory_space<hbm>>) dst(%arg8 : memref<128x128xf32, #tpu.memory_space<vmem>>)
        "tpu.region"() ({
          %run_scoped3A_86 = tpu.sem_alloc : memref<!tpu.dma_semaphore, #tpu.memory_space<semaphore_mem>>
          %dma_start3A_87 = arith.constant 0 : i32
          %dma_start3A_88 = tpu.memref_slice %arg7[%add3A_58, %dma_start3A_87] : memref<44x128xi32, #tpu.memory_space<vmem>> -> memref<1x128xi32, #tpu.memory_space<vmem>>
          %dma_start3A_89 = tpu.memref_squeeze %dma_start3A_88 : memref<1x128xi32, #tpu.memory_space<vmem>> -> memref<128xi32, #tpu.memory_space<vmem>>
          %dma_start3A_90 = arith.constant 0 : i32
          %dma_start3A_91 = arith.constant 0 : i32
          %dma_start3A_92 = tpu.memref_slice %arg10[%dma_start3A_90, %dma_start3A_91] : memref<10240x128xf32, #tpu.memory_space<vmem_shared>> -> memref<10240x128xf32, #tpu.memory_space<vmem_shared>>
          tpu.enqueue_indirect_dma source(%arg8 : memref<128x128xf32, #tpu.memory_space<vmem>>) target(%dma_start3A_92 : memref<10240x128xf32, #tpu.memory_space<vmem_shared>>) offsets(%dma_start3A_89 : memref<128xi32, #tpu.memory_space<vmem>>) semaphore(%run_scoped3A_86 : memref<!tpu.dma_semaphore, #tpu.memory_space<semaphore_mem>>) {add = true}
          %dma_wait3A_93 = arith.constant 0 : i32
          %dma_wait3A_94 = tpu.memref_slice %arg7[%add3A_58, %dma_wait3A_93] : memref<44x128xi32, #tpu.memory_space<vmem>> -> memref<1x128xi32, #tpu.memory_space<vmem>>
          %dma_wait3A_95 = tpu.memref_squeeze %dma_wait3A_94 : memref<1x128xi32, #tpu.memory_space<vmem>> -> memref<128xi32, #tpu.memory_space<vmem>>
          %dma_wait3A_96 = arith.constant 0 : i32
          %dma_wait3A_97 = arith.constant 0 : i32
          %dma_wait3A_98 = tpu.memref_slice %arg10[%dma_wait3A_96, %dma_wait3A_97] : memref<10240x128xf32, #tpu.memory_space<vmem_shared>> -> memref<10240x128xf32, #tpu.memory_space<vmem_shared>>
          tpu.wait_indirect_dma semaphore(%run_scoped3A_86 : memref<!tpu.dma_semaphore, #tpu.memory_space<semaphore_mem>>) src(%arg8 : memref<128x128xf32, #tpu.memory_space<vmem>>) dst(%dma_wait3A_98 : memref<10240x128xf32, #tpu.memory_space<vmem_shared>>)
          tpu.yield
        }) : () -> ()
        %lt3A = arith.constant 19 : i32
        %lt3A_72 = arith.cmpi slt, %scan3A_54, %lt3A : i32
        %convert_element_type3A_73 = arith.extui %lt3A_72 : i1 to i32
        %cond3A_74 = arith.constant 0 : i32
        %cond3A_75 = arith.cmpi ne, %convert_element_type3A_73, %cond3A_74 : i32
        scf.if %cond3A_75 {
          %add3A_86 = arith.constant 2 : i32
          %add3A_87 = arith.addi %add3A_58, %add3A_86 : i32
          %dma_start3A_88 = arith.constant 0 : i32
          %dma_start3A_89 = tpu.memref_slice %arg6[%add3A_87, %dma_start3A_88] : memref<44x128xi32, #tpu.memory_space<vmem>> -> memref<1x128xi32, #tpu.memory_space<vmem>>
          %dma_start3A_90 = tpu.memref_squeeze %dma_start3A_89 : memref<1x128xi32, #tpu.memory_space<vmem>> -> memref<128xi32, #tpu.memory_space<vmem>>
          %dma_start3A_91 = arith.constant 0 : i32
          %dma_start3A_92 = arith.constant 0 : i32
          %dma_start3A_93 = tpu.memref_slice %arg2[%dma_start3A_91, %dma_start3A_92] : memref<10240x128xf32, #tpu.memory_space<hbm>> -> memref<10240x128xf32, #tpu.memory_space<hbm>>
          tpu.enqueue_indirect_dma source(%dma_start3A_93 : memref<10240x128xf32, #tpu.memory_space<hbm>>) target(%arg8 : memref<128x128xf32, #tpu.memory_space<vmem>>) offsets(%dma_start3A_90 : memref<128xi32, #tpu.memory_space<vmem>>) semaphore(%arg11 : memref<!tpu.dma_semaphore, #tpu.memory_space<semaphore_mem>>)
        } else {
        }
        %add3A_76 = arith.constant 1 : i32
        %add3A_77 = arith.addi %add3A_58, %add3A_76 : i32
        %dma_wait3A_78 = arith.constant 0 : i32
        %dma_wait3A_79 = tpu.memref_slice %arg6[%add3A_77, %dma_wait3A_78] : memref<44x128xi32, #tpu.memory_space<vmem>> -> memref<1x128xi32, #tpu.memory_space<vmem>>
        %dma_wait3A_80 = tpu.memref_squeeze %dma_wait3A_79 : memref<1x128xi32, #tpu.memory_space<vmem>> -> memref<128xi32, #tpu.memory_space<vmem>>
        %dma_wait3A_81 = arith.constant 0 : i32
        %dma_wait3A_82 = arith.constant 0 : i32
        %dma_wait3A_83 = tpu.memref_slice %arg2[%dma_wait3A_81, %dma_wait3A_82] : memref<10240x128xf32, #tpu.memory_space<hbm>> -> memref<10240x128xf32, #tpu.memory_space<hbm>>
        tpu.wait_indirect_dma semaphore(%arg12 : memref<!tpu.dma_semaphore, #tpu.memory_space<semaphore_mem>>) src(%dma_wait3A_83 : memref<10240x128xf32, #tpu.memory_space<hbm>>) dst(%arg9 : memref<128x128xf32, #tpu.memory_space<vmem>>)
        %add3A_84 = arith.constant 1 : i32
        %add3A_85 = arith.addi %add3A_58, %add3A_84 : i32
        "tpu.region"() ({
          %run_scoped3A_86 = tpu.sem_alloc : memref<!tpu.dma_semaphore, #tpu.memory_space<semaphore_mem>>
          %dma_start3A_87 = arith.constant 0 : i32
          %dma_start3A_88 = tpu.memref_slice %arg7[%add3A_85, %dma_start3A_87] : memref<44x128xi32, #tpu.memory_space<vmem>> -> memref<1x128xi32, #tpu.memory_space<vmem>>
          %dma_start3A_89 = tpu.memref_squeeze %dma_start3A_88 : memref<1x128xi32, #tpu.memory_space<vmem>> -> memref<128xi32, #tpu.memory_space<vmem>>
          %dma_start3A_90 = arith.constant 0 : i32
          %dma_start3A_91 = arith.constant 0 : i32
          %dma_start3A_92 = tpu.memref_slice %arg10[%dma_start3A_90, %dma_start3A_91] : memref<10240x128xf32, #tpu.memory_space<vmem_shared>> -> memref<10240x128xf32, #tpu.memory_space<vmem_shared>>
          tpu.enqueue_indirect_dma source(%arg9 : memref<128x128xf32, #tpu.memory_space<vmem>>) target(%dma_start3A_92 : memref<10240x128xf32, #tpu.memory_space<vmem_shared>>) offsets(%dma_start3A_89 : memref<128xi32, #tpu.memory_space<vmem>>) semaphore(%run_scoped3A_86 : memref<!tpu.dma_semaphore, #tpu.memory_space<semaphore_mem>>) {add = true}
          %dma_wait3A_93 = arith.constant 0 : i32
          %dma_wait3A_94 = tpu.memref_slice %arg7[%add3A_85, %dma_wait3A_93] : memref<44x128xi32, #tpu.memory_space<vmem>> -> memref<1x128xi32, #tpu.memory_space<vmem>>
          %dma_wait3A_95 = tpu.memref_squeeze %dma_wait3A_94 : memref<1x128xi32, #tpu.memory_space<vmem>> -> memref<128xi32, #tpu.memory_space<vmem>>
          %dma_wait3A_96 = arith.constant 0 : i32
          %dma_wait3A_97 = arith.constant 0 : i32
          %dma_wait3A_98 = tpu.memref_slice %arg10[%dma_wait3A_96, %dma_wait3A_97] : memref<10240x128xf32, #tpu.memory_space<vmem_shared>> -> memref<10240x128xf32, #tpu.memory_space<vmem_shared>>
          tpu.wait_indirect_dma semaphore(%run_scoped3A_86 : memref<!tpu.dma_semaphore, #tpu.memory_space<semaphore_mem>>) src(%arg9 : memref<128x128xf32, #tpu.memory_space<vmem>>) dst(%dma_wait3A_98 : memref<10240x128xf32, #tpu.memory_space<vmem_shared>>)
          tpu.yield
        }) : () -> ()
      }
      %scan3A_32 = arith.constant 20 : i32
      %mul3A_33 = arith.constant 80 : i32
      %mul3A_34 = arith.muli %add3A, %mul3A_33 : i32
      %add3A_35 = arith.constant 40 : i32
      %add3A_36 = arith.addi %mul3A_34, %add3A_35 : i32
      %run_scoped3A = arith.constant 0 : i32
      "tpu.region"() ({
        %run_scoped3A_54 = tpu.sem_alloc : memref<!tpu.dma_semaphore, #tpu.memory_space<semaphore_mem>>
        %dma_start3A_55 = arith.constant 0 : i32
        %dma_start3A_56 = arith.constant 0 : i32
        %dma_start3A_57 = tpu.memref_slice %arg6[%dma_start3A_55, %dma_start3A_56] : memref<44x128xi32, #tpu.memory_space<vmem>> -> memref<40x128xi32, #tpu.memory_space<vmem>>
        %dma_start3A_58 = arith.constant 0 : i32
        %dma_start3A_59 = tpu.memref_slice %arg3[%run_scoped3A, %add3A_36, %dma_start3A_58] : memref<2x2500x128xi32, #tpu.memory_space<hbm>> -> memref<1x40x128xi32, #tpu.memory_space<hbm>>
        %dma_start3A_60 = tpu.memref_squeeze %dma_start3A_59 : memref<1x40x128xi32, #tpu.memory_space<hbm>> -> memref<40x128xi32, #tpu.memory_space<hbm>>
        %dma_start3A_61 = arith.constant 0 : i32
        %dma_start3A_62 = arith.constant 0 : i32
        %dma_start3A_63 = tpu.memref_slice %arg6[%dma_start3A_61, %dma_start3A_62] : memref<44x128xi32, #tpu.memory_space<vmem>> -> memref<40x128xi32, #tpu.memory_space<vmem>>
        %dma_start3A_64 = arith.constant 0 : i32
        %dma_start3A_65 = tpu.memref_slice %arg3[%run_scoped3A, %add3A_36, %dma_start3A_64] : memref<2x2500x128xi32, #tpu.memory_space<hbm>> -> memref<1x40x128xi32, #tpu.memory_space<hbm>>
        %dma_start3A_66 = tpu.memref_squeeze %dma_start3A_65 : memref<1x40x128xi32, #tpu.memory_space<hbm>> -> memref<40x128xi32, #tpu.memory_space<hbm>>
        tpu.enqueue_dma source(%dma_start3A_66 : memref<40x128xi32, #tpu.memory_space<hbm>>) target(%dma_start3A_63 : memref<40x128xi32, #tpu.memory_space<vmem>>) target_semaphore(%run_scoped3A_54 : memref<!tpu.dma_semaphore, #tpu.memory_space<semaphore_mem>>)
        %dma_wait3A = arith.constant 0 : i32
        %dma_wait3A_67 = arith.constant 0 : i32
        %dma_wait3A_68 = tpu.memref_slice %arg6[%dma_wait3A, %dma_wait3A_67] : memref<44x128xi32, #tpu.memory_space<vmem>> -> memref<40x128xi32, #tpu.memory_space<vmem>>
        %dma_wait3A_69 = arith.constant 0 : i32
        %dma_wait3A_70 = tpu.memref_slice %arg3[%run_scoped3A, %add3A_36, %dma_wait3A_69] : memref<2x2500x128xi32, #tpu.memory_space<hbm>> -> memref<1x40x128xi32, #tpu.memory_space<hbm>>
        %dma_wait3A_71 = tpu.memref_squeeze %dma_wait3A_70 : memref<1x40x128xi32, #tpu.memory_space<hbm>> -> memref<40x128xi32, #tpu.memory_space<hbm>>
        %dma_wait3A_72 = arith.constant 0 : i32
        %dma_wait3A_73 = arith.constant 0 : i32
        %dma_wait3A_74 = tpu.memref_slice %arg6[%dma_wait3A_72, %dma_wait3A_73] : memref<44x128xi32, #tpu.memory_space<vmem>> -> memref<40x128xi32, #tpu.memory_space<vmem>>
        %dma_wait3A_75 = arith.constant 0 : i32
        %dma_wait3A_76 = tpu.memref_slice %arg3[%run_scoped3A, %add3A_36, %dma_wait3A_75] : memref<2x2500x128xi32, #tpu.memory_space<hbm>> -> memref<1x40x128xi32, #tpu.memory_space<hbm>>
        %dma_wait3A_77 = tpu.memref_squeeze %dma_wait3A_76 : memref<1x40x128xi32, #tpu.memory_space<hbm>> -> memref<40x128xi32, #tpu.memory_space<hbm>>
        tpu.wait_dma2 semaphore(%run_scoped3A_54 : memref<!tpu.dma_semaphore, #tpu.memory_space<semaphore_mem>>) src(%dma_wait3A_77 : memref<40x128xi32, #tpu.memory_space<hbm>>) dst(%dma_wait3A_74 : memref<40x128xi32, #tpu.memory_space<vmem>>)
        tpu.yield
      }) : () -> ()
      %mul3A_37 = arith.constant 80 : i32
      %mul3A_38 = arith.muli %add3A, %mul3A_37 : i32
      %add3A_39 = arith.constant 40 : i32
      %add3A_40 = arith.addi %mul3A_38, %add3A_39 : i32
      %run_scoped3A_41 = arith.constant 1 : i32
      "tpu.region"() ({
        %run_scoped3A_54 = tpu.sem_alloc : memref<!tpu.dma_semaphore, #tpu.memory_space<semaphore_mem>>
        %dma_start3A_55 = arith.constant 0 : i32
        %dma_start3A_56 = arith.constant 0 : i32
        %dma_start3A_57 = tpu.memref_slice %arg7[%dma_start3A_55, %dma_start3A_56] : memref<44x128xi32, #tpu.memory_space<vmem>> -> memref<40x128xi32, #tpu.memory_space<vmem>>
        %dma_start3A_58 = arith.constant 0 : i32
        %dma_start3A_59 = tpu.memref_slice %arg3[%run_scoped3A_41, %add3A_40, %dma_start3A_58] : memref<2x2500x128xi32, #tpu.memory_space<hbm>> -> memref<1x40x128xi32, #tpu.memory_space<hbm>>
        %dma_start3A_60 = tpu.memref_squeeze %dma_start3A_59 : memref<1x40x128xi32, #tpu.memory_space<hbm>> -> memref<40x128xi32, #tpu.memory_space<hbm>>
        %dma_start3A_61 = arith.constant 0 : i32
        %dma_start3A_62 = arith.constant 0 : i32
        %dma_start3A_63 = tpu.memref_slice %arg7[%dma_start3A_61, %dma_start3A_62] : memref<44x128xi32, #tpu.memory_space<vmem>> -> memref<40x128xi32, #tpu.memory_space<vmem>>
        %dma_start3A_64 = arith.constant 0 : i32
        %dma_start3A_65 = tpu.memref_slice %arg3[%run_scoped3A_41, %add3A_40, %dma_start3A_64] : memref<2x2500x128xi32, #tpu.memory_space<hbm>> -> memref<1x40x128xi32, #tpu.memory_space<hbm>>
        %dma_start3A_66 = tpu.memref_squeeze %dma_start3A_65 : memref<1x40x128xi32, #tpu.memory_space<hbm>> -> memref<40x128xi32, #tpu.memory_space<hbm>>
        tpu.enqueue_dma source(%dma_start3A_66 : memref<40x128xi32, #tpu.memory_space<hbm>>) target(%dma_start3A_63 : memref<40x128xi32, #tpu.memory_space<vmem>>) target_semaphore(%run_scoped3A_54 : memref<!tpu.dma_semaphore, #tpu.memory_space<semaphore_mem>>)
        %dma_wait3A = arith.constant 0 : i32
        %dma_wait3A_67 = arith.constant 0 : i32
        %dma_wait3A_68 = tpu.memref_slice %arg7[%dma_wait3A, %dma_wait3A_67] : memref<44x128xi32, #tpu.memory_space<vmem>> -> memref<40x128xi32, #tpu.memory_space<vmem>>
        %dma_wait3A_69 = arith.constant 0 : i32
        %dma_wait3A_70 = tpu.memref_slice %arg3[%run_scoped3A_41, %add3A_40, %dma_wait3A_69] : memref<2x2500x128xi32, #tpu.memory_space<hbm>> -> memref<1x40x128xi32, #tpu.memory_space<hbm>>
        %dma_wait3A_71 = tpu.memref_squeeze %dma_wait3A_70 : memref<1x40x128xi32, #tpu.memory_space<hbm>> -> memref<40x128xi32, #tpu.memory_space<hbm>>
        %dma_wait3A_72 = arith.constant 0 : i32
        %dma_wait3A_73 = arith.constant 0 : i32
        %dma_wait3A_74 = tpu.memref_slice %arg7[%dma_wait3A_72, %dma_wait3A_73] : memref<44x128xi32, #tpu.memory_space<vmem>> -> memref<40x128xi32, #tpu.memory_space<vmem>>
        %dma_wait3A_75 = arith.constant 0 : i32
        %dma_wait3A_76 = tpu.memref_slice %arg3[%run_scoped3A_41, %add3A_40, %dma_wait3A_75] : memref<2x2500x128xi32, #tpu.memory_space<hbm>> -> memref<1x40x128xi32, #tpu.memory_space<hbm>>
        %dma_wait3A_77 = tpu.memref_squeeze %dma_wait3A_76 : memref<1x40x128xi32, #tpu.memory_space<hbm>> -> memref<40x128xi32, #tpu.memory_space<hbm>>
        tpu.wait_dma2 semaphore(%run_scoped3A_54 : memref<!tpu.dma_semaphore, #tpu.memory_space<semaphore_mem>>) src(%dma_wait3A_77 : memref<40x128xi32, #tpu.memory_space<hbm>>) dst(%dma_wait3A_74 : memref<40x128xi32, #tpu.memory_space<vmem>>)
        tpu.yield
      }) : () -> ()
      %dma_start3A = arith.constant 0 : i32
      %dma_start3A_42 = arith.constant 0 : i32
      %dma_start3A_43 = tpu.memref_slice %arg6[%dma_start3A, %dma_start3A_42] : memref<44x128xi32, #tpu.memory_space<vmem>> -> memref<1x128xi32, #tpu.memory_space<vmem>>
      %dma_start3A_44 = tpu.memref_squeeze %dma_start3A_43 : memref<1x128xi32, #tpu.memory_space<vmem>> -> memref<128xi32, #tpu.memory_space<vmem>>
      %dma_start3A_45 = arith.constant 0 : i32
      %dma_start3A_46 = arith.constant 0 : i32
      %dma_start3A_47 = tpu.memref_slice %arg2[%dma_start3A_45, %dma_start3A_46] : memref<10240x128xf32, #tpu.memory_space<hbm>> -> memref<10240x128xf32, #tpu.memory_space<hbm>>
      tpu.enqueue_indirect_dma source(%dma_start3A_47 : memref<10240x128xf32, #tpu.memory_space<hbm>>) target(%arg8 : memref<128x128xf32, #tpu.memory_space<vmem>>) offsets(%dma_start3A_44 : memref<128xi32, #tpu.memory_space<vmem>>) semaphore(%arg11 : memref<!tpu.dma_semaphore, #tpu.memory_space<semaphore_mem>>)
      %scan3A_48 = arith.constant 0 : i32
      %scan3A_49 = arith.constant 0 : i32
      %scan3A_50 = arith.constant 20 : i32
      %scan3A_51 = arith.addi %scan3A_49, %scan3A_50 : i32
      %scan3A_52 = arith.constant 1 : i32
      scf.for %scan3A_54 = %scan3A_49 to %scan3A_51 step %scan3A_52  : i32 {
        %mul3A_55 = arith.constant 2 : i32
        %mul3A_56 = arith.muli %mul3A_55, %scan3A_54 : i32
        %add3A_57 = arith.constant 0 : i32
        %add3A_58 = arith.addi %add3A_57, %mul3A_56 : i32
        %add3A_59 = arith.constant 1 : i32
        %add3A_60 = arith.addi %add3A_58, %add3A_59 : i32
        %dma_start3A_61 = arith.constant 0 : i32
        %dma_start3A_62 = tpu.memref_slice %arg6[%add3A_60, %dma_start3A_61] : memref<44x128xi32, #tpu.memory_space<vmem>> -> memref<1x128xi32, #tpu.memory_space<vmem>>
        %dma_start3A_63 = tpu.memref_squeeze %dma_start3A_62 : memref<1x128xi32, #tpu.memory_space<vmem>> -> memref<128xi32, #tpu.memory_space<vmem>>
        %dma_start3A_64 = arith.constant 0 : i32
        %dma_start3A_65 = arith.constant 0 : i32
        %dma_start3A_66 = tpu.memref_slice %arg2[%dma_start3A_64, %dma_start3A_65] : memref<10240x128xf32, #tpu.memory_space<hbm>> -> memref<10240x128xf32, #tpu.memory_space<hbm>>
        tpu.enqueue_indirect_dma source(%dma_start3A_66 : memref<10240x128xf32, #tpu.memory_space<hbm>>) target(%arg9 : memref<128x128xf32, #tpu.memory_space<vmem>>) offsets(%dma_start3A_63 : memref<128xi32, #tpu.memory_space<vmem>>) semaphore(%arg12 : memref<!tpu.dma_semaphore, #tpu.memory_space<semaphore_mem>>)
        %dma_wait3A = arith.constant 0 : i32
        %dma_wait3A_67 = tpu.memref_slice %arg6[%add3A_58, %dma_wait3A] : memref<44x128xi32, #tpu.memory_space<vmem>> -> memref<1x128xi32, #tpu.memory_space<vmem>>
        %dma_wait3A_68 = tpu.memref_squeeze %dma_wait3A_67 : memref<1x128xi32, #tpu.memory_space<vmem>> -> memref<128xi32, #tpu.memory_space<vmem>>
        %dma_wait3A_69 = arith.constant 0 : i32
        %dma_wait3A_70 = arith.constant 0 : i32
        %dma_wait3A_71 = tpu.memref_slice %arg2[%dma_wait3A_69, %dma_wait3A_70] : memref<10240x128xf32, #tpu.memory_space<hbm>> -> memref<10240x128xf32, #tpu.memory_space<hbm>>
        tpu.wait_indirect_dma semaphore(%arg11 : memref<!tpu.dma_semaphore, #tpu.memory_space<semaphore_mem>>) src(%dma_wait3A_71 : memref<10240x128xf32, #tpu.memory_space<hbm>>) dst(%arg8 : memref<128x128xf32, #tpu.memory_space<vmem>>)
        "tpu.region"() ({
          %run_scoped3A_86 = tpu.sem_alloc : memref<!tpu.dma_semaphore, #tpu.memory_space<semaphore_mem>>
          %dma_start3A_87 = arith.constant 0 : i32
          %dma_start3A_88 = tpu.memref_slice %arg7[%add3A_58, %dma_start3A_87] : memref<44x128xi32, #tpu.memory_space<vmem>> -> memref<1x128xi32, #tpu.memory_space<vmem>>
          %dma_start3A_89 = tpu.memref_squeeze %dma_start3A_88 : memref<1x128xi32, #tpu.memory_space<vmem>> -> memref<128xi32, #tpu.memory_space<vmem>>
          %dma_start3A_90 = arith.constant 0 : i32
          %dma_start3A_91 = arith.constant 0 : i32
          %dma_start3A_92 = tpu.memref_slice %arg10[%dma_start3A_90, %dma_start3A_91] : memref<10240x128xf32, #tpu.memory_space<vmem_shared>> -> memref<10240x128xf32, #tpu.memory_space<vmem_shared>>
          tpu.enqueue_indirect_dma source(%arg8 : memref<128x128xf32, #tpu.memory_space<vmem>>) target(%dma_start3A_92 : memref<10240x128xf32, #tpu.memory_space<vmem_shared>>) offsets(%dma_start3A_89 : memref<128xi32, #tpu.memory_space<vmem>>) semaphore(%run_scoped3A_86 : memref<!tpu.dma_semaphore, #tpu.memory_space<semaphore_mem>>) {add = true}
          %dma_wait3A_93 = arith.constant 0 : i32
          %dma_wait3A_94 = tpu.memref_slice %arg7[%add3A_58, %dma_wait3A_93] : memref<44x128xi32, #tpu.memory_space<vmem>> -> memref<1x128xi32, #tpu.memory_space<vmem>>
          %dma_wait3A_95 = tpu.memref_squeeze %dma_wait3A_94 : memref<1x128xi32, #tpu.memory_space<vmem>> -> memref<128xi32, #tpu.memory_space<vmem>>
          %dma_wait3A_96 = arith.constant 0 : i32
          %dma_wait3A_97 = arith.constant 0 : i32
          %dma_wait3A_98 = tpu.memref_slice %arg10[%dma_wait3A_96, %dma_wait3A_97] : memref<10240x128xf32, #tpu.memory_space<vmem_shared>> -> memref<10240x128xf32, #tpu.memory_space<vmem_shared>>
          tpu.wait_indirect_dma semaphore(%run_scoped3A_86 : memref<!tpu.dma_semaphore, #tpu.memory_space<semaphore_mem>>) src(%arg8 : memref<128x128xf32, #tpu.memory_space<vmem>>) dst(%dma_wait3A_98 : memref<10240x128xf32, #tpu.memory_space<vmem_shared>>)
          tpu.yield
        }) : () -> ()
        %lt3A = arith.constant 19 : i32
        %lt3A_72 = arith.cmpi slt, %scan3A_54, %lt3A : i32
        %convert_element_type3A_73 = arith.extui %lt3A_72 : i1 to i32
        %cond3A_74 = arith.constant 0 : i32
        %cond3A_75 = arith.cmpi ne, %convert_element_type3A_73, %cond3A_74 : i32
        scf.if %cond3A_75 {
          %add3A_86 = arith.constant 2 : i32
          %add3A_87 = arith.addi %add3A_58, %add3A_86 : i32
          %dma_start3A_88 = arith.constant 0 : i32
          %dma_start3A_89 = tpu.memref_slice %arg6[%add3A_87, %dma_start3A_88] : memref<44x128xi32, #tpu.memory_space<vmem>> -> memref<1x128xi32, #tpu.memory_space<vmem>>
          %dma_start3A_90 = tpu.memref_squeeze %dma_start3A_89 : memref<1x128xi32, #tpu.memory_space<vmem>> -> memref<128xi32, #tpu.memory_space<vmem>>
          %dma_start3A_91 = arith.constant 0 : i32
          %dma_start3A_92 = arith.constant 0 : i32
          %dma_start3A_93 = tpu.memref_slice %arg2[%dma_start3A_91, %dma_start3A_92] : memref<10240x128xf32, #tpu.memory_space<hbm>> -> memref<10240x128xf32, #tpu.memory_space<hbm>>
          tpu.enqueue_indirect_dma source(%dma_start3A_93 : memref<10240x128xf32, #tpu.memory_space<hbm>>) target(%arg8 : memref<128x128xf32, #tpu.memory_space<vmem>>) offsets(%dma_start3A_90 : memref<128xi32, #tpu.memory_space<vmem>>) semaphore(%arg11 : memref<!tpu.dma_semaphore, #tpu.memory_space<semaphore_mem>>)
        } else {
        }
        %add3A_76 = arith.constant 1 : i32
        %add3A_77 = arith.addi %add3A_58, %add3A_76 : i32
        %dma_wait3A_78 = arith.constant 0 : i32
        %dma_wait3A_79 = tpu.memref_slice %arg6[%add3A_77, %dma_wait3A_78] : memref<44x128xi32, #tpu.memory_space<vmem>> -> memref<1x128xi32, #tpu.memory_space<vmem>>
        %dma_wait3A_80 = tpu.memref_squeeze %dma_wait3A_79 : memref<1x128xi32, #tpu.memory_space<vmem>> -> memref<128xi32, #tpu.memory_space<vmem>>
        %dma_wait3A_81 = arith.constant 0 : i32
        %dma_wait3A_82 = arith.constant 0 : i32
        %dma_wait3A_83 = tpu.memref_slice %arg2[%dma_wait3A_81, %dma_wait3A_82] : memref<10240x128xf32, #tpu.memory_space<hbm>> -> memref<10240x128xf32, #tpu.memory_space<hbm>>
        tpu.wait_indirect_dma semaphore(%arg12 : memref<!tpu.dma_semaphore, #tpu.memory_space<semaphore_mem>>) src(%dma_wait3A_83 : memref<10240x128xf32, #tpu.memory_space<hbm>>) dst(%arg9 : memref<128x128xf32, #tpu.memory_space<vmem>>)
        %add3A_84 = arith.constant 1 : i32
        %add3A_85 = arith.addi %add3A_58, %add3A_84 : i32
        "tpu.region"() ({
          %run_scoped3A_86 = tpu.sem_alloc : memref<!tpu.dma_semaphore, #tpu.memory_space<semaphore_mem>>
          %dma_start3A_87 = arith.constant 0 : i32
          %dma_start3A_88 = tpu.memref_slice %arg7[%add3A_85, %dma_start3A_87] : memref<44x128xi32, #tpu.memory_space<vmem>> -> memref<1x128xi32, #tpu.memory_space<vmem>>
          %dma_start3A_89 = tpu.memref_squeeze %dma_start3A_88 : memref<1x128xi32, #tpu.memory_space<vmem>> -> memref<128xi32, #tpu.memory_space<vmem>>
          %dma_start3A_90 = arith.constant 0 : i32
          %dma_start3A_91 = arith.constant 0 : i32
          %dma_start3A_92 = tpu.memref_slice %arg10[%dma_start3A_90, %dma_start3A_91] : memref<10240x128xf32, #tpu.memory_space<vmem_shared>> -> memref<10240x128xf32, #tpu.memory_space<vmem_shared>>
          tpu.enqueue_indirect_dma source(%arg9 : memref<128x128xf32, #tpu.memory_space<vmem>>) target(%dma_start3A_92 : memref<10240x128xf32, #tpu.memory_space<vmem_shared>>) offsets(%dma_start3A_89 : memref<128xi32, #tpu.memory_space<vmem>>) semaphore(%run_scoped3A_86 : memref<!tpu.dma_semaphore, #tpu.memory_space<semaphore_mem>>) {add = true}
          %dma_wait3A_93 = arith.constant 0 : i32
          %dma_wait3A_94 = tpu.memref_slice %arg7[%add3A_85, %dma_wait3A_93] : memref<44x128xi32, #tpu.memory_space<vmem>> -> memref<1x128xi32, #tpu.memory_space<vmem>>
          %dma_wait3A_95 = tpu.memref_squeeze %dma_wait3A_94 : memref<1x128xi32, #tpu.memory_space<vmem>> -> memref<128xi32, #tpu.memory_space<vmem>>
          %dma_wait3A_96 = arith.constant 0 : i32
          %dma_wait3A_97 = arith.constant 0 : i32
          %dma_wait3A_98 = tpu.memref_slice %arg10[%dma_wait3A_96, %dma_wait3A_97] : memref<10240x128xf32, #tpu.memory_space<vmem_shared>> -> memref<10240x128xf32, #tpu.memory_space<vmem_shared>>
          tpu.wait_indirect_dma semaphore(%run_scoped3A_86 : memref<!tpu.dma_semaphore, #tpu.memory_space<semaphore_mem>>) src(%arg9 : memref<128x128xf32, #tpu.memory_space<vmem>>) dst(%dma_wait3A_98 : memref<10240x128xf32, #tpu.memory_space<vmem_shared>>)
          tpu.yield
        }) : () -> ()
      }
      %scan3A_53 = arith.constant 20 : i32
    } else {
    }
    %convert_element_type3A_22 = arith.extui %eq3A_1 : i1 to i32
    %cond3A_23 = arith.constant 0 : i32
    %cond3A_24 = arith.cmpi ne, %convert_element_type3A_22, %cond3A_23 : i32
    scf.if %cond3A_24 {
      %scan3A = arith.constant 0 : i32
      %scan3A_28 = arith.constant 0 : i32
      %scan3A_29 = arith.constant 10 : i32
      %scan3A_30 = arith.addi %scan3A_28, %scan3A_29 : i32
      %scan3A_31 = arith.constant 1 : i32
      scf.for %scan3A_33 = %scan3A_28 to %scan3A_30 step %scan3A_31  : i32 {
        %mul3A_34 = arith.constant 2 : i32
        %mul3A_35 = arith.muli %mul3A_34, %scan3A_33 : i32
        %add3A_36 = arith.constant 24 : i32
        %add3A_37 = arith.addi %add3A_36, %mul3A_35 : i32
        %add3A_38 = arith.constant 1 : i32
        %add3A_39 = arith.addi %add3A_37, %add3A_38 : i32
        %dma_start3A = arith.constant 0 : i32
        %dma_start3A_40 = tpu.memref_slice %arg6[%add3A_39, %dma_start3A] : memref<44x128xi32, #tpu.memory_space<vmem>> -> memref<1x128xi32, #tpu.memory_space<vmem>>
        %dma_start3A_41 = tpu.memref_squeeze %dma_start3A_40 : memref<1x128xi32, #tpu.memory_space<vmem>> -> memref<128xi32, #tpu.memory_space<vmem>>
        %dma_start3A_42 = arith.constant 0 : i32
        %dma_start3A_43 = arith.constant 0 : i32
        %dma_start3A_44 = tpu.memref_slice %arg2[%dma_start3A_42, %dma_start3A_43] : memref<10240x128xf32, #tpu.memory_space<hbm>> -> memref<10240x128xf32, #tpu.memory_space<hbm>>
        tpu.enqueue_indirect_dma source(%dma_start3A_44 : memref<10240x128xf32, #tpu.memory_space<hbm>>) target(%arg9 : memref<128x128xf32, #tpu.memory_space<vmem>>) offsets(%dma_start3A_41 : memref<128xi32, #tpu.memory_space<vmem>>) semaphore(%arg12 : memref<!tpu.dma_semaphore, #tpu.memory_space<semaphore_mem>>)
        %dma_wait3A = arith.constant 0 : i32
        %dma_wait3A_45 = tpu.memref_slice %arg6[%add3A_37, %dma_wait3A] : memref<44x128xi32, #tpu.memory_space<vmem>> -> memref<1x128xi32, #tpu.memory_space<vmem>>
        %dma_wait3A_46 = tpu.memref_squeeze %dma_wait3A_45 : memref<1x128xi32, #tpu.memory_space<vmem>> -> memref<128xi32, #tpu.memory_space<vmem>>
        %dma_wait3A_47 = arith.constant 0 : i32
        %dma_wait3A_48 = arith.constant 0 : i32
        %dma_wait3A_49 = tpu.memref_slice %arg2[%dma_wait3A_47, %dma_wait3A_48] : memref<10240x128xf32, #tpu.memory_space<hbm>> -> memref<10240x128xf32, #tpu.memory_space<hbm>>
        tpu.wait_indirect_dma semaphore(%arg11 : memref<!tpu.dma_semaphore, #tpu.memory_space<semaphore_mem>>) src(%dma_wait3A_49 : memref<10240x128xf32, #tpu.memory_space<hbm>>) dst(%arg8 : memref<128x128xf32, #tpu.memory_space<vmem>>)
        "tpu.region"() ({
          %run_scoped3A = tpu.sem_alloc : memref<!tpu.dma_semaphore, #tpu.memory_space<semaphore_mem>>
          %dma_start3A_64 = arith.constant 0 : i32
          %dma_start3A_65 = tpu.memref_slice %arg7[%add3A_37, %dma_start3A_64] : memref<44x128xi32, #tpu.memory_space<vmem>> -> memref<1x128xi32, #tpu.memory_space<vmem>>
          %dma_start3A_66 = tpu.memref_squeeze %dma_start3A_65 : memref<1x128xi32, #tpu.memory_space<vmem>> -> memref<128xi32, #tpu.memory_space<vmem>>
          %dma_start3A_67 = arith.constant 0 : i32
          %dma_start3A_68 = arith.constant 0 : i32
          %dma_start3A_69 = tpu.memref_slice %arg10[%dma_start3A_67, %dma_start3A_68] : memref<10240x128xf32, #tpu.memory_space<vmem_shared>> -> memref<10240x128xf32, #tpu.memory_space<vmem_shared>>
          tpu.enqueue_indirect_dma source(%arg8 : memref<128x128xf32, #tpu.memory_space<vmem>>) target(%dma_start3A_69 : memref<10240x128xf32, #tpu.memory_space<vmem_shared>>) offsets(%dma_start3A_66 : memref<128xi32, #tpu.memory_space<vmem>>) semaphore(%run_scoped3A : memref<!tpu.dma_semaphore, #tpu.memory_space<semaphore_mem>>) {add = true}
          %dma_wait3A_70 = arith.constant 0 : i32
          %dma_wait3A_71 = tpu.memref_slice %arg7[%add3A_37, %dma_wait3A_70] : memref<44x128xi32, #tpu.memory_space<vmem>> -> memref<1x128xi32, #tpu.memory_space<vmem>>
          %dma_wait3A_72 = tpu.memref_squeeze %dma_wait3A_71 : memref<1x128xi32, #tpu.memory_space<vmem>> -> memref<128xi32, #tpu.memory_space<vmem>>
          %dma_wait3A_73 = arith.constant 0 : i32
          %dma_wait3A_74 = arith.constant 0 : i32
          %dma_wait3A_75 = tpu.memref_slice %arg10[%dma_wait3A_73, %dma_wait3A_74] : memref<10240x128xf32, #tpu.memory_space<vmem_shared>> -> memref<10240x128xf32, #tpu.memory_space<vmem_shared>>
          tpu.wait_indirect_dma semaphore(%run_scoped3A : memref<!tpu.dma_semaphore, #tpu.memory_space<semaphore_mem>>) src(%arg8 : memref<128x128xf32, #tpu.memory_space<vmem>>) dst(%dma_wait3A_75 : memref<10240x128xf32, #tpu.memory_space<vmem_shared>>)
          tpu.yield
        }) : () -> ()
        %lt3A = arith.constant 9 : i32
        %lt3A_50 = arith.cmpi slt, %scan3A_33, %lt3A : i32
        %convert_element_type3A_51 = arith.extui %lt3A_50 : i1 to i32
        %cond3A_52 = arith.constant 0 : i32
        %cond3A_53 = arith.cmpi ne, %convert_element_type3A_51, %cond3A_52 : i32
        scf.if %cond3A_53 {
          %add3A_64 = arith.constant 2 : i32
          %add3A_65 = arith.addi %add3A_37, %add3A_64 : i32
          %dma_start3A_66 = arith.constant 0 : i32
          %dma_start3A_67 = tpu.memref_slice %arg6[%add3A_65, %dma_start3A_66] : memref<44x128xi32, #tpu.memory_space<vmem>> -> memref<1x128xi32, #tpu.memory_space<vmem>>
          %dma_start3A_68 = tpu.memref_squeeze %dma_start3A_67 : memref<1x128xi32, #tpu.memory_space<vmem>> -> memref<128xi32, #tpu.memory_space<vmem>>
          %dma_start3A_69 = arith.constant 0 : i32
          %dma_start3A_70 = arith.constant 0 : i32
          %dma_start3A_71 = tpu.memref_slice %arg2[%dma_start3A_69, %dma_start3A_70] : memref<10240x128xf32, #tpu.memory_space<hbm>> -> memref<10240x128xf32, #tpu.memory_space<hbm>>
          tpu.enqueue_indirect_dma source(%dma_start3A_71 : memref<10240x128xf32, #tpu.memory_space<hbm>>) target(%arg8 : memref<128x128xf32, #tpu.memory_space<vmem>>) offsets(%dma_start3A_68 : memref<128xi32, #tpu.memory_space<vmem>>) semaphore(%arg11 : memref<!tpu.dma_semaphore, #tpu.memory_space<semaphore_mem>>)
        } else {
        }
        %add3A_54 = arith.constant 1 : i32
        %add3A_55 = arith.addi %add3A_37, %add3A_54 : i32
        %dma_wait3A_56 = arith.constant 0 : i32
        %dma_wait3A_57 = tpu.memref_slice %arg6[%add3A_55, %dma_wait3A_56] : memref<44x128xi32, #tpu.memory_space<vmem>> -> memref<1x128xi32, #tpu.memory_space<vmem>>
        %dma_wait3A_58 = tpu.memref_squeeze %dma_wait3A_57 : memref<1x128xi32, #tpu.memory_space<vmem>> -> memref<128xi32, #tpu.memory_space<vmem>>
        %dma_wait3A_59 = arith.constant 0 : i32
        %dma_wait3A_60 = arith.constant 0 : i32
        %dma_wait3A_61 = tpu.memref_slice %arg2[%dma_wait3A_59, %dma_wait3A_60] : memref<10240x128xf32, #tpu.memory_space<hbm>> -> memref<10240x128xf32, #tpu.memory_space<hbm>>
        tpu.wait_indirect_dma semaphore(%arg12 : memref<!tpu.dma_semaphore, #tpu.memory_space<semaphore_mem>>) src(%dma_wait3A_61 : memref<10240x128xf32, #tpu.memory_space<hbm>>) dst(%arg9 : memref<128x128xf32, #tpu.memory_space<vmem>>)
        %add3A_62 = arith.constant 1 : i32
        %add3A_63 = arith.addi %add3A_37, %add3A_62 : i32
        "tpu.region"() ({
          %run_scoped3A = tpu.sem_alloc : memref<!tpu.dma_semaphore, #tpu.memory_space<semaphore_mem>>
          %dma_start3A_64 = arith.constant 0 : i32
          %dma_start3A_65 = tpu.memref_slice %arg7[%add3A_63, %dma_start3A_64] : memref<44x128xi32, #tpu.memory_space<vmem>> -> memref<1x128xi32, #tpu.memory_space<vmem>>
          %dma_start3A_66 = tpu.memref_squeeze %dma_start3A_65 : memref<1x128xi32, #tpu.memory_space<vmem>> -> memref<128xi32, #tpu.memory_space<vmem>>
          %dma_start3A_67 = arith.constant 0 : i32
          %dma_start3A_68 = arith.constant 0 : i32
          %dma_start3A_69 = tpu.memref_slice %arg10[%dma_start3A_67, %dma_start3A_68] : memref<10240x128xf32, #tpu.memory_space<vmem_shared>> -> memref<10240x128xf32, #tpu.memory_space<vmem_shared>>
          tpu.enqueue_indirect_dma source(%arg9 : memref<128x128xf32, #tpu.memory_space<vmem>>) target(%dma_start3A_69 : memref<10240x128xf32, #tpu.memory_space<vmem_shared>>) offsets(%dma_start3A_66 : memref<128xi32, #tpu.memory_space<vmem>>) semaphore(%run_scoped3A : memref<!tpu.dma_semaphore, #tpu.memory_space<semaphore_mem>>) {add = true}
          %dma_wait3A_70 = arith.constant 0 : i32
          %dma_wait3A_71 = tpu.memref_slice %arg7[%add3A_63, %dma_wait3A_70] : memref<44x128xi32, #tpu.memory_space<vmem>> -> memref<1x128xi32, #tpu.memory_space<vmem>>
          %dma_wait3A_72 = tpu.memref_squeeze %dma_wait3A_71 : memref<1x128xi32, #tpu.memory_space<vmem>> -> memref<128xi32, #tpu.memory_space<vmem>>
          %dma_wait3A_73 = arith.constant 0 : i32
          %dma_wait3A_74 = arith.constant 0 : i32
          %dma_wait3A_75 = tpu.memref_slice %arg10[%dma_wait3A_73, %dma_wait3A_74] : memref<10240x128xf32, #tpu.memory_space<vmem_shared>> -> memref<10240x128xf32, #tpu.memory_space<vmem_shared>>
          tpu.wait_indirect_dma semaphore(%run_scoped3A : memref<!tpu.dma_semaphore, #tpu.memory_space<semaphore_mem>>) src(%arg9 : memref<128x128xf32, #tpu.memory_space<vmem>>) dst(%dma_wait3A_75 : memref<10240x128xf32, #tpu.memory_space<vmem_shared>>)
          tpu.yield
        }) : () -> ()
      }
      %scan3A_32 = arith.constant 10 : i32
    } else {
    }
    %barrier3A_25 = arith.constant 0 : index
    tpu.barrier barrier_id(%barrier3A_25)
    %mul3A_26 = arith.constant 128 : i32
    %mul3A_27 = arith.muli %arg0, %mul3A_26 : i32
    "tpu.region"() ({
      %run_scoped3A = tpu.sem_alloc : memref<!tpu.dma_semaphore, #tpu.memory_space<semaphore_mem>>
      %dma_start3A = tpu.memref_slice %arg5[%mul3A_4, %mul3A_27] : memref<10240x256xf32, #tpu.memory_space<hbm>> -> memref<640x128xf32, #tpu.memory_space<hbm>>
      %dma_start3A_28 = arith.constant 0 : i32
      %dma_start3A_29 = tpu.memref_slice %arg10[%mul3A_4, %dma_start3A_28] : memref<10240x128xf32, #tpu.memory_space<vmem_shared>> -> memref<640x128xf32, #tpu.memory_space<vmem_shared>>
      tpu.enqueue_dma source(%dma_start3A_29 : memref<640x128xf32, #tpu.memory_space<vmem_shared>>) target(%dma_start3A : memref<640x128xf32, #tpu.memory_space<hbm>>) target_semaphore(%run_scoped3A : memref<!tpu.dma_semaphore, #tpu.memory_space<semaphore_mem>>)
      %dma_wait3A = tpu.memref_slice %arg5[%mul3A_4, %mul3A_27] : memref<10240x256xf32, #tpu.memory_space<hbm>> -> memref<640x128xf32, #tpu.memory_space<hbm>>
      %dma_wait3A_30 = arith.constant 0 : i32
      %dma_wait3A_31 = tpu.memref_slice %arg10[%mul3A_4, %dma_wait3A_30] : memref<10240x128xf32, #tpu.memory_space<vmem_shared>> -> memref<640x128xf32, #tpu.memory_space<vmem_shared>>
      tpu.wait_dma2 semaphore(%run_scoped3A : memref<!tpu.dma_semaphore, #tpu.memory_space<semaphore_mem>>) src(%dma_wait3A_31 : memref<640x128xf32, #tpu.memory_space<vmem_shared>>) dst(%dma_wait3A : memref<640x128xf32, #tpu.memory_space<hbm>>)
      tpu.yield
    }) : () -> ()
    return
  }
}

#map = affine_map<(d0, d1) -> (0, 0)>
#map1 = affine_map<(d0, d1) -> (0, 0, 0)>
module attributes {stable_mosaic.version = 14 : i64} {
  func.func @_sc_spmm_body(%arg0: i32, %arg1: i32, %arg2: memref<10240x128xf32, #tpu.memory_space<hbm>>, %arg3: memref<2x2500x128xi32, #tpu.memory_space<hbm>>, %arg4: memref<10240x128xf32, #tpu.memory_space<hbm>>, %arg5: memref<10240x256xf32, #tpu.memory_space<hbm>>, %arg6: memref<44x128xi32, #tpu.memory_space<vmem>>, %arg7: memref<44x128xi32, #tpu.memory_space<vmem>>, %arg8: memref<128x128xf32, #tpu.memory_space<vmem>>, %arg9: memref<128x128xf32, #tpu.memory_space<vmem>>, %arg10: memref<10240x128xf32, #tpu.memory_space<vmem_shared>>, %arg11: memref<!tpu.dma_semaphore, #tpu.memory_space<semaphore_mem>>, %arg12: memref<!tpu.dma_semaphore, #tpu.memory_space<semaphore_mem>>) attributes {dimension_semantics = [#tpu.dimension_semantics<core_parallel>, #tpu.dimension_semantics<subcore_parallel>], iteration_bounds = array<i64: 2, 16>, scalar_prefetch = 0 : i64, scratch_operands = 7 : i64, tpu.core_type = #tpu.core_type<sc_vector_subcore>, window_params = [{transform_indices = #map}, {transform_indices = #map1}, {transform_indices = #map}, {transform_indices = #map}]} {
    %mul3A = arith.constant 2 : i32
    %mul3A_0 = arith.muli %arg1, %mul3A : i32
    %add3A = arith.addi %mul3A_0, %arg0 : i32
    %eq3A = arith.constant 31 : i32
    %eq3A_1 = arith.cmpi eq, %add3A, %eq3A : i32
    %not3A = arith.constant true
    %not3A_2 = arith.xori %eq3A_1, %not3A : i1
    %mul3A_3 = arith.constant 640 : i32
    %mul3A_4 = arith.muli %arg1, %mul3A_3 : i32
    %convert_element_type3A = arith.extui %not3A_2 : i1 to i32
    %cond3A = arith.constant 0 : i32
    %cond3A_5 = arith.cmpi ne, %convert_element_type3A, %cond3A : i32
    scf.if %cond3A_5 {
      %mul3A_28 = arith.constant 80 : i32
      %mul3A_29 = arith.muli %add3A, %mul3A_28 : i32
      %run_scoped3A = arith.constant 0 : i32
      "tpu.region"() ({
        %run_scoped3A_39 = tpu.sem_alloc : memref<!tpu.dma_semaphore, #tpu.memory_space<semaphore_mem>>
        %dma_start3A_40 = arith.constant 0 : i32
        %dma_start3A_41 = arith.constant 0 : i32
        %dma_start3A_42 = tpu.memref_slice %arg6[%dma_start3A_40, %dma_start3A_41] : memref<44x128xi32, #tpu.memory_space<vmem>> -> memref<40x128xi32, #tpu.memory_space<vmem>>
        %dma_start3A_43 = arith.constant 0 : i32
        %dma_start3A_44 = tpu.memref_slice %arg3[%run_scoped3A, %mul3A_29, %dma_start3A_43] : memref<2x2500x128xi32, #tpu.memory_space<hbm>> -> memref<1x40x128xi32, #tpu.memory_space<hbm>>
        %dma_start3A_45 = tpu.memref_squeeze %dma_start3A_44 : memref<1x40x128xi32, #tpu.memory_space<hbm>> -> memref<40x128xi32, #tpu.memory_space<hbm>>
        %dma_start3A_46 = arith.constant 0 : i32
        %dma_start3A_47 = arith.constant 0 : i32
        %dma_start3A_48 = tpu.memref_slice %arg6[%dma_start3A_46, %dma_start3A_47] : memref<44x128xi32, #tpu.memory_space<vmem>> -> memref<40x128xi32, #tpu.memory_space<vmem>>
        %dma_start3A_49 = arith.constant 0 : i32
        %dma_start3A_50 = tpu.memref_slice %arg3[%run_scoped3A, %mul3A_29, %dma_start3A_49] : memref<2x2500x128xi32, #tpu.memory_space<hbm>> -> memref<1x40x128xi32, #tpu.memory_space<hbm>>
        %dma_start3A_51 = tpu.memref_squeeze %dma_start3A_50 : memref<1x40x128xi32, #tpu.memory_space<hbm>> -> memref<40x128xi32, #tpu.memory_space<hbm>>
        tpu.enqueue_dma source(%dma_start3A_51 : memref<40x128xi32, #tpu.memory_space<hbm>>) target(%dma_start3A_48 : memref<40x128xi32, #tpu.memory_space<vmem>>) target_semaphore(%run_scoped3A_39 : memref<!tpu.dma_semaphore, #tpu.memory_space<semaphore_mem>>)
        %dma_wait3A = arith.constant 0 : i32
        %dma_wait3A_52 = arith.constant 0 : i32
        %dma_wait3A_53 = tpu.memref_slice %arg6[%dma_wait3A, %dma_wait3A_52] : memref<44x128xi32, #tpu.memory_space<vmem>> -> memref<40x128xi32, #tpu.memory_space<vmem>>
        %dma_wait3A_54 = arith.constant 0 : i32
        %dma_wait3A_55 = tpu.memref_slice %arg3[%run_scoped3A, %mul3A_29, %dma_wait3A_54] : memref<2x2500x128xi32, #tpu.memory_space<hbm>> -> memref<1x40x128xi32, #tpu.memory_space<hbm>>
        %dma_wait3A_56 = tpu.memref_squeeze %dma_wait3A_55 : memref<1x40x128xi32, #tpu.memory_space<hbm>> -> memref<40x128xi32, #tpu.memory_space<hbm>>
        %dma_wait3A_57 = arith.constant 0 : i32
        %dma_wait3A_58 = arith.constant 0 : i32
        %dma_wait3A_59 = tpu.memref_slice %arg6[%dma_wait3A_57, %dma_wait3A_58] : memref<44x128xi32, #tpu.memory_space<vmem>> -> memref<40x128xi32, #tpu.memory_space<vmem>>
        %dma_wait3A_60 = arith.constant 0 : i32
        %dma_wait3A_61 = tpu.memref_slice %arg3[%run_scoped3A, %mul3A_29, %dma_wait3A_60] : memref<2x2500x128xi32, #tpu.memory_space<hbm>> -> memref<1x40x128xi32, #tpu.memory_space<hbm>>
        %dma_wait3A_62 = tpu.memref_squeeze %dma_wait3A_61 : memref<1x40x128xi32, #tpu.memory_space<hbm>> -> memref<40x128xi32, #tpu.memory_space<hbm>>
        tpu.wait_dma2 semaphore(%run_scoped3A_39 : memref<!tpu.dma_semaphore, #tpu.memory_space<semaphore_mem>>) src(%dma_wait3A_62 : memref<40x128xi32, #tpu.memory_space<hbm>>) dst(%dma_wait3A_59 : memref<40x128xi32, #tpu.memory_space<vmem>>)
        tpu.yield
      }) : () -> ()
      %mul3A_30 = arith.constant 80 : i32
      %mul3A_31 = arith.muli %add3A, %mul3A_30 : i32
      %run_scoped3A_32 = arith.constant 1 : i32
      "tpu.region"() ({
        %run_scoped3A_39 = tpu.sem_alloc : memref<!tpu.dma_semaphore, #tpu.memory_space<semaphore_mem>>
        %dma_start3A_40 = arith.constant 0 : i32
        %dma_start3A_41 = arith.constant 0 : i32
        %dma_start3A_42 = tpu.memref_slice %arg7[%dma_start3A_40, %dma_start3A_41] : memref<44x128xi32, #tpu.memory_space<vmem>> -> memref<40x128xi32, #tpu.memory_space<vmem>>
        %dma_start3A_43 = arith.constant 0 : i32
        %dma_start3A_44 = tpu.memref_slice %arg3[%run_scoped3A_32, %mul3A_31, %dma_start3A_43] : memref<2x2500x128xi32, #tpu.memory_space<hbm>> -> memref<1x40x128xi32, #tpu.memory_space<hbm>>
        %dma_start3A_45 = tpu.memref_squeeze %dma_start3A_44 : memref<1x40x128xi32, #tpu.memory_space<hbm>> -> memref<40x128xi32, #tpu.memory_space<hbm>>
        %dma_start3A_46 = arith.constant 0 : i32
        %dma_start3A_47 = arith.constant 0 : i32
        %dma_start3A_48 = tpu.memref_slice %arg7[%dma_start3A_46, %dma_start3A_47] : memref<44x128xi32, #tpu.memory_space<vmem>> -> memref<40x128xi32, #tpu.memory_space<vmem>>
        %dma_start3A_49 = arith.constant 0 : i32
        %dma_start3A_50 = tpu.memref_slice %arg3[%run_scoped3A_32, %mul3A_31, %dma_start3A_49] : memref<2x2500x128xi32, #tpu.memory_space<hbm>> -> memref<1x40x128xi32, #tpu.memory_space<hbm>>
        %dma_start3A_51 = tpu.memref_squeeze %dma_start3A_50 : memref<1x40x128xi32, #tpu.memory_space<hbm>> -> memref<40x128xi32, #tpu.memory_space<hbm>>
        tpu.enqueue_dma source(%dma_start3A_51 : memref<40x128xi32, #tpu.memory_space<hbm>>) target(%dma_start3A_48 : memref<40x128xi32, #tpu.memory_space<vmem>>) target_semaphore(%run_scoped3A_39 : memref<!tpu.dma_semaphore, #tpu.memory_space<semaphore_mem>>)
        %dma_wait3A = arith.constant 0 : i32
        %dma_wait3A_52 = arith.constant 0 : i32
        %dma_wait3A_53 = tpu.memref_slice %arg7[%dma_wait3A, %dma_wait3A_52] : memref<44x128xi32, #tpu.memory_space<vmem>> -> memref<40x128xi32, #tpu.memory_space<vmem>>
        %dma_wait3A_54 = arith.constant 0 : i32
        %dma_wait3A_55 = tpu.memref_slice %arg3[%run_scoped3A_32, %mul3A_31, %dma_wait3A_54] : memref<2x2500x128xi32, #tpu.memory_space<hbm>> -> memref<1x40x128xi32, #tpu.memory_space<hbm>>
        %dma_wait3A_56 = tpu.memref_squeeze %dma_wait3A_55 : memref<1x40x128xi32, #tpu.memory_space<hbm>> -> memref<40x128xi32, #tpu.memory_space<hbm>>
        %dma_wait3A_57 = arith.constant 0 : i32
        %dma_wait3A_58 = arith.constant 0 : i32
        %dma_wait3A_59 = tpu.memref_slice %arg7[%dma_wait3A_57, %dma_wait3A_58] : memref<44x128xi32, #tpu.memory_space<vmem>> -> memref<40x128xi32, #tpu.memory_space<vmem>>
        %dma_wait3A_60 = arith.constant 0 : i32
        %dma_wait3A_61 = tpu.memref_slice %arg3[%run_scoped3A_32, %mul3A_31, %dma_wait3A_60] : memref<2x2500x128xi32, #tpu.memory_space<hbm>> -> memref<1x40x128xi32, #tpu.memory_space<hbm>>
        %dma_wait3A_62 = tpu.memref_squeeze %dma_wait3A_61 : memref<1x40x128xi32, #tpu.memory_space<hbm>> -> memref<40x128xi32, #tpu.memory_space<hbm>>
        tpu.wait_dma2 semaphore(%run_scoped3A_39 : memref<!tpu.dma_semaphore, #tpu.memory_space<semaphore_mem>>) src(%dma_wait3A_62 : memref<40x128xi32, #tpu.memory_space<hbm>>) dst(%dma_wait3A_59 : memref<40x128xi32, #tpu.memory_space<vmem>>)
        tpu.yield
      }) : () -> ()
      %dma_start3A = arith.constant 0 : i32
      %dma_start3A_33 = arith.constant 0 : i32
      %dma_start3A_34 = tpu.memref_slice %arg6[%dma_start3A, %dma_start3A_33] : memref<44x128xi32, #tpu.memory_space<vmem>> -> memref<1x128xi32, #tpu.memory_space<vmem>>
      %dma_start3A_35 = tpu.memref_squeeze %dma_start3A_34 : memref<1x128xi32, #tpu.memory_space<vmem>> -> memref<128xi32, #tpu.memory_space<vmem>>
      %dma_start3A_36 = arith.constant 0 : i32
      %dma_start3A_37 = arith.constant 0 : i32
      %dma_start3A_38 = tpu.memref_slice %arg2[%dma_start3A_36, %dma_start3A_37] : memref<10240x128xf32, #tpu.memory_space<hbm>> -> memref<10240x128xf32, #tpu.memory_space<hbm>>
      tpu.enqueue_indirect_dma source(%dma_start3A_38 : memref<10240x128xf32, #tpu.memory_space<hbm>>) target(%arg8 : memref<128x128xf32, #tpu.memory_space<vmem>>) offsets(%dma_start3A_35 : memref<128xi32, #tpu.memory_space<vmem>>) semaphore(%arg11 : memref<!tpu.dma_semaphore, #tpu.memory_space<semaphore_mem>>)
    } else {
    }
    %convert_element_type3A_6 = arith.extui %eq3A_1 : i1 to i32
    %cond3A_7 = arith.constant 0 : i32
    %cond3A_8 = arith.cmpi ne, %convert_element_type3A_6, %cond3A_7 : i32
    scf.if %cond3A_8 {
      %run_scoped3A = arith.constant 0 : i32
      "tpu.region"() ({
        %run_scoped3A_35 = tpu.sem_alloc : memref<!tpu.dma_semaphore, #tpu.memory_space<semaphore_mem>>
        %dma_start3A_36 = arith.constant 0 : i32
        %dma_start3A_37 = arith.constant 0 : i32
        %dma_start3A_38 = tpu.memref_slice %arg6[%dma_start3A_36, %dma_start3A_37] : memref<44x128xi32, #tpu.memory_space<vmem>> -> memref<44x128xi32, #tpu.memory_space<vmem>>
        %dma_start3A_39 = arith.constant 2456 : i32
        %dma_start3A_40 = arith.constant 0 : i32
        %dma_start3A_41 = tpu.memref_slice %arg3[%run_scoped3A, %dma_start3A_39, %dma_start3A_40] : memref<2x2500x128xi32, #tpu.memory_space<hbm>> -> memref<1x44x128xi32, #tpu.memory_space<hbm>>
        %dma_start3A_42 = tpu.memref_squeeze %dma_start3A_41 : memref<1x44x128xi32, #tpu.memory_space<hbm>> -> memref<44x128xi32, #tpu.memory_space<hbm>>
        %dma_start3A_43 = arith.constant 0 : i32
        %dma_start3A_44 = arith.constant 0 : i32
        %dma_start3A_45 = tpu.memref_slice %arg6[%dma_start3A_43, %dma_start3A_44] : memref<44x128xi32, #tpu.memory_space<vmem>> -> memref<44x128xi32, #tpu.memory_space<vmem>>
        %dma_start3A_46 = arith.constant 2456 : i32
        %dma_start3A_47 = arith.constant 0 : i32
        %dma_start3A_48 = tpu.memref_slice %arg3[%run_scoped3A, %dma_start3A_46, %dma_start3A_47] : memref<2x2500x128xi32, #tpu.memory_space<hbm>> -> memref<1x44x128xi32, #tpu.memory_space<hbm>>
        %dma_start3A_49 = tpu.memref_squeeze %dma_start3A_48 : memref<1x44x128xi32, #tpu.memory_space<hbm>> -> memref<44x128xi32, #tpu.memory_space<hbm>>
        tpu.enqueue_dma source(%dma_start3A_49 : memref<44x128xi32, #tpu.memory_space<hbm>>) target(%dma_start3A_45 : memref<44x128xi32, #tpu.memory_space<vmem>>) target_semaphore(%run_scoped3A_35 : memref<!tpu.dma_semaphore, #tpu.memory_space<semaphore_mem>>)
        %dma_wait3A = arith.constant 0 : i32
        %dma_wait3A_50 = arith.constant 0 : i32
        %dma_wait3A_51 = tpu.memref_slice %arg6[%dma_wait3A, %dma_wait3A_50] : memref<44x128xi32, #tpu.memory_space<vmem>> -> memref<44x128xi32, #tpu.memory_space<vmem>>
        %dma_wait3A_52 = arith.constant 2456 : i32
        %dma_wait3A_53 = arith.constant 0 : i32
        %dma_wait3A_54 = tpu.memref_slice %arg3[%run_scoped3A, %dma_wait3A_52, %dma_wait3A_53] : memref<2x2500x128xi32, #tpu.memory_space<hbm>> -> memref<1x44x128xi32, #tpu.memory_space<hbm>>
        %dma_wait3A_55 = tpu.memref_squeeze %dma_wait3A_54 : memref<1x44x128xi32, #tpu.memory_space<hbm>> -> memref<44x128xi32, #tpu.memory_space<hbm>>
        %dma_wait3A_56 = arith.constant 0 : i32
        %dma_wait3A_57 = arith.constant 0 : i32
        %dma_wait3A_58 = tpu.memref_slice %arg6[%dma_wait3A_56, %dma_wait3A_57] : memref<44x128xi32, #tpu.memory_space<vmem>> -> memref<44x128xi32, #tpu.memory_space<vmem>>
        %dma_wait3A_59 = arith.constant 2456 : i32
        %dma_wait3A_60 = arith.constant 0 : i32
        %dma_wait3A_61 = tpu.memref_slice %arg3[%run_scoped3A, %dma_wait3A_59, %dma_wait3A_60] : memref<2x2500x128xi32, #tpu.memory_space<hbm>> -> memref<1x44x128xi32, #tpu.memory_space<hbm>>
        %dma_wait3A_62 = tpu.memref_squeeze %dma_wait3A_61 : memref<1x44x128xi32, #tpu.memory_space<hbm>> -> memref<44x128xi32, #tpu.memory_space<hbm>>
        tpu.wait_dma2 semaphore(%run_scoped3A_35 : memref<!tpu.dma_semaphore, #tpu.memory_space<semaphore_mem>>) src(%dma_wait3A_62 : memref<44x128xi32, #tpu.memory_space<hbm>>) dst(%dma_wait3A_58 : memref<44x128xi32, #tpu.memory_space<vmem>>)
        tpu.yield
      }) : () -> ()
      %run_scoped3A_28 = arith.constant 1 : i32
      "tpu.region"() ({
        %run_scoped3A_35 = tpu.sem_alloc : memref<!tpu.dma_semaphore, #tpu.memory_space<semaphore_mem>>
        %dma_start3A_36 = arith.constant 0 : i32
        %dma_start3A_37 = arith.constant 0 : i32
        %dma_start3A_38 = tpu.memref_slice %arg7[%dma_start3A_36, %dma_start3A_37] : memref<44x128xi32, #tpu.memory_space<vmem>> -> memref<44x128xi32, #tpu.memory_space<vmem>>
        %dma_start3A_39 = arith.constant 2456 : i32
        %dma_start3A_40 = arith.constant 0 : i32
        %dma_start3A_41 = tpu.memref_slice %arg3[%run_scoped3A_28, %dma_start3A_39, %dma_start3A_40] : memref<2x2500x128xi32, #tpu.memory_space<hbm>> -> memref<1x44x128xi32, #tpu.memory_space<hbm>>
        %dma_start3A_42 = tpu.memref_squeeze %dma_start3A_41 : memref<1x44x128xi32, #tpu.memory_space<hbm>> -> memref<44x128xi32, #tpu.memory_space<hbm>>
        %dma_start3A_43 = arith.constant 0 : i32
        %dma_start3A_44 = arith.constant 0 : i32
        %dma_start3A_45 = tpu.memref_slice %arg7[%dma_start3A_43, %dma_start3A_44] : memref<44x128xi32, #tpu.memory_space<vmem>> -> memref<44x128xi32, #tpu.memory_space<vmem>>
        %dma_start3A_46 = arith.constant 2456 : i32
        %dma_start3A_47 = arith.constant 0 : i32
        %dma_start3A_48 = tpu.memref_slice %arg3[%run_scoped3A_28, %dma_start3A_46, %dma_start3A_47] : memref<2x2500x128xi32, #tpu.memory_space<hbm>> -> memref<1x44x128xi32, #tpu.memory_space<hbm>>
        %dma_start3A_49 = tpu.memref_squeeze %dma_start3A_48 : memref<1x44x128xi32, #tpu.memory_space<hbm>> -> memref<44x128xi32, #tpu.memory_space<hbm>>
        tpu.enqueue_dma source(%dma_start3A_49 : memref<44x128xi32, #tpu.memory_space<hbm>>) target(%dma_start3A_45 : memref<44x128xi32, #tpu.memory_space<vmem>>) target_semaphore(%run_scoped3A_35 : memref<!tpu.dma_semaphore, #tpu.memory_space<semaphore_mem>>)
        %dma_wait3A = arith.constant 0 : i32
        %dma_wait3A_50 = arith.constant 0 : i32
        %dma_wait3A_51 = tpu.memref_slice %arg7[%dma_wait3A, %dma_wait3A_50] : memref<44x128xi32, #tpu.memory_space<vmem>> -> memref<44x128xi32, #tpu.memory_space<vmem>>
        %dma_wait3A_52 = arith.constant 2456 : i32
        %dma_wait3A_53 = arith.constant 0 : i32
        %dma_wait3A_54 = tpu.memref_slice %arg3[%run_scoped3A_28, %dma_wait3A_52, %dma_wait3A_53] : memref<2x2500x128xi32, #tpu.memory_space<hbm>> -> memref<1x44x128xi32, #tpu.memory_space<hbm>>
        %dma_wait3A_55 = tpu.memref_squeeze %dma_wait3A_54 : memref<1x44x128xi32, #tpu.memory_space<hbm>> -> memref<44x128xi32, #tpu.memory_space<hbm>>
        %dma_wait3A_56 = arith.constant 0 : i32
        %dma_wait3A_57 = arith.constant 0 : i32
        %dma_wait3A_58 = tpu.memref_slice %arg7[%dma_wait3A_56, %dma_wait3A_57] : memref<44x128xi32, #tpu.memory_space<vmem>> -> memref<44x128xi32, #tpu.memory_space<vmem>>
        %dma_wait3A_59 = arith.constant 2456 : i32
        %dma_wait3A_60 = arith.constant 0 : i32
        %dma_wait3A_61 = tpu.memref_slice %arg3[%run_scoped3A_28, %dma_wait3A_59, %dma_wait3A_60] : memref<2x2500x128xi32, #tpu.memory_space<hbm>> -> memref<1x44x128xi32, #tpu.memory_space<hbm>>
        %dma_wait3A_62 = tpu.memref_squeeze %dma_wait3A_61 : memref<1x44x128xi32, #tpu.memory_space<hbm>> -> memref<44x128xi32, #tpu.memory_space<hbm>>
        tpu.wait_dma2 semaphore(%run_scoped3A_35 : memref<!tpu.dma_semaphore, #tpu.memory_space<semaphore_mem>>) src(%dma_wait3A_62 : memref<44x128xi32, #tpu.memory_space<hbm>>) dst(%dma_wait3A_58 : memref<44x128xi32, #tpu.memory_space<vmem>>)
        tpu.yield
      }) : () -> ()
      %dma_start3A = arith.constant 24 : i32
      %dma_start3A_29 = arith.constant 0 : i32
      %dma_start3A_30 = tpu.memref_slice %arg6[%dma_start3A, %dma_start3A_29] : memref<44x128xi32, #tpu.memory_space<vmem>> -> memref<1x128xi32, #tpu.memory_space<vmem>>
      %dma_start3A_31 = tpu.memref_squeeze %dma_start3A_30 : memref<1x128xi32, #tpu.memory_space<vmem>> -> memref<128xi32, #tpu.memory_space<vmem>>
      %dma_start3A_32 = arith.constant 0 : i32
      %dma_start3A_33 = arith.constant 0 : i32
      %dma_start3A_34 = tpu.memref_slice %arg2[%dma_start3A_32, %dma_start3A_33] : memref<10240x128xf32, #tpu.memory_space<hbm>> -> memref<10240x128xf32, #tpu.memory_space<hbm>>
      tpu.enqueue_indirect_dma source(%dma_start3A_34 : memref<10240x128xf32, #tpu.memory_space<hbm>>) target(%arg8 : memref<128x128xf32, #tpu.memory_space<vmem>>) offsets(%dma_start3A_31 : memref<128xi32, #tpu.memory_space<vmem>>) semaphore(%arg11 : memref<!tpu.dma_semaphore, #tpu.memory_space<semaphore_mem>>)
    } else {
    }
    %eq3A_9 = arith.constant 0 : i32
    %eq3A_10 = arith.cmpi eq, %arg0, %eq3A_9 : i32
    %convert_element_type3A_11 = arith.extui %eq3A_10 : i1 to i32
    %cond3A_12 = arith.constant 0 : i32
    %cond3A_13 = arith.cmpi ne, %convert_element_type3A_11, %cond3A_12 : i32
    scf.if %cond3A_13 {
      "tpu.region"() ({
        %run_scoped3A = tpu.sem_alloc : memref<!tpu.dma_semaphore, #tpu.memory_space<semaphore_mem>>
        %dma_start3A = arith.constant 0 : i32
        %dma_start3A_28 = tpu.memref_slice %arg10[%mul3A_4, %dma_start3A] : memref<10240x128xf32, #tpu.memory_space<vmem_shared>> -> memref<640x128xf32, #tpu.memory_space<vmem_shared>>
        %dma_start3A_29 = arith.constant 0 : i32
        %dma_start3A_30 = tpu.memref_slice %arg2[%mul3A_4, %dma_start3A_29] : memref<10240x128xf32, #tpu.memory_space<hbm>> -> memref<640x128xf32, #tpu.memory_space<hbm>>
        tpu.enqueue_dma source(%dma_start3A_30 : memref<640x128xf32, #tpu.memory_space<hbm>>) target(%dma_start3A_28 : memref<640x128xf32, #tpu.memory_space<vmem_shared>>) target_semaphore(%run_scoped3A : memref<!tpu.dma_semaphore, #tpu.memory_space<semaphore_mem>>)
        %dma_wait3A = arith.constant 0 : i32
        %dma_wait3A_31 = tpu.memref_slice %arg10[%mul3A_4, %dma_wait3A] : memref<10240x128xf32, #tpu.memory_space<vmem_shared>> -> memref<640x128xf32, #tpu.memory_space<vmem_shared>>
        %dma_wait3A_32 = arith.constant 0 : i32
        %dma_wait3A_33 = tpu.memref_slice %arg2[%mul3A_4, %dma_wait3A_32] : memref<10240x128xf32, #tpu.memory_space<hbm>> -> memref<640x128xf32, #tpu.memory_space<hbm>>
        tpu.wait_dma2 semaphore(%run_scoped3A : memref<!tpu.dma_semaphore, #tpu.memory_space<semaphore_mem>>) src(%dma_wait3A_33 : memref<640x128xf32, #tpu.memory_space<hbm>>) dst(%dma_wait3A_31 : memref<640x128xf32, #tpu.memory_space<vmem_shared>>)
        tpu.yield
      }) : () -> ()
    } else {
    }
    %eq3A_14 = arith.constant 1 : i32
    %eq3A_15 = arith.cmpi eq, %arg0, %eq3A_14 : i32
    %convert_element_type3A_16 = arith.extui %eq3A_15 : i1 to i32
    %cond3A_17 = arith.constant 0 : i32
    %cond3A_18 = arith.cmpi ne, %convert_element_type3A_16, %cond3A_17 : i32
    scf.if %cond3A_18 {
      "tpu.region"() ({
        %run_scoped3A = tpu.sem_alloc : memref<!tpu.dma_semaphore, #tpu.memory_space<semaphore_mem>>
        %dma_start3A = arith.constant 0 : i32
        %dma_start3A_28 = tpu.memref_slice %arg10[%mul3A_4, %dma_start3A] : memref<10240x128xf32, #tpu.memory_space<vmem_shared>> -> memref<640x128xf32, #tpu.memory_space<vmem_shared>>
        %dma_start3A_29 = arith.constant 0 : i32
        %dma_start3A_30 = tpu.memref_slice %arg4[%mul3A_4, %dma_start3A_29] : memref<10240x128xf32, #tpu.memory_space<hbm>> -> memref<640x128xf32, #tpu.memory_space<hbm>>
        tpu.enqueue_dma source(%dma_start3A_30 : memref<640x128xf32, #tpu.memory_space<hbm>>) target(%dma_start3A_28 : memref<640x128xf32, #tpu.memory_space<vmem_shared>>) target_semaphore(%run_scoped3A : memref<!tpu.dma_semaphore, #tpu.memory_space<semaphore_mem>>)
        %dma_wait3A = arith.constant 0 : i32
        %dma_wait3A_31 = tpu.memref_slice %arg10[%mul3A_4, %dma_wait3A] : memref<10240x128xf32, #tpu.memory_space<vmem_shared>> -> memref<640x128xf32, #tpu.memory_space<vmem_shared>>
        %dma_wait3A_32 = arith.constant 0 : i32
        %dma_wait3A_33 = tpu.memref_slice %arg4[%mul3A_4, %dma_wait3A_32] : memref<10240x128xf32, #tpu.memory_space<hbm>> -> memref<640x128xf32, #tpu.memory_space<hbm>>
        tpu.wait_dma2 semaphore(%run_scoped3A : memref<!tpu.dma_semaphore, #tpu.memory_space<semaphore_mem>>) src(%dma_wait3A_33 : memref<640x128xf32, #tpu.memory_space<hbm>>) dst(%dma_wait3A_31 : memref<640x128xf32, #tpu.memory_space<vmem_shared>>)
        tpu.yield
      }) : () -> ()
    } else {
    }
    %barrier3A = arith.constant 0 : index
    tpu.barrier barrier_id(%barrier3A)
    %convert_element_type3A_19 = arith.extui %not3A_2 : i1 to i32
    %cond3A_20 = arith.constant 0 : i32
    %cond3A_21 = arith.cmpi ne, %convert_element_type3A_19, %cond3A_20 : i32
    scf.if %cond3A_21 {
      %scan3A = arith.constant 0 : i32
      %scan3A_28 = arith.constant 0 : i32
      %scan3A_29 = arith.constant 20 : i32
      %scan3A_30 = arith.addi %scan3A_28, %scan3A_29 : i32
      %scan3A_31 = arith.constant 1 : i32
      scf.for %scan3A_54 = %scan3A_28 to %scan3A_30 step %scan3A_31  : i32 {
        %mul3A_55 = arith.constant 2 : i32
        %mul3A_56 = arith.muli %mul3A_55, %scan3A_54 : i32
        %add3A_57 = arith.constant 0 : i32
        %add3A_58 = arith.addi %add3A_57, %mul3A_56 : i32
        %add3A_59 = arith.constant 1 : i32
        %add3A_60 = arith.addi %add3A_58, %add3A_59 : i32
        %dma_start3A_61 = arith.constant 0 : i32
        %dma_start3A_62 = tpu.memref_slice %arg6[%add3A_60, %dma_start3A_61] : memref<44x128xi32, #tpu.memory_space<vmem>> -> memref<1x128xi32, #tpu.memory_space<vmem>>
        %dma_start3A_63 = tpu.memref_squeeze %dma_start3A_62 : memref<1x128xi32, #tpu.memory_space<vmem>> -> memref<128xi32, #tpu.memory_space<vmem>>
        %dma_start3A_64 = arith.constant 0 : i32
        %dma_start3A_65 = arith.constant 0 : i32
        %dma_start3A_66 = tpu.memref_slice %arg2[%dma_start3A_64, %dma_start3A_65] : memref<10240x128xf32, #tpu.memory_space<hbm>> -> memref<10240x128xf32, #tpu.memory_space<hbm>>
        tpu.enqueue_indirect_dma source(%dma_start3A_66 : memref<10240x128xf32, #tpu.memory_space<hbm>>) target(%arg9 : memref<128x128xf32, #tpu.memory_space<vmem>>) offsets(%dma_start3A_63 : memref<128xi32, #tpu.memory_space<vmem>>) semaphore(%arg12 : memref<!tpu.dma_semaphore, #tpu.memory_space<semaphore_mem>>)
        %dma_wait3A = arith.constant 0 : i32
        %dma_wait3A_67 = tpu.memref_slice %arg6[%add3A_58, %dma_wait3A] : memref<44x128xi32, #tpu.memory_space<vmem>> -> memref<1x128xi32, #tpu.memory_space<vmem>>
        %dma_wait3A_68 = tpu.memref_squeeze %dma_wait3A_67 : memref<1x128xi32, #tpu.memory_space<vmem>> -> memref<128xi32, #tpu.memory_space<vmem>>
        %dma_wait3A_69 = arith.constant 0 : i32
        %dma_wait3A_70 = arith.constant 0 : i32
        %dma_wait3A_71 = tpu.memref_slice %arg2[%dma_wait3A_69, %dma_wait3A_70] : memref<10240x128xf32, #tpu.memory_space<hbm>> -> memref<10240x128xf32, #tpu.memory_space<hbm>>
        tpu.wait_indirect_dma semaphore(%arg11 : memref<!tpu.dma_semaphore, #tpu.memory_space<semaphore_mem>>) src(%dma_wait3A_71 : memref<10240x128xf32, #tpu.memory_space<hbm>>) dst(%arg8 : memref<128x128xf32, #tpu.memory_space<vmem>>)
        "tpu.region"() ({
          %run_scoped3A_86 = tpu.sem_alloc : memref<!tpu.dma_semaphore, #tpu.memory_space<semaphore_mem>>
          %dma_start3A_87 = arith.constant 0 : i32
          %dma_start3A_88 = tpu.memref_slice %arg7[%add3A_58, %dma_start3A_87] : memref<44x128xi32, #tpu.memory_space<vmem>> -> memref<1x128xi32, #tpu.memory_space<vmem>>
          %dma_start3A_89 = tpu.memref_squeeze %dma_start3A_88 : memref<1x128xi32, #tpu.memory_space<vmem>> -> memref<128xi32, #tpu.memory_space<vmem>>
          %dma_start3A_90 = arith.constant 0 : i32
          %dma_start3A_91 = arith.constant 0 : i32
          %dma_start3A_92 = tpu.memref_slice %arg10[%dma_start3A_90, %dma_start3A_91] : memref<10240x128xf32, #tpu.memory_space<vmem_shared>> -> memref<10240x128xf32, #tpu.memory_space<vmem_shared>>
          tpu.enqueue_indirect_dma source(%arg8 : memref<128x128xf32, #tpu.memory_space<vmem>>) target(%dma_start3A_92 : memref<10240x128xf32, #tpu.memory_space<vmem_shared>>) offsets(%dma_start3A_89 : memref<128xi32, #tpu.memory_space<vmem>>) semaphore(%run_scoped3A_86 : memref<!tpu.dma_semaphore, #tpu.memory_space<semaphore_mem>>) {add = true}
          %dma_wait3A_93 = arith.constant 0 : i32
          %dma_wait3A_94 = tpu.memref_slice %arg7[%add3A_58, %dma_wait3A_93] : memref<44x128xi32, #tpu.memory_space<vmem>> -> memref<1x128xi32, #tpu.memory_space<vmem>>
          %dma_wait3A_95 = tpu.memref_squeeze %dma_wait3A_94 : memref<1x128xi32, #tpu.memory_space<vmem>> -> memref<128xi32, #tpu.memory_space<vmem>>
          %dma_wait3A_96 = arith.constant 0 : i32
          %dma_wait3A_97 = arith.constant 0 : i32
          %dma_wait3A_98 = tpu.memref_slice %arg10[%dma_wait3A_96, %dma_wait3A_97] : memref<10240x128xf32, #tpu.memory_space<vmem_shared>> -> memref<10240x128xf32, #tpu.memory_space<vmem_shared>>
          tpu.wait_indirect_dma semaphore(%run_scoped3A_86 : memref<!tpu.dma_semaphore, #tpu.memory_space<semaphore_mem>>) src(%arg8 : memref<128x128xf32, #tpu.memory_space<vmem>>) dst(%dma_wait3A_98 : memref<10240x128xf32, #tpu.memory_space<vmem_shared>>)
          tpu.yield
        }) : () -> ()
        %lt3A = arith.constant 19 : i32
        %lt3A_72 = arith.cmpi slt, %scan3A_54, %lt3A : i32
        %convert_element_type3A_73 = arith.extui %lt3A_72 : i1 to i32
        %cond3A_74 = arith.constant 0 : i32
        %cond3A_75 = arith.cmpi ne, %convert_element_type3A_73, %cond3A_74 : i32
        scf.if %cond3A_75 {
          %add3A_86 = arith.constant 2 : i32
          %add3A_87 = arith.addi %add3A_58, %add3A_86 : i32
          %dma_start3A_88 = arith.constant 0 : i32
          %dma_start3A_89 = tpu.memref_slice %arg6[%add3A_87, %dma_start3A_88] : memref<44x128xi32, #tpu.memory_space<vmem>> -> memref<1x128xi32, #tpu.memory_space<vmem>>
          %dma_start3A_90 = tpu.memref_squeeze %dma_start3A_89 : memref<1x128xi32, #tpu.memory_space<vmem>> -> memref<128xi32, #tpu.memory_space<vmem>>
          %dma_start3A_91 = arith.constant 0 : i32
          %dma_start3A_92 = arith.constant 0 : i32
          %dma_start3A_93 = tpu.memref_slice %arg2[%dma_start3A_91, %dma_start3A_92] : memref<10240x128xf32, #tpu.memory_space<hbm>> -> memref<10240x128xf32, #tpu.memory_space<hbm>>
          tpu.enqueue_indirect_dma source(%dma_start3A_93 : memref<10240x128xf32, #tpu.memory_space<hbm>>) target(%arg8 : memref<128x128xf32, #tpu.memory_space<vmem>>) offsets(%dma_start3A_90 : memref<128xi32, #tpu.memory_space<vmem>>) semaphore(%arg11 : memref<!tpu.dma_semaphore, #tpu.memory_space<semaphore_mem>>)
        } else {
        }
        %add3A_76 = arith.constant 1 : i32
        %add3A_77 = arith.addi %add3A_58, %add3A_76 : i32
        %dma_wait3A_78 = arith.constant 0 : i32
        %dma_wait3A_79 = tpu.memref_slice %arg6[%add3A_77, %dma_wait3A_78] : memref<44x128xi32, #tpu.memory_space<vmem>> -> memref<1x128xi32, #tpu.memory_space<vmem>>
        %dma_wait3A_80 = tpu.memref_squeeze %dma_wait3A_79 : memref<1x128xi32, #tpu.memory_space<vmem>> -> memref<128xi32, #tpu.memory_space<vmem>>
        %dma_wait3A_81 = arith.constant 0 : i32
        %dma_wait3A_82 = arith.constant 0 : i32
        %dma_wait3A_83 = tpu.memref_slice %arg2[%dma_wait3A_81, %dma_wait3A_82] : memref<10240x128xf32, #tpu.memory_space<hbm>> -> memref<10240x128xf32, #tpu.memory_space<hbm>>
        tpu.wait_indirect_dma semaphore(%arg12 : memref<!tpu.dma_semaphore, #tpu.memory_space<semaphore_mem>>) src(%dma_wait3A_83 : memref<10240x128xf32, #tpu.memory_space<hbm>>) dst(%arg9 : memref<128x128xf32, #tpu.memory_space<vmem>>)
        %add3A_84 = arith.constant 1 : i32
        %add3A_85 = arith.addi %add3A_58, %add3A_84 : i32
        "tpu.region"() ({
          %run_scoped3A_86 = tpu.sem_alloc : memref<!tpu.dma_semaphore, #tpu.memory_space<semaphore_mem>>
          %dma_start3A_87 = arith.constant 0 : i32
          %dma_start3A_88 = tpu.memref_slice %arg7[%add3A_85, %dma_start3A_87] : memref<44x128xi32, #tpu.memory_space<vmem>> -> memref<1x128xi32, #tpu.memory_space<vmem>>
          %dma_start3A_89 = tpu.memref_squeeze %dma_start3A_88 : memref<1x128xi32, #tpu.memory_space<vmem>> -> memref<128xi32, #tpu.memory_space<vmem>>
          %dma_start3A_90 = arith.constant 0 : i32
          %dma_start3A_91 = arith.constant 0 : i32
          %dma_start3A_92 = tpu.memref_slice %arg10[%dma_start3A_90, %dma_start3A_91] : memref<10240x128xf32, #tpu.memory_space<vmem_shared>> -> memref<10240x128xf32, #tpu.memory_space<vmem_shared>>
          tpu.enqueue_indirect_dma source(%arg9 : memref<128x128xf32, #tpu.memory_space<vmem>>) target(%dma_start3A_92 : memref<10240x128xf32, #tpu.memory_space<vmem_shared>>) offsets(%dma_start3A_89 : memref<128xi32, #tpu.memory_space<vmem>>) semaphore(%run_scoped3A_86 : memref<!tpu.dma_semaphore, #tpu.memory_space<semaphore_mem>>) {add = true}
          %dma_wait3A_93 = arith.constant 0 : i32
          %dma_wait3A_94 = tpu.memref_slice %arg7[%add3A_85, %dma_wait3A_93] : memref<44x128xi32, #tpu.memory_space<vmem>> -> memref<1x128xi32, #tpu.memory_space<vmem>>
          %dma_wait3A_95 = tpu.memref_squeeze %dma_wait3A_94 : memref<1x128xi32, #tpu.memory_space<vmem>> -> memref<128xi32, #tpu.memory_space<vmem>>
          %dma_wait3A_96 = arith.constant 0 : i32
          %dma_wait3A_97 = arith.constant 0 : i32
          %dma_wait3A_98 = tpu.memref_slice %arg10[%dma_wait3A_96, %dma_wait3A_97] : memref<10240x128xf32, #tpu.memory_space<vmem_shared>> -> memref<10240x128xf32, #tpu.memory_space<vmem_shared>>
          tpu.wait_indirect_dma semaphore(%run_scoped3A_86 : memref<!tpu.dma_semaphore, #tpu.memory_space<semaphore_mem>>) src(%arg9 : memref<128x128xf32, #tpu.memory_space<vmem>>) dst(%dma_wait3A_98 : memref<10240x128xf32, #tpu.memory_space<vmem_shared>>)
          tpu.yield
        }) : () -> ()
      }
      %scan3A_32 = arith.constant 20 : i32
      %mul3A_33 = arith.constant 80 : i32
      %mul3A_34 = arith.muli %add3A, %mul3A_33 : i32
      %add3A_35 = arith.constant 40 : i32
      %add3A_36 = arith.addi %mul3A_34, %add3A_35 : i32
      %run_scoped3A = arith.constant 0 : i32
      "tpu.region"() ({
        %run_scoped3A_54 = tpu.sem_alloc : memref<!tpu.dma_semaphore, #tpu.memory_space<semaphore_mem>>
        %dma_start3A_55 = arith.constant 0 : i32
        %dma_start3A_56 = arith.constant 0 : i32
        %dma_start3A_57 = tpu.memref_slice %arg6[%dma_start3A_55, %dma_start3A_56] : memref<44x128xi32, #tpu.memory_space<vmem>> -> memref<40x128xi32, #tpu.memory_space<vmem>>
        %dma_start3A_58 = arith.constant 0 : i32
        %dma_start3A_59 = tpu.memref_slice %arg3[%run_scoped3A, %add3A_36, %dma_start3A_58] : memref<2x2500x128xi32, #tpu.memory_space<hbm>> -> memref<1x40x128xi32, #tpu.memory_space<hbm>>
        %dma_start3A_60 = tpu.memref_squeeze %dma_start3A_59 : memref<1x40x128xi32, #tpu.memory_space<hbm>> -> memref<40x128xi32, #tpu.memory_space<hbm>>
        %dma_start3A_61 = arith.constant 0 : i32
        %dma_start3A_62 = arith.constant 0 : i32
        %dma_start3A_63 = tpu.memref_slice %arg6[%dma_start3A_61, %dma_start3A_62] : memref<44x128xi32, #tpu.memory_space<vmem>> -> memref<40x128xi32, #tpu.memory_space<vmem>>
        %dma_start3A_64 = arith.constant 0 : i32
        %dma_start3A_65 = tpu.memref_slice %arg3[%run_scoped3A, %add3A_36, %dma_start3A_64] : memref<2x2500x128xi32, #tpu.memory_space<hbm>> -> memref<1x40x128xi32, #tpu.memory_space<hbm>>
        %dma_start3A_66 = tpu.memref_squeeze %dma_start3A_65 : memref<1x40x128xi32, #tpu.memory_space<hbm>> -> memref<40x128xi32, #tpu.memory_space<hbm>>
        tpu.enqueue_dma source(%dma_start3A_66 : memref<40x128xi32, #tpu.memory_space<hbm>>) target(%dma_start3A_63 : memref<40x128xi32, #tpu.memory_space<vmem>>) target_semaphore(%run_scoped3A_54 : memref<!tpu.dma_semaphore, #tpu.memory_space<semaphore_mem>>)
        %dma_wait3A = arith.constant 0 : i32
        %dma_wait3A_67 = arith.constant 0 : i32
        %dma_wait3A_68 = tpu.memref_slice %arg6[%dma_wait3A, %dma_wait3A_67] : memref<44x128xi32, #tpu.memory_space<vmem>> -> memref<40x128xi32, #tpu.memory_space<vmem>>
        %dma_wait3A_69 = arith.constant 0 : i32
        %dma_wait3A_70 = tpu.memref_slice %arg3[%run_scoped3A, %add3A_36, %dma_wait3A_69] : memref<2x2500x128xi32, #tpu.memory_space<hbm>> -> memref<1x40x128xi32, #tpu.memory_space<hbm>>
        %dma_wait3A_71 = tpu.memref_squeeze %dma_wait3A_70 : memref<1x40x128xi32, #tpu.memory_space<hbm>> -> memref<40x128xi32, #tpu.memory_space<hbm>>
        %dma_wait3A_72 = arith.constant 0 : i32
        %dma_wait3A_73 = arith.constant 0 : i32
        %dma_wait3A_74 = tpu.memref_slice %arg6[%dma_wait3A_72, %dma_wait3A_73] : memref<44x128xi32, #tpu.memory_space<vmem>> -> memref<40x128xi32, #tpu.memory_space<vmem>>
        %dma_wait3A_75 = arith.constant 0 : i32
        %dma_wait3A_76 = tpu.memref_slice %arg3[%run_scoped3A, %add3A_36, %dma_wait3A_75] : memref<2x2500x128xi32, #tpu.memory_space<hbm>> -> memref<1x40x128xi32, #tpu.memory_space<hbm>>
        %dma_wait3A_77 = tpu.memref_squeeze %dma_wait3A_76 : memref<1x40x128xi32, #tpu.memory_space<hbm>> -> memref<40x128xi32, #tpu.memory_space<hbm>>
        tpu.wait_dma2 semaphore(%run_scoped3A_54 : memref<!tpu.dma_semaphore, #tpu.memory_space<semaphore_mem>>) src(%dma_wait3A_77 : memref<40x128xi32, #tpu.memory_space<hbm>>) dst(%dma_wait3A_74 : memref<40x128xi32, #tpu.memory_space<vmem>>)
        tpu.yield
      }) : () -> ()
      %mul3A_37 = arith.constant 80 : i32
      %mul3A_38 = arith.muli %add3A, %mul3A_37 : i32
      %add3A_39 = arith.constant 40 : i32
      %add3A_40 = arith.addi %mul3A_38, %add3A_39 : i32
      %run_scoped3A_41 = arith.constant 1 : i32
      "tpu.region"() ({
        %run_scoped3A_54 = tpu.sem_alloc : memref<!tpu.dma_semaphore, #tpu.memory_space<semaphore_mem>>
        %dma_start3A_55 = arith.constant 0 : i32
        %dma_start3A_56 = arith.constant 0 : i32
        %dma_start3A_57 = tpu.memref_slice %arg7[%dma_start3A_55, %dma_start3A_56] : memref<44x128xi32, #tpu.memory_space<vmem>> -> memref<40x128xi32, #tpu.memory_space<vmem>>
        %dma_start3A_58 = arith.constant 0 : i32
        %dma_start3A_59 = tpu.memref_slice %arg3[%run_scoped3A_41, %add3A_40, %dma_start3A_58] : memref<2x2500x128xi32, #tpu.memory_space<hbm>> -> memref<1x40x128xi32, #tpu.memory_space<hbm>>
        %dma_start3A_60 = tpu.memref_squeeze %dma_start3A_59 : memref<1x40x128xi32, #tpu.memory_space<hbm>> -> memref<40x128xi32, #tpu.memory_space<hbm>>
        %dma_start3A_61 = arith.constant 0 : i32
        %dma_start3A_62 = arith.constant 0 : i32
        %dma_start3A_63 = tpu.memref_slice %arg7[%dma_start3A_61, %dma_start3A_62] : memref<44x128xi32, #tpu.memory_space<vmem>> -> memref<40x128xi32, #tpu.memory_space<vmem>>
        %dma_start3A_64 = arith.constant 0 : i32
        %dma_start3A_65 = tpu.memref_slice %arg3[%run_scoped3A_41, %add3A_40, %dma_start3A_64] : memref<2x2500x128xi32, #tpu.memory_space<hbm>> -> memref<1x40x128xi32, #tpu.memory_space<hbm>>
        %dma_start3A_66 = tpu.memref_squeeze %dma_start3A_65 : memref<1x40x128xi32, #tpu.memory_space<hbm>> -> memref<40x128xi32, #tpu.memory_space<hbm>>
        tpu.enqueue_dma source(%dma_start3A_66 : memref<40x128xi32, #tpu.memory_space<hbm>>) target(%dma_start3A_63 : memref<40x128xi32, #tpu.memory_space<vmem>>) target_semaphore(%run_scoped3A_54 : memref<!tpu.dma_semaphore, #tpu.memory_space<semaphore_mem>>)
        %dma_wait3A = arith.constant 0 : i32
        %dma_wait3A_67 = arith.constant 0 : i32
        %dma_wait3A_68 = tpu.memref_slice %arg7[%dma_wait3A, %dma_wait3A_67] : memref<44x128xi32, #tpu.memory_space<vmem>> -> memref<40x128xi32, #tpu.memory_space<vmem>>
        %dma_wait3A_69 = arith.constant 0 : i32
        %dma_wait3A_70 = tpu.memref_slice %arg3[%run_scoped3A_41, %add3A_40, %dma_wait3A_69] : memref<2x2500x128xi32, #tpu.memory_space<hbm>> -> memref<1x40x128xi32, #tpu.memory_space<hbm>>
        %dma_wait3A_71 = tpu.memref_squeeze %dma_wait3A_70 : memref<1x40x128xi32, #tpu.memory_space<hbm>> -> memref<40x128xi32, #tpu.memory_space<hbm>>
        %dma_wait3A_72 = arith.constant 0 : i32
        %dma_wait3A_73 = arith.constant 0 : i32
        %dma_wait3A_74 = tpu.memref_slice %arg7[%dma_wait3A_72, %dma_wait3A_73] : memref<44x128xi32, #tpu.memory_space<vmem>> -> memref<40x128xi32, #tpu.memory_space<vmem>>
        %dma_wait3A_75 = arith.constant 0 : i32
        %dma_wait3A_76 = tpu.memref_slice %arg3[%run_scoped3A_41, %add3A_40, %dma_wait3A_75] : memref<2x2500x128xi32, #tpu.memory_space<hbm>> -> memref<1x40x128xi32, #tpu.memory_space<hbm>>
        %dma_wait3A_77 = tpu.memref_squeeze %dma_wait3A_76 : memref<1x40x128xi32, #tpu.memory_space<hbm>> -> memref<40x128xi32, #tpu.memory_space<hbm>>
        tpu.wait_dma2 semaphore(%run_scoped3A_54 : memref<!tpu.dma_semaphore, #tpu.memory_space<semaphore_mem>>) src(%dma_wait3A_77 : memref<40x128xi32, #tpu.memory_space<hbm>>) dst(%dma_wait3A_74 : memref<40x128xi32, #tpu.memory_space<vmem>>)
        tpu.yield
      }) : () -> ()
      %dma_start3A = arith.constant 0 : i32
      %dma_start3A_42 = arith.constant 0 : i32
      %dma_start3A_43 = tpu.memref_slice %arg6[%dma_start3A, %dma_start3A_42] : memref<44x128xi32, #tpu.memory_space<vmem>> -> memref<1x128xi32, #tpu.memory_space<vmem>>
      %dma_start3A_44 = tpu.memref_squeeze %dma_start3A_43 : memref<1x128xi32, #tpu.memory_space<vmem>> -> memref<128xi32, #tpu.memory_space<vmem>>
      %dma_start3A_45 = arith.constant 0 : i32
      %dma_start3A_46 = arith.constant 0 : i32
      %dma_start3A_47 = tpu.memref_slice %arg2[%dma_start3A_45, %dma_start3A_46] : memref<10240x128xf32, #tpu.memory_space<hbm>> -> memref<10240x128xf32, #tpu.memory_space<hbm>>
      tpu.enqueue_indirect_dma source(%dma_start3A_47 : memref<10240x128xf32, #tpu.memory_space<hbm>>) target(%arg8 : memref<128x128xf32, #tpu.memory_space<vmem>>) offsets(%dma_start3A_44 : memref<128xi32, #tpu.memory_space<vmem>>) semaphore(%arg11 : memref<!tpu.dma_semaphore, #tpu.memory_space<semaphore_mem>>)
      %scan3A_48 = arith.constant 0 : i32
      %scan3A_49 = arith.constant 0 : i32
      %scan3A_50 = arith.constant 20 : i32
      %scan3A_51 = arith.addi %scan3A_49, %scan3A_50 : i32
      %scan3A_52 = arith.constant 1 : i32
      scf.for %scan3A_54 = %scan3A_49 to %scan3A_51 step %scan3A_52  : i32 {
        %mul3A_55 = arith.constant 2 : i32
        %mul3A_56 = arith.muli %mul3A_55, %scan3A_54 : i32
        %add3A_57 = arith.constant 0 : i32
        %add3A_58 = arith.addi %add3A_57, %mul3A_56 : i32
        %add3A_59 = arith.constant 1 : i32
        %add3A_60 = arith.addi %add3A_58, %add3A_59 : i32
        %dma_start3A_61 = arith.constant 0 : i32
        %dma_start3A_62 = tpu.memref_slice %arg6[%add3A_60, %dma_start3A_61] : memref<44x128xi32, #tpu.memory_space<vmem>> -> memref<1x128xi32, #tpu.memory_space<vmem>>
        %dma_start3A_63 = tpu.memref_squeeze %dma_start3A_62 : memref<1x128xi32, #tpu.memory_space<vmem>> -> memref<128xi32, #tpu.memory_space<vmem>>
        %dma_start3A_64 = arith.constant 0 : i32
        %dma_start3A_65 = arith.constant 0 : i32
        %dma_start3A_66 = tpu.memref_slice %arg2[%dma_start3A_64, %dma_start3A_65] : memref<10240x128xf32, #tpu.memory_space<hbm>> -> memref<10240x128xf32, #tpu.memory_space<hbm>>
        tpu.enqueue_indirect_dma source(%dma_start3A_66 : memref<10240x128xf32, #tpu.memory_space<hbm>>) target(%arg9 : memref<128x128xf32, #tpu.memory_space<vmem>>) offsets(%dma_start3A_63 : memref<128xi32, #tpu.memory_space<vmem>>) semaphore(%arg12 : memref<!tpu.dma_semaphore, #tpu.memory_space<semaphore_mem>>)
        %dma_wait3A = arith.constant 0 : i32
        %dma_wait3A_67 = tpu.memref_slice %arg6[%add3A_58, %dma_wait3A] : memref<44x128xi32, #tpu.memory_space<vmem>> -> memref<1x128xi32, #tpu.memory_space<vmem>>
        %dma_wait3A_68 = tpu.memref_squeeze %dma_wait3A_67 : memref<1x128xi32, #tpu.memory_space<vmem>> -> memref<128xi32, #tpu.memory_space<vmem>>
        %dma_wait3A_69 = arith.constant 0 : i32
        %dma_wait3A_70 = arith.constant 0 : i32
        %dma_wait3A_71 = tpu.memref_slice %arg2[%dma_wait3A_69, %dma_wait3A_70] : memref<10240x128xf32, #tpu.memory_space<hbm>> -> memref<10240x128xf32, #tpu.memory_space<hbm>>
        tpu.wait_indirect_dma semaphore(%arg11 : memref<!tpu.dma_semaphore, #tpu.memory_space<semaphore_mem>>) src(%dma_wait3A_71 : memref<10240x128xf32, #tpu.memory_space<hbm>>) dst(%arg8 : memref<128x128xf32, #tpu.memory_space<vmem>>)
        "tpu.region"() ({
          %run_scoped3A_86 = tpu.sem_alloc : memref<!tpu.dma_semaphore, #tpu.memory_space<semaphore_mem>>
          %dma_start3A_87 = arith.constant 0 : i32
          %dma_start3A_88 = tpu.memref_slice %arg7[%add3A_58, %dma_start3A_87] : memref<44x128xi32, #tpu.memory_space<vmem>> -> memref<1x128xi32, #tpu.memory_space<vmem>>
          %dma_start3A_89 = tpu.memref_squeeze %dma_start3A_88 : memref<1x128xi32, #tpu.memory_space<vmem>> -> memref<128xi32, #tpu.memory_space<vmem>>
          %dma_start3A_90 = arith.constant 0 : i32
          %dma_start3A_91 = arith.constant 0 : i32
          %dma_start3A_92 = tpu.memref_slice %arg10[%dma_start3A_90, %dma_start3A_91] : memref<10240x128xf32, #tpu.memory_space<vmem_shared>> -> memref<10240x128xf32, #tpu.memory_space<vmem_shared>>
          tpu.enqueue_indirect_dma source(%arg8 : memref<128x128xf32, #tpu.memory_space<vmem>>) target(%dma_start3A_92 : memref<10240x128xf32, #tpu.memory_space<vmem_shared>>) offsets(%dma_start3A_89 : memref<128xi32, #tpu.memory_space<vmem>>) semaphore(%run_scoped3A_86 : memref<!tpu.dma_semaphore, #tpu.memory_space<semaphore_mem>>) {add = true}
          %dma_wait3A_93 = arith.constant 0 : i32
          %dma_wait3A_94 = tpu.memref_slice %arg7[%add3A_58, %dma_wait3A_93] : memref<44x128xi32, #tpu.memory_space<vmem>> -> memref<1x128xi32, #tpu.memory_space<vmem>>
          %dma_wait3A_95 = tpu.memref_squeeze %dma_wait3A_94 : memref<1x128xi32, #tpu.memory_space<vmem>> -> memref<128xi32, #tpu.memory_space<vmem>>
          %dma_wait3A_96 = arith.constant 0 : i32
          %dma_wait3A_97 = arith.constant 0 : i32
          %dma_wait3A_98 = tpu.memref_slice %arg10[%dma_wait3A_96, %dma_wait3A_97] : memref<10240x128xf32, #tpu.memory_space<vmem_shared>> -> memref<10240x128xf32, #tpu.memory_space<vmem_shared>>
          tpu.wait_indirect_dma semaphore(%run_scoped3A_86 : memref<!tpu.dma_semaphore, #tpu.memory_space<semaphore_mem>>) src(%arg8 : memref<128x128xf32, #tpu.memory_space<vmem>>) dst(%dma_wait3A_98 : memref<10240x128xf32, #tpu.memory_space<vmem_shared>>)
          tpu.yield
        }) : () -> ()
        %lt3A = arith.constant 19 : i32
        %lt3A_72 = arith.cmpi slt, %scan3A_54, %lt3A : i32
        %convert_element_type3A_73 = arith.extui %lt3A_72 : i1 to i32
        %cond3A_74 = arith.constant 0 : i32
        %cond3A_75 = arith.cmpi ne, %convert_element_type3A_73, %cond3A_74 : i32
        scf.if %cond3A_75 {
          %add3A_86 = arith.constant 2 : i32
          %add3A_87 = arith.addi %add3A_58, %add3A_86 : i32
          %dma_start3A_88 = arith.constant 0 : i32
          %dma_start3A_89 = tpu.memref_slice %arg6[%add3A_87, %dma_start3A_88] : memref<44x128xi32, #tpu.memory_space<vmem>> -> memref<1x128xi32, #tpu.memory_space<vmem>>
          %dma_start3A_90 = tpu.memref_squeeze %dma_start3A_89 : memref<1x128xi32, #tpu.memory_space<vmem>> -> memref<128xi32, #tpu.memory_space<vmem>>
          %dma_start3A_91 = arith.constant 0 : i32
          %dma_start3A_92 = arith.constant 0 : i32
          %dma_start3A_93 = tpu.memref_slice %arg2[%dma_start3A_91, %dma_start3A_92] : memref<10240x128xf32, #tpu.memory_space<hbm>> -> memref<10240x128xf32, #tpu.memory_space<hbm>>
          tpu.enqueue_indirect_dma source(%dma_start3A_93 : memref<10240x128xf32, #tpu.memory_space<hbm>>) target(%arg8 : memref<128x128xf32, #tpu.memory_space<vmem>>) offsets(%dma_start3A_90 : memref<128xi32, #tpu.memory_space<vmem>>) semaphore(%arg11 : memref<!tpu.dma_semaphore, #tpu.memory_space<semaphore_mem>>)
        } else {
        }
        %add3A_76 = arith.constant 1 : i32
        %add3A_77 = arith.addi %add3A_58, %add3A_76 : i32
        %dma_wait3A_78 = arith.constant 0 : i32
        %dma_wait3A_79 = tpu.memref_slice %arg6[%add3A_77, %dma_wait3A_78] : memref<44x128xi32, #tpu.memory_space<vmem>> -> memref<1x128xi32, #tpu.memory_space<vmem>>
        %dma_wait3A_80 = tpu.memref_squeeze %dma_wait3A_79 : memref<1x128xi32, #tpu.memory_space<vmem>> -> memref<128xi32, #tpu.memory_space<vmem>>
        %dma_wait3A_81 = arith.constant 0 : i32
        %dma_wait3A_82 = arith.constant 0 : i32
        %dma_wait3A_83 = tpu.memref_slice %arg2[%dma_wait3A_81, %dma_wait3A_82] : memref<10240x128xf32, #tpu.memory_space<hbm>> -> memref<10240x128xf32, #tpu.memory_space<hbm>>
        tpu.wait_indirect_dma semaphore(%arg12 : memref<!tpu.dma_semaphore, #tpu.memory_space<semaphore_mem>>) src(%dma_wait3A_83 : memref<10240x128xf32, #tpu.memory_space<hbm>>) dst(%arg9 : memref<128x128xf32, #tpu.memory_space<vmem>>)
        %add3A_84 = arith.constant 1 : i32
        %add3A_85 = arith.addi %add3A_58, %add3A_84 : i32
        "tpu.region"() ({
          %run_scoped3A_86 = tpu.sem_alloc : memref<!tpu.dma_semaphore, #tpu.memory_space<semaphore_mem>>
          %dma_start3A_87 = arith.constant 0 : i32
          %dma_start3A_88 = tpu.memref_slice %arg7[%add3A_85, %dma_start3A_87] : memref<44x128xi32, #tpu.memory_space<vmem>> -> memref<1x128xi32, #tpu.memory_space<vmem>>
          %dma_start3A_89 = tpu.memref_squeeze %dma_start3A_88 : memref<1x128xi32, #tpu.memory_space<vmem>> -> memref<128xi32, #tpu.memory_space<vmem>>
          %dma_start3A_90 = arith.constant 0 : i32
          %dma_start3A_91 = arith.constant 0 : i32
          %dma_start3A_92 = tpu.memref_slice %arg10[%dma_start3A_90, %dma_start3A_91] : memref<10240x128xf32, #tpu.memory_space<vmem_shared>> -> memref<10240x128xf32, #tpu.memory_space<vmem_shared>>
          tpu.enqueue_indirect_dma source(%arg9 : memref<128x128xf32, #tpu.memory_space<vmem>>) target(%dma_start3A_92 : memref<10240x128xf32, #tpu.memory_space<vmem_shared>>) offsets(%dma_start3A_89 : memref<128xi32, #tpu.memory_space<vmem>>) semaphore(%run_scoped3A_86 : memref<!tpu.dma_semaphore, #tpu.memory_space<semaphore_mem>>) {add = true}
          %dma_wait3A_93 = arith.constant 0 : i32
          %dma_wait3A_94 = tpu.memref_slice %arg7[%add3A_85, %dma_wait3A_93] : memref<44x128xi32, #tpu.memory_space<vmem>> -> memref<1x128xi32, #tpu.memory_space<vmem>>
          %dma_wait3A_95 = tpu.memref_squeeze %dma_wait3A_94 : memref<1x128xi32, #tpu.memory_space<vmem>> -> memref<128xi32, #tpu.memory_space<vmem>>
          %dma_wait3A_96 = arith.constant 0 : i32
          %dma_wait3A_97 = arith.constant 0 : i32
          %dma_wait3A_98 = tpu.memref_slice %arg10[%dma_wait3A_96, %dma_wait3A_97] : memref<10240x128xf32, #tpu.memory_space<vmem_shared>> -> memref<10240x128xf32, #tpu.memory_space<vmem_shared>>
          tpu.wait_indirect_dma semaphore(%run_scoped3A_86 : memref<!tpu.dma_semaphore, #tpu.memory_space<semaphore_mem>>) src(%arg9 : memref<128x128xf32, #tpu.memory_space<vmem>>) dst(%dma_wait3A_98 : memref<10240x128xf32, #tpu.memory_space<vmem_shared>>)
          tpu.yield
        }) : () -> ()
      }
      %scan3A_53 = arith.constant 20 : i32
    } else {
    }
    %convert_element_type3A_22 = arith.extui %eq3A_1 : i1 to i32
    %cond3A_23 = arith.constant 0 : i32
    %cond3A_24 = arith.cmpi ne, %convert_element_type3A_22, %cond3A_23 : i32
    scf.if %cond3A_24 {
      %scan3A = arith.constant 0 : i32
      %scan3A_28 = arith.constant 0 : i32
      %scan3A_29 = arith.constant 10 : i32
      %scan3A_30 = arith.addi %scan3A_28, %scan3A_29 : i32
      %scan3A_31 = arith.constant 1 : i32
      scf.for %scan3A_33 = %scan3A_28 to %scan3A_30 step %scan3A_31  : i32 {
        %mul3A_34 = arith.constant 2 : i32
        %mul3A_35 = arith.muli %mul3A_34, %scan3A_33 : i32
        %add3A_36 = arith.constant 24 : i32
        %add3A_37 = arith.addi %add3A_36, %mul3A_35 : i32
        %add3A_38 = arith.constant 1 : i32
        %add3A_39 = arith.addi %add3A_37, %add3A_38 : i32
        %dma_start3A = arith.constant 0 : i32
        %dma_start3A_40 = tpu.memref_slice %arg6[%add3A_39, %dma_start3A] : memref<44x128xi32, #tpu.memory_space<vmem>> -> memref<1x128xi32, #tpu.memory_space<vmem>>
        %dma_start3A_41 = tpu.memref_squeeze %dma_start3A_40 : memref<1x128xi32, #tpu.memory_space<vmem>> -> memref<128xi32, #tpu.memory_space<vmem>>
        %dma_start3A_42 = arith.constant 0 : i32
        %dma_start3A_43 = arith.constant 0 : i32
        %dma_start3A_44 = tpu.memref_slice %arg2[%dma_start3A_42, %dma_start3A_43] : memref<10240x128xf32, #tpu.memory_space<hbm>> -> memref<10240x128xf32, #tpu.memory_space<hbm>>
        tpu.enqueue_indirect_dma source(%dma_start3A_44 : memref<10240x128xf32, #tpu.memory_space<hbm>>) target(%arg9 : memref<128x128xf32, #tpu.memory_space<vmem>>) offsets(%dma_start3A_41 : memref<128xi32, #tpu.memory_space<vmem>>) semaphore(%arg12 : memref<!tpu.dma_semaphore, #tpu.memory_space<semaphore_mem>>)
        %dma_wait3A = arith.constant 0 : i32
        %dma_wait3A_45 = tpu.memref_slice %arg6[%add3A_37, %dma_wait3A] : memref<44x128xi32, #tpu.memory_space<vmem>> -> memref<1x128xi32, #tpu.memory_space<vmem>>
        %dma_wait3A_46 = tpu.memref_squeeze %dma_wait3A_45 : memref<1x128xi32, #tpu.memory_space<vmem>> -> memref<128xi32, #tpu.memory_space<vmem>>
        %dma_wait3A_47 = arith.constant 0 : i32
        %dma_wait3A_48 = arith.constant 0 : i32
        %dma_wait3A_49 = tpu.memref_slice %arg2[%dma_wait3A_47, %dma_wait3A_48] : memref<10240x128xf32, #tpu.memory_space<hbm>> -> memref<10240x128xf32, #tpu.memory_space<hbm>>
        tpu.wait_indirect_dma semaphore(%arg11 : memref<!tpu.dma_semaphore, #tpu.memory_space<semaphore_mem>>) src(%dma_wait3A_49 : memref<10240x128xf32, #tpu.memory_space<hbm>>) dst(%arg8 : memref<128x128xf32, #tpu.memory_space<vmem>>)
        "tpu.region"() ({
          %run_scoped3A = tpu.sem_alloc : memref<!tpu.dma_semaphore, #tpu.memory_space<semaphore_mem>>
          %dma_start3A_64 = arith.constant 0 : i32
          %dma_start3A_65 = tpu.memref_slice %arg7[%add3A_37, %dma_start3A_64] : memref<44x128xi32, #tpu.memory_space<vmem>> -> memref<1x128xi32, #tpu.memory_space<vmem>>
          %dma_start3A_66 = tpu.memref_squeeze %dma_start3A_65 : memref<1x128xi32, #tpu.memory_space<vmem>> -> memref<128xi32, #tpu.memory_space<vmem>>
          %dma_start3A_67 = arith.constant 0 : i32
          %dma_start3A_68 = arith.constant 0 : i32
          %dma_start3A_69 = tpu.memref_slice %arg10[%dma_start3A_67, %dma_start3A_68] : memref<10240x128xf32, #tpu.memory_space<vmem_shared>> -> memref<10240x128xf32, #tpu.memory_space<vmem_shared>>
          tpu.enqueue_indirect_dma source(%arg8 : memref<128x128xf32, #tpu.memory_space<vmem>>) target(%dma_start3A_69 : memref<10240x128xf32, #tpu.memory_space<vmem_shared>>) offsets(%dma_start3A_66 : memref<128xi32, #tpu.memory_space<vmem>>) semaphore(%run_scoped3A : memref<!tpu.dma_semaphore, #tpu.memory_space<semaphore_mem>>) {add = true}
          %dma_wait3A_70 = arith.constant 0 : i32
          %dma_wait3A_71 = tpu.memref_slice %arg7[%add3A_37, %dma_wait3A_70] : memref<44x128xi32, #tpu.memory_space<vmem>> -> memref<1x128xi32, #tpu.memory_space<vmem>>
          %dma_wait3A_72 = tpu.memref_squeeze %dma_wait3A_71 : memref<1x128xi32, #tpu.memory_space<vmem>> -> memref<128xi32, #tpu.memory_space<vmem>>
          %dma_wait3A_73 = arith.constant 0 : i32
          %dma_wait3A_74 = arith.constant 0 : i32
          %dma_wait3A_75 = tpu.memref_slice %arg10[%dma_wait3A_73, %dma_wait3A_74] : memref<10240x128xf32, #tpu.memory_space<vmem_shared>> -> memref<10240x128xf32, #tpu.memory_space<vmem_shared>>
          tpu.wait_indirect_dma semaphore(%run_scoped3A : memref<!tpu.dma_semaphore, #tpu.memory_space<semaphore_mem>>) src(%arg8 : memref<128x128xf32, #tpu.memory_space<vmem>>) dst(%dma_wait3A_75 : memref<10240x128xf32, #tpu.memory_space<vmem_shared>>)
          tpu.yield
        }) : () -> ()
        %lt3A = arith.constant 9 : i32
        %lt3A_50 = arith.cmpi slt, %scan3A_33, %lt3A : i32
        %convert_element_type3A_51 = arith.extui %lt3A_50 : i1 to i32
        %cond3A_52 = arith.constant 0 : i32
        %cond3A_53 = arith.cmpi ne, %convert_element_type3A_51, %cond3A_52 : i32
        scf.if %cond3A_53 {
          %add3A_64 = arith.constant 2 : i32
          %add3A_65 = arith.addi %add3A_37, %add3A_64 : i32
          %dma_start3A_66 = arith.constant 0 : i32
          %dma_start3A_67 = tpu.memref_slice %arg6[%add3A_65, %dma_start3A_66] : memref<44x128xi32, #tpu.memory_space<vmem>> -> memref<1x128xi32, #tpu.memory_space<vmem>>
          %dma_start3A_68 = tpu.memref_squeeze %dma_start3A_67 : memref<1x128xi32, #tpu.memory_space<vmem>> -> memref<128xi32, #tpu.memory_space<vmem>>
          %dma_start3A_69 = arith.constant 0 : i32
          %dma_start3A_70 = arith.constant 0 : i32
          %dma_start3A_71 = tpu.memref_slice %arg2[%dma_start3A_69, %dma_start3A_70] : memref<10240x128xf32, #tpu.memory_space<hbm>> -> memref<10240x128xf32, #tpu.memory_space<hbm>>
          tpu.enqueue_indirect_dma source(%dma_start3A_71 : memref<10240x128xf32, #tpu.memory_space<hbm>>) target(%arg8 : memref<128x128xf32, #tpu.memory_space<vmem>>) offsets(%dma_start3A_68 : memref<128xi32, #tpu.memory_space<vmem>>) semaphore(%arg11 : memref<!tpu.dma_semaphore, #tpu.memory_space<semaphore_mem>>)
        } else {
        }
        %add3A_54 = arith.constant 1 : i32
        %add3A_55 = arith.addi %add3A_37, %add3A_54 : i32
        %dma_wait3A_56 = arith.constant 0 : i32
        %dma_wait3A_57 = tpu.memref_slice %arg6[%add3A_55, %dma_wait3A_56] : memref<44x128xi32, #tpu.memory_space<vmem>> -> memref<1x128xi32, #tpu.memory_space<vmem>>
        %dma_wait3A_58 = tpu.memref_squeeze %dma_wait3A_57 : memref<1x128xi32, #tpu.memory_space<vmem>> -> memref<128xi32, #tpu.memory_space<vmem>>
        %dma_wait3A_59 = arith.constant 0 : i32
        %dma_wait3A_60 = arith.constant 0 : i32
        %dma_wait3A_61 = tpu.memref_slice %arg2[%dma_wait3A_59, %dma_wait3A_60] : memref<10240x128xf32, #tpu.memory_space<hbm>> -> memref<10240x128xf32, #tpu.memory_space<hbm>>
        tpu.wait_indirect_dma semaphore(%arg12 : memref<!tpu.dma_semaphore, #tpu.memory_space<semaphore_mem>>) src(%dma_wait3A_61 : memref<10240x128xf32, #tpu.memory_space<hbm>>) dst(%arg9 : memref<128x128xf32, #tpu.memory_space<vmem>>)
        %add3A_62 = arith.constant 1 : i32
        %add3A_63 = arith.addi %add3A_37, %add3A_62 : i32
        "tpu.region"() ({
          %run_scoped3A = tpu.sem_alloc : memref<!tpu.dma_semaphore, #tpu.memory_space<semaphore_mem>>
          %dma_start3A_64 = arith.constant 0 : i32
          %dma_start3A_65 = tpu.memref_slice %arg7[%add3A_63, %dma_start3A_64] : memref<44x128xi32, #tpu.memory_space<vmem>> -> memref<1x128xi32, #tpu.memory_space<vmem>>
          %dma_start3A_66 = tpu.memref_squeeze %dma_start3A_65 : memref<1x128xi32, #tpu.memory_space<vmem>> -> memref<128xi32, #tpu.memory_space<vmem>>
          %dma_start3A_67 = arith.constant 0 : i32
          %dma_start3A_68 = arith.constant 0 : i32
          %dma_start3A_69 = tpu.memref_slice %arg10[%dma_start3A_67, %dma_start3A_68] : memref<10240x128xf32, #tpu.memory_space<vmem_shared>> -> memref<10240x128xf32, #tpu.memory_space<vmem_shared>>
          tpu.enqueue_indirect_dma source(%arg9 : memref<128x128xf32, #tpu.memory_space<vmem>>) target(%dma_start3A_69 : memref<10240x128xf32, #tpu.memory_space<vmem_shared>>) offsets(%dma_start3A_66 : memref<128xi32, #tpu.memory_space<vmem>>) semaphore(%run_scoped3A : memref<!tpu.dma_semaphore, #tpu.memory_space<semaphore_mem>>) {add = true}
          %dma_wait3A_70 = arith.constant 0 : i32
          %dma_wait3A_71 = tpu.memref_slice %arg7[%add3A_63, %dma_wait3A_70] : memref<44x128xi32, #tpu.memory_space<vmem>> -> memref<1x128xi32, #tpu.memory_space<vmem>>
          %dma_wait3A_72 = tpu.memref_squeeze %dma_wait3A_71 : memref<1x128xi32, #tpu.memory_space<vmem>> -> memref<128xi32, #tpu.memory_space<vmem>>
          %dma_wait3A_73 = arith.constant 0 : i32
          %dma_wait3A_74 = arith.constant 0 : i32
          %dma_wait3A_75 = tpu.memref_slice %arg10[%dma_wait3A_73, %dma_wait3A_74] : memref<10240x128xf32, #tpu.memory_space<vmem_shared>> -> memref<10240x128xf32, #tpu.memory_space<vmem_shared>>
          tpu.wait_indirect_dma semaphore(%run_scoped3A : memref<!tpu.dma_semaphore, #tpu.memory_space<semaphore_mem>>) src(%arg9 : memref<128x128xf32, #tpu.memory_space<vmem>>) dst(%dma_wait3A_75 : memref<10240x128xf32, #tpu.memory_space<vmem_shared>>)
          tpu.yield
        }) : () -> ()
      }
      %scan3A_32 = arith.constant 10 : i32
    } else {
    }
    %barrier3A_25 = arith.constant 0 : index
    tpu.barrier barrier_id(%barrier3A_25)
    %mul3A_26 = arith.constant 128 : i32
    %mul3A_27 = arith.muli %arg0, %mul3A_26 : i32
    "tpu.region"() ({
      %run_scoped3A = tpu.sem_alloc : memref<!tpu.dma_semaphore, #tpu.memory_space<semaphore_mem>>
      %dma_start3A = tpu.memref_slice %arg5[%mul3A_4, %mul3A_27] : memref<10240x256xf32, #tpu.memory_space<hbm>> -> memref<640x128xf32, #tpu.memory_space<hbm>>
      %dma_start3A_28 = arith.constant 0 : i32
      %dma_start3A_29 = tpu.memref_slice %arg10[%mul3A_4, %dma_start3A_28] : memref<10240x128xf32, #tpu.memory_space<vmem_shared>> -> memref<640x128xf32, #tpu.memory_space<vmem_shared>>
      tpu.enqueue_dma source(%dma_start3A_29 : memref<640x128xf32, #tpu.memory_space<vmem_shared>>) target(%dma_start3A : memref<640x128xf32, #tpu.memory_space<hbm>>) target_semaphore(%run_scoped3A : memref<!tpu.dma_semaphore, #tpu.memory_space<semaphore_mem>>)
      %dma_wait3A = tpu.memref_slice %arg5[%mul3A_4, %mul3A_27] : memref<10240x256xf32, #tpu.memory_space<hbm>> -> memref<640x128xf32, #tpu.memory_space<hbm>>
      %dma_wait3A_30 = arith.constant 0 : i32
      %dma_wait3A_31 = tpu.memref_slice %arg10[%mul3A_4, %dma_wait3A_30] : memref<10240x128xf32, #tpu.memory_space<vmem_shared>> -> memref<640x128xf32, #tpu.memory_space<vmem_shared>>
      tpu.wait_dma2 semaphore(%run_scoped3A : memref<!tpu.dma_semaphore, #tpu.memory_space<semaphore_mem>>) src(%dma_wait3A_31 : memref<640x128xf32, #tpu.memory_space<vmem_shared>>) dst(%dma_wait3A : memref<640x128xf32, #tpu.memory_space<hbm>>)
      tpu.yield
    }) : () -> ()
    return
  }
}

#map = affine_map<(d0, d1) -> (0, 0, 0)>
#map1 = affine_map<(d0, d1) -> (0)>
#map2 = affine_map<(d0, d1) -> (0, 0)>
module attributes {stable_mosaic.version = 14 : i64} {
  func.func @_sc_degree_body(%arg0: i32, %arg1: i32, %arg2: memref<2x2500x128xi32, #tpu.memory_space<hbm>>, %arg3: memref<128xf32, #tpu.memory_space<hbm>>, %arg4: memref<10240xf32, #tpu.memory_space<hbm>>, %arg5: memref<2x10240xf32, #tpu.memory_space<hbm>>, %arg6: memref<80x128xi32, #tpu.memory_space<vmem>>, %arg7: memref<128xf32, #tpu.memory_space<vmem>>, %arg8: memref<10240xf32, #tpu.memory_space<vmem_shared>>) attributes {dimension_semantics = [#tpu.dimension_semantics<core_parallel>, #tpu.dimension_semantics<subcore_parallel>], iteration_bounds = array<i64: 2, 16>, scalar_prefetch = 0 : i64, scratch_operands = 3 : i64, tpu.core_type = #tpu.core_type<sc_vector_subcore>, window_params = [{transform_indices = #map}, {transform_indices = #map1}, {transform_indices = #map1}, {transform_indices = #map2}]} {
    %mul3A = arith.constant 2 : i32
    %mul3A_0 = arith.muli %arg1, %mul3A : i32
    %add3A = arith.addi %mul3A_0, %arg0 : i32
    %eq3A = arith.constant 31 : i32
    %eq3A_1 = arith.cmpi eq, %add3A, %eq3A : i32
    %jit3A = arith.constant 20 : i32
    %jit3A_2 = arith.constant 80 : i32
    %select_n3A = arith.select %eq3A_1, %jit3A, %jit3A_2 : i32
    %jit3A_3 = arith.constant 24 : i32
    %jit3A_4 = arith.constant 0 : i32
    %select_n3A_5 = arith.select %eq3A_1, %jit3A_3, %jit3A_4 : i32
    %mul3A_6 = arith.constant 640 : i32
    %mul3A_7 = arith.muli %arg1, %mul3A_6 : i32
    "tpu.region"() ({
      %run_scoped3A = tpu.sem_alloc : memref<!tpu.dma_semaphore, #tpu.memory_space<semaphore_mem>>
      %dma_start3A = tpu.memref_slice %arg8[%mul3A_7] : memref<10240xf32, #tpu.memory_space<vmem_shared>> -> memref<640xf32, #tpu.memory_space<vmem_shared>>
      %dma_start3A_23 = tpu.memref_slice %arg4[%mul3A_7] : memref<10240xf32, #tpu.memory_space<hbm>> -> memref<640xf32, #tpu.memory_space<hbm>>
      tpu.enqueue_dma source(%dma_start3A_23 : memref<640xf32, #tpu.memory_space<hbm>>) target(%dma_start3A : memref<640xf32, #tpu.memory_space<vmem_shared>>) target_semaphore(%run_scoped3A : memref<!tpu.dma_semaphore, #tpu.memory_space<semaphore_mem>>)
      %dma_wait3A = tpu.memref_slice %arg8[%mul3A_7] : memref<10240xf32, #tpu.memory_space<vmem_shared>> -> memref<640xf32, #tpu.memory_space<vmem_shared>>
      %dma_wait3A_24 = tpu.memref_slice %arg4[%mul3A_7] : memref<10240xf32, #tpu.memory_space<hbm>> -> memref<640xf32, #tpu.memory_space<hbm>>
      tpu.wait_dma2 semaphore(%run_scoped3A : memref<!tpu.dma_semaphore, #tpu.memory_space<semaphore_mem>>) src(%dma_wait3A_24 : memref<640xf32, #tpu.memory_space<hbm>>) dst(%dma_wait3A : memref<640xf32, #tpu.memory_space<vmem_shared>>)
      tpu.yield
    }) : () -> ()
    %not3A = arith.constant true
    %not3A_8 = arith.xori %eq3A_1, %not3A : i1
    %convert_element_type3A = arith.extui %not3A_8 : i1 to i32
    %cond3A = arith.constant 0 : i32
    %cond3A_9 = arith.cmpi ne, %convert_element_type3A, %cond3A : i32
    scf.if %cond3A_9 {
      %mul3A_23 = arith.constant 80 : i32
      %mul3A_24 = arith.muli %add3A, %mul3A_23 : i32
      %run_scoped3A = arith.constant 1 : i32
      "tpu.region"() ({
        %run_scoped3A_25 = tpu.sem_alloc : memref<!tpu.dma_semaphore, #tpu.memory_space<semaphore_mem>>
        %dma_start3A = arith.constant 0 : i32
        %dma_start3A_26 = arith.constant 0 : i32
        %dma_start3A_27 = tpu.memref_slice %arg6[%dma_start3A, %dma_start3A_26] : memref<80x128xi32, #tpu.memory_space<vmem>> -> memref<80x128xi32, #tpu.memory_space<vmem>>
        %dma_start3A_28 = arith.constant 0 : i32
        %dma_start3A_29 = tpu.memref_slice %arg2[%run_scoped3A, %mul3A_24, %dma_start3A_28] : memref<2x2500x128xi32, #tpu.memory_space<hbm>> -> memref<1x80x128xi32, #tpu.memory_space<hbm>>
        %dma_start3A_30 = tpu.memref_squeeze %dma_start3A_29 : memref<1x80x128xi32, #tpu.memory_space<hbm>> -> memref<80x128xi32, #tpu.memory_space<hbm>>
        %dma_start3A_31 = arith.constant 0 : i32
        %dma_start3A_32 = arith.constant 0 : i32
        %dma_start3A_33 = tpu.memref_slice %arg6[%dma_start3A_31, %dma_start3A_32] : memref<80x128xi32, #tpu.memory_space<vmem>> -> memref<80x128xi32, #tpu.memory_space<vmem>>
        %dma_start3A_34 = arith.constant 0 : i32
        %dma_start3A_35 = tpu.memref_slice %arg2[%run_scoped3A, %mul3A_24, %dma_start3A_34] : memref<2x2500x128xi32, #tpu.memory_space<hbm>> -> memref<1x80x128xi32, #tpu.memory_space<hbm>>
        %dma_start3A_36 = tpu.memref_squeeze %dma_start3A_35 : memref<1x80x128xi32, #tpu.memory_space<hbm>> -> memref<80x128xi32, #tpu.memory_space<hbm>>
        tpu.enqueue_dma source(%dma_start3A_36 : memref<80x128xi32, #tpu.memory_space<hbm>>) target(%dma_start3A_33 : memref<80x128xi32, #tpu.memory_space<vmem>>) target_semaphore(%run_scoped3A_25 : memref<!tpu.dma_semaphore, #tpu.memory_space<semaphore_mem>>)
        %dma_wait3A = arith.constant 0 : i32
        %dma_wait3A_37 = arith.constant 0 : i32
        %dma_wait3A_38 = tpu.memref_slice %arg6[%dma_wait3A, %dma_wait3A_37] : memref<80x128xi32, #tpu.memory_space<vmem>> -> memref<80x128xi32, #tpu.memory_space<vmem>>
        %dma_wait3A_39 = arith.constant 0 : i32
        %dma_wait3A_40 = tpu.memref_slice %arg2[%run_scoped3A, %mul3A_24, %dma_wait3A_39] : memref<2x2500x128xi32, #tpu.memory_space<hbm>> -> memref<1x80x128xi32, #tpu.memory_space<hbm>>
        %dma_wait3A_41 = tpu.memref_squeeze %dma_wait3A_40 : memref<1x80x128xi32, #tpu.memory_space<hbm>> -> memref<80x128xi32, #tpu.memory_space<hbm>>
        %dma_wait3A_42 = arith.constant 0 : i32
        %dma_wait3A_43 = arith.constant 0 : i32
        %dma_wait3A_44 = tpu.memref_slice %arg6[%dma_wait3A_42, %dma_wait3A_43] : memref<80x128xi32, #tpu.memory_space<vmem>> -> memref<80x128xi32, #tpu.memory_space<vmem>>
        %dma_wait3A_45 = arith.constant 0 : i32
        %dma_wait3A_46 = tpu.memref_slice %arg2[%run_scoped3A, %mul3A_24, %dma_wait3A_45] : memref<2x2500x128xi32, #tpu.memory_space<hbm>> -> memref<1x80x128xi32, #tpu.memory_space<hbm>>
        %dma_wait3A_47 = tpu.memref_squeeze %dma_wait3A_46 : memref<1x80x128xi32, #tpu.memory_space<hbm>> -> memref<80x128xi32, #tpu.memory_space<hbm>>
        tpu.wait_dma2 semaphore(%run_scoped3A_25 : memref<!tpu.dma_semaphore, #tpu.memory_space<semaphore_mem>>) src(%dma_wait3A_47 : memref<80x128xi32, #tpu.memory_space<hbm>>) dst(%dma_wait3A_44 : memref<80x128xi32, #tpu.memory_space<vmem>>)
        tpu.yield
      }) : () -> ()
    } else {
    }
    %convert_element_type3A_10 = arith.extui %eq3A_1 : i1 to i32
    %cond3A_11 = arith.constant 0 : i32
    %cond3A_12 = arith.cmpi ne, %convert_element_type3A_10, %cond3A_11 : i32
    scf.if %cond3A_12 {
      %run_scoped3A = arith.constant 1 : i32
      "tpu.region"() ({
        %run_scoped3A_23 = tpu.sem_alloc : memref<!tpu.dma_semaphore, #tpu.memory_space<semaphore_mem>>
        %dma_start3A = arith.constant 0 : i32
        %dma_start3A_24 = arith.constant 0 : i32
        %dma_start3A_25 = tpu.memref_slice %arg6[%dma_start3A, %dma_start3A_24] : memref<80x128xi32, #tpu.memory_space<vmem>> -> memref<44x128xi32, #tpu.memory_space<vmem>>
        %dma_start3A_26 = arith.constant 2456 : i32
        %dma_start3A_27 = arith.constant 0 : i32
        %dma_start3A_28 = tpu.memref_slice %arg2[%run_scoped3A, %dma_start3A_26, %dma_start3A_27] : memref<2x2500x128xi32, #tpu.memory_space<hbm>> -> memref<1x44x128xi32, #tpu.memory_space<hbm>>
        %dma_start3A_29 = tpu.memref_squeeze %dma_start3A_28 : memref<1x44x128xi32, #tpu.memory_space<hbm>> -> memref<44x128xi32, #tpu.memory_space<hbm>>
        %dma_start3A_30 = arith.constant 0 : i32
        %dma_start3A_31 = arith.constant 0 : i32
        %dma_start3A_32 = tpu.memref_slice %arg6[%dma_start3A_30, %dma_start3A_31] : memref<80x128xi32, #tpu.memory_space<vmem>> -> memref<44x128xi32, #tpu.memory_space<vmem>>
        %dma_start3A_33 = arith.constant 2456 : i32
        %dma_start3A_34 = arith.constant 0 : i32
        %dma_start3A_35 = tpu.memref_slice %arg2[%run_scoped3A, %dma_start3A_33, %dma_start3A_34] : memref<2x2500x128xi32, #tpu.memory_space<hbm>> -> memref<1x44x128xi32, #tpu.memory_space<hbm>>
        %dma_start3A_36 = tpu.memref_squeeze %dma_start3A_35 : memref<1x44x128xi32, #tpu.memory_space<hbm>> -> memref<44x128xi32, #tpu.memory_space<hbm>>
        tpu.enqueue_dma source(%dma_start3A_36 : memref<44x128xi32, #tpu.memory_space<hbm>>) target(%dma_start3A_32 : memref<44x128xi32, #tpu.memory_space<vmem>>) target_semaphore(%run_scoped3A_23 : memref<!tpu.dma_semaphore, #tpu.memory_space<semaphore_mem>>)
        %dma_wait3A = arith.constant 0 : i32
        %dma_wait3A_37 = arith.constant 0 : i32
        %dma_wait3A_38 = tpu.memref_slice %arg6[%dma_wait3A, %dma_wait3A_37] : memref<80x128xi32, #tpu.memory_space<vmem>> -> memref<44x128xi32, #tpu.memory_space<vmem>>
        %dma_wait3A_39 = arith.constant 2456 : i32
        %dma_wait3A_40 = arith.constant 0 : i32
        %dma_wait3A_41 = tpu.memref_slice %arg2[%run_scoped3A, %dma_wait3A_39, %dma_wait3A_40] : memref<2x2500x128xi32, #tpu.memory_space<hbm>> -> memref<1x44x128xi32, #tpu.memory_space<hbm>>
        %dma_wait3A_42 = tpu.memref_squeeze %dma_wait3A_41 : memref<1x44x128xi32, #tpu.memory_space<hbm>> -> memref<44x128xi32, #tpu.memory_space<hbm>>
        %dma_wait3A_43 = arith.constant 0 : i32
        %dma_wait3A_44 = arith.constant 0 : i32
        %dma_wait3A_45 = tpu.memref_slice %arg6[%dma_wait3A_43, %dma_wait3A_44] : memref<80x128xi32, #tpu.memory_space<vmem>> -> memref<44x128xi32, #tpu.memory_space<vmem>>
        %dma_wait3A_46 = arith.constant 2456 : i32
        %dma_wait3A_47 = arith.constant 0 : i32
        %dma_wait3A_48 = tpu.memref_slice %arg2[%run_scoped3A, %dma_wait3A_46, %dma_wait3A_47] : memref<2x2500x128xi32, #tpu.memory_space<hbm>> -> memref<1x44x128xi32, #tpu.memory_space<hbm>>
        %dma_wait3A_49 = tpu.memref_squeeze %dma_wait3A_48 : memref<1x44x128xi32, #tpu.memory_space<hbm>> -> memref<44x128xi32, #tpu.memory_space<hbm>>
        tpu.wait_dma2 semaphore(%run_scoped3A_23 : memref<!tpu.dma_semaphore, #tpu.memory_space<semaphore_mem>>) src(%dma_wait3A_49 : memref<44x128xi32, #tpu.memory_space<hbm>>) dst(%dma_wait3A_45 : memref<44x128xi32, #tpu.memory_space<vmem>>)
        tpu.yield
      }) : () -> ()
    } else {
    }
    "tpu.region"() ({
      %run_scoped3A = tpu.sem_alloc : memref<!tpu.dma_semaphore, #tpu.memory_space<semaphore_mem>>
      tpu.enqueue_dma source(%arg3 : memref<128xf32, #tpu.memory_space<hbm>>) target(%arg7 : memref<128xf32, #tpu.memory_space<vmem>>) target_semaphore(%run_scoped3A : memref<!tpu.dma_semaphore, #tpu.memory_space<semaphore_mem>>)
      tpu.wait_dma2 semaphore(%run_scoped3A : memref<!tpu.dma_semaphore, #tpu.memory_space<semaphore_mem>>) src(%arg3 : memref<128xf32, #tpu.memory_space<hbm>>) dst(%arg7 : memref<128xf32, #tpu.memory_space<vmem>>)
      tpu.yield
    }) : () -> ()
    %barrier3A = arith.constant 0 : index
    tpu.barrier barrier_id(%barrier3A)
    %while3A = arith.constant 0 : i32
    %while3A_13 = arith.constant 0 : i32
    %while3A_14 = arith.subi %select_n3A, %while3A_13 : i32
    %while3A_15 = arith.addi %while3A_13, %while3A_14 : i32
    %while3A_16 = arith.constant 1 : i32
    %while3A_17 = arith.divsi %while3A_14, %while3A_16 : i32
    %while3A_18 = arith.muli %while3A_17, %while3A_16 : i32
    %while3A_19 = arith.addi %while3A_13, %while3A_18 : i32
    %while3A_20 = arith.constant 1 : i32
    scf.for %while3A_23 = %while3A_13 to %while3A_19 step %while3A_20  : i32 {
      %add3A_24 = arith.addi %select_n3A_5, %while3A_23 : i32
      "tpu.region"() ({
        %run_scoped3A = tpu.sem_alloc : memref<!tpu.dma_semaphore, #tpu.memory_space<semaphore_mem>>
        %dma_start3A = arith.constant 0 : i32
        %dma_start3A_25 = tpu.memref_slice %arg6[%add3A_24, %dma_start3A] : memref<80x128xi32, #tpu.memory_space<vmem>> -> memref<1x128xi32, #tpu.memory_space<vmem>>
        %dma_start3A_26 = tpu.memref_squeeze %dma_start3A_25 : memref<1x128xi32, #tpu.memory_space<vmem>> -> memref<128xi32, #tpu.memory_space<vmem>>
        %dma_start3A_27 = arith.constant 0 : i32
        %dma_start3A_28 = tpu.memref_slice %arg8[%dma_start3A_27] : memref<10240xf32, #tpu.memory_space<vmem_shared>> -> memref<10240xf32, #tpu.memory_space<vmem_shared>>
        tpu.enqueue_indirect_dma source(%arg7 : memref<128xf32, #tpu.memory_space<vmem>>) target(%dma_start3A_28 : memref<10240xf32, #tpu.memory_space<vmem_shared>>) offsets(%dma_start3A_26 : memref<128xi32, #tpu.memory_space<vmem>>) semaphore(%run_scoped3A : memref<!tpu.dma_semaphore, #tpu.memory_space<semaphore_mem>>) {add = true}
        %dma_wait3A = arith.constant 0 : i32
        %dma_wait3A_29 = tpu.memref_slice %arg6[%add3A_24, %dma_wait3A] : memref<80x128xi32, #tpu.memory_space<vmem>> -> memref<1x128xi32, #tpu.memory_space<vmem>>
        %dma_wait3A_30 = tpu.memref_squeeze %dma_wait3A_29 : memref<1x128xi32, #tpu.memory_space<vmem>> -> memref<128xi32, #tpu.memory_space<vmem>>
        %dma_wait3A_31 = arith.constant 0 : i32
        %dma_wait3A_32 = tpu.memref_slice %arg8[%dma_wait3A_31] : memref<10240xf32, #tpu.memory_space<vmem_shared>> -> memref<10240xf32, #tpu.memory_space<vmem_shared>>
        tpu.wait_indirect_dma semaphore(%run_scoped3A : memref<!tpu.dma_semaphore, #tpu.memory_space<semaphore_mem>>) src(%arg7 : memref<128xf32, #tpu.memory_space<vmem>>) dst(%dma_wait3A_32 : memref<10240xf32, #tpu.memory_space<vmem_shared>>)
        tpu.yield
      }) : () -> ()
    }
    %while3A_21 = arith.constant 1 : i32
    scf.for %while3A_23 = %while3A_19 to %while3A_15 step %while3A_21  : i32 {
      %add3A_24 = arith.addi %select_n3A_5, %while3A_23 : i32
      "tpu.region"() ({
        %run_scoped3A = tpu.sem_alloc : memref<!tpu.dma_semaphore, #tpu.memory_space<semaphore_mem>>
        %dma_start3A = arith.constant 0 : i32
        %dma_start3A_25 = tpu.memref_slice %arg6[%add3A_24, %dma_start3A] : memref<80x128xi32, #tpu.memory_space<vmem>> -> memref<1x128xi32, #tpu.memory_space<vmem>>
        %dma_start3A_26 = tpu.memref_squeeze %dma_start3A_25 : memref<1x128xi32, #tpu.memory_space<vmem>> -> memref<128xi32, #tpu.memory_space<vmem>>
        %dma_start3A_27 = arith.constant 0 : i32
        %dma_start3A_28 = tpu.memref_slice %arg8[%dma_start3A_27] : memref<10240xf32, #tpu.memory_space<vmem_shared>> -> memref<10240xf32, #tpu.memory_space<vmem_shared>>
        tpu.enqueue_indirect_dma source(%arg7 : memref<128xf32, #tpu.memory_space<vmem>>) target(%dma_start3A_28 : memref<10240xf32, #tpu.memory_space<vmem_shared>>) offsets(%dma_start3A_26 : memref<128xi32, #tpu.memory_space<vmem>>) semaphore(%run_scoped3A : memref<!tpu.dma_semaphore, #tpu.memory_space<semaphore_mem>>) {add = true}
        %dma_wait3A = arith.constant 0 : i32
        %dma_wait3A_29 = tpu.memref_slice %arg6[%add3A_24, %dma_wait3A] : memref<80x128xi32, #tpu.memory_space<vmem>> -> memref<1x128xi32, #tpu.memory_space<vmem>>
        %dma_wait3A_30 = tpu.memref_squeeze %dma_wait3A_29 : memref<1x128xi32, #tpu.memory_space<vmem>> -> memref<128xi32, #tpu.memory_space<vmem>>
        %dma_wait3A_31 = arith.constant 0 : i32
        %dma_wait3A_32 = tpu.memref_slice %arg8[%dma_wait3A_31] : memref<10240xf32, #tpu.memory_space<vmem_shared>> -> memref<10240xf32, #tpu.memory_space<vmem_shared>>
        tpu.wait_indirect_dma semaphore(%run_scoped3A : memref<!tpu.dma_semaphore, #tpu.memory_space<semaphore_mem>>) src(%arg7 : memref<128xf32, #tpu.memory_space<vmem>>) dst(%dma_wait3A_32 : memref<10240xf32, #tpu.memory_space<vmem_shared>>)
        tpu.yield
      }) : () -> ()
    }
    %barrier3A_22 = arith.constant 0 : index
    tpu.barrier barrier_id(%barrier3A_22)
    "tpu.region"() ({
      %run_scoped3A = tpu.sem_alloc : memref<!tpu.dma_semaphore, #tpu.memory_space<semaphore_mem>>
      %dma_start3A = tpu.memref_slice %arg5[%arg0, %mul3A_7] : memref<2x10240xf32, #tpu.memory_space<hbm>> -> memref<1x640xf32, #tpu.memory_space<hbm>>
      %dma_start3A_23 = tpu.memref_squeeze %dma_start3A : memref<1x640xf32, #tpu.memory_space<hbm>> -> memref<640xf32, #tpu.memory_space<hbm>>
      %dma_start3A_24 = tpu.memref_slice %arg8[%mul3A_7] : memref<10240xf32, #tpu.memory_space<vmem_shared>> -> memref<640xf32, #tpu.memory_space<vmem_shared>>
      tpu.enqueue_dma source(%dma_start3A_24 : memref<640xf32, #tpu.memory_space<vmem_shared>>) target(%dma_start3A_23 : memref<640xf32, #tpu.memory_space<hbm>>) target_semaphore(%run_scoped3A : memref<!tpu.dma_semaphore, #tpu.memory_space<semaphore_mem>>)
      %dma_wait3A = tpu.memref_slice %arg5[%arg0, %mul3A_7] : memref<2x10240xf32, #tpu.memory_space<hbm>> -> memref<1x640xf32, #tpu.memory_space<hbm>>
      %dma_wait3A_25 = tpu.memref_squeeze %dma_wait3A : memref<1x640xf32, #tpu.memory_space<hbm>> -> memref<640xf32, #tpu.memory_space<hbm>>
      %dma_wait3A_26 = tpu.memref_slice %arg8[%mul3A_7] : memref<10240xf32, #tpu.memory_space<vmem_shared>> -> memref<640xf32, #tpu.memory_space<vmem_shared>>
      tpu.wait_dma2 semaphore(%run_scoped3A : memref<!tpu.dma_semaphore, #tpu.memory_space<semaphore_mem>>) src(%dma_wait3A_26 : memref<640xf32, #tpu.memory_space<vmem_shared>>) dst(%dma_wait3A_25 : memref<640xf32, #tpu.memory_space<hbm>>)
      tpu.yield
    }) : () -> ()
    return
  }
}

module attributes {stable_mosaic.version = 14 : i64} {
  func.func @_tc_mm_body(%arg0: i32, %arg1: memref<2000x128xf32, #tpu.memory_space<vmem>>, %arg2: memref<128x128xf32, #tpu.memory_space<vmem>>, %arg3: memref<2000x128xf32, #tpu.memory_space<vmem>>) attributes {dimension_semantics = [#tpu.dimension_semantics<arbitrary>], iteration_bounds = array<i64: 5>, scalar_prefetch = 0 : i64, scratch_operands = 0 : i64, tpu.core_type = #tpu.core_type<tc>, window_params = [{transform_indices = @transform_0, window_bounds = array<i64: 2000, 128>}, {pipeline_mode = #tpu.pipeline_mode<synchronous>, transform_indices = @transform_1, window_bounds = array<i64: 128, 128>}, {transform_indices = @transform_2, window_bounds = array<i64: 2000, 128>}]} {
    %get3A = arith.constant 0 : index
    %get3A_0 = arith.constant 0 : index
    %get3A_1 = vector.load %arg1[%get3A, %get3A_0] : memref<2000x128xf32, #tpu.memory_space<vmem>>, vector<2000x128xf32>
    %get3A_2 = arith.constant 0 : index
    %get3A_3 = arith.constant 0 : index
    %get3A_4 = vector.load %arg2[%get3A_2, %get3A_3] : memref<128x128xf32, #tpu.memory_space<vmem>>, vector<128x128xf32>
    %dot_general3A = arith.constant dense<0.000000e+00> : vector<2000x128xf32>
    %dot_general3A_5 = tpu.matmul %get3A_1, %get3A_4, %dot_general3A {dimension_numbers = #tpu.dot_dimension_numbers<[1], [0], [0], [1], [0, 0, 1, 1], [], []>, transpose_lhs_hint = false} : vector<2000x128xf32>, vector<128x128xf32>, vector<2000x128xf32> -> vector<2000x128xf32>
    %swap3A = arith.constant 0 : index
    %swap3A_6 = arith.constant 0 : index
    %swap3A_7 = vector.load %arg3[%swap3A, %swap3A_6] : memref<2000x128xf32, #tpu.memory_space<vmem>>, vector<2000x128xf32>
    tpu.vector_store %arg3[%swap3A, %swap3A_6], %dot_general3A_5 {strides = array<i32>} : memref<2000x128xf32, #tpu.memory_space<vmem>>, vector<2000x128xf32>,
    return
  }
  func.func @transform_0(%arg0: i32) -> (i32, i32) {
    %c0_i32 = arith.constant 0 : i32
    %c0_i32_0 = arith.constant 0 : i32
    return %arg0, %c0_i32 : i32, i32
  }
  func.func @transform_1(%arg0: i32) -> (i32, i32) {
    %c0_i32 = arith.constant 0 : i32
    %c0_i32_0 = arith.constant 0 : i32
    %c0_i32_1 = arith.constant 0 : i32
    return %c0_i32, %c0_i32_0 : i32, i32
  }
  func.func @transform_2(%arg0: i32) -> (i32, i32) {
    %c0_i32 = arith.constant 0 : i32
    %c0_i32_0 = arith.constant 0 : i32
    return %arg0, %c0_i32 : i32, i32
  }
}

module attributes {stable_mosaic.version = 14 : i64} {
  func.func @_tc_dinv_body(%arg0: i32, %arg1: memref<2x1280xf32, #tpu.memory_space<vmem>>, %arg2: memref<1280x128xf32, #tpu.memory_space<vmem>>) attributes {dimension_semantics = [#tpu.dimension_semantics<arbitrary>], iteration_bounds = array<i64: 8>, scalar_prefetch = 0 : i64, scratch_operands = 0 : i64, tpu.core_type = #tpu.core_type<tc>, window_params = [{transform_indices = @transform_0, window_bounds = array<i64: 2, 1280>}, {transform_indices = @transform_1, window_bounds = array<i64: 1280, 128>}]} {
    %get3A = arith.constant 0 : index
    %get3A_0 = arith.constant 0 : index
    %get3A_1 = vector.load %arg1[%get3A, %get3A_0] : memref<2x1280xf32, #tpu.memory_space<vmem>>, vector<1x1280xf32>
    %get3A_2 = arith.constant 1 : index
    %get3A_3 = arith.constant 0 : index
    %get3A_4 = vector.load %arg1[%get3A_2, %get3A_3] : memref<2x1280xf32, #tpu.memory_space<vmem>>, vector<1x1280xf32>
    %add3A = arith.addf %get3A_1, %get3A_4 : vector<1x1280xf32>
    %add3A_5 = arith.constant 1.000000e+00 : f32
    %add3A_6 = vector.broadcast %add3A_5 : f32 to vector<1x1280xf32>
    %add3A_7 = arith.addf %add3A, %add3A_6 : vector<1x1280xf32>
    %rsqrt3A = math.rsqrt %add3A_7 : vector<1x1280xf32>
    %broadcast_in_dim3A = vector.shape_cast %rsqrt3A : vector<1x1280xf32> to vector<1x1280xf32>
    %broadcast_in_dim3A_8 = vector.broadcast %broadcast_in_dim3A : vector<1x1280xf32> to vector<128x1280xf32>
    %transpose3A = tpu.transpose %broadcast_in_dim3A_8, [1, 0] : vector<128x1280xf32> -> vector<1280x128xf32>
    %swap3A = arith.constant 0 : index
    %swap3A_9 = arith.constant 0 : index
    %swap3A_10 = vector.load %arg2[%swap3A, %swap3A_9] : memref<1280x128xf32, #tpu.memory_space<vmem>>, vector<1280x128xf32>
    tpu.vector_store %arg2[%swap3A, %swap3A_9], %transpose3A {strides = array<i32>} : memref<1280x128xf32, #tpu.memory_space<vmem>>, vector<1280x128xf32>,
    return
  }
  func.func @transform_0(%arg0: i32) -> (i32, i32) {
    %c0_i32 = arith.constant 0 : i32
    %c0_i32_0 = arith.constant 0 : i32
    return %c0_i32, %arg0 : i32, i32
  }
  func.func @transform_1(%arg0: i32) -> (i32, i32) {
    %c0_i32 = arith.constant 0 : i32
    %c0_i32_0 = arith.constant 0 : i32
    return %arg0, %c0_i32 : i32, i32
  }
}

module attributes {stable_mosaic.version = 14 : i64} {
  func.func @_tc_scale_body(%arg0: i32, %arg1: memref<2000x128xf32, #tpu.memory_space<vmem>>, %arg2: memref<2000x128xf32, #tpu.memory_space<vmem>>, %arg3: memref<2000x128xf32, #tpu.memory_space<vmem>>) attributes {dimension_semantics = [#tpu.dimension_semantics<arbitrary>], iteration_bounds = array<i64: 5>, scalar_prefetch = 0 : i64, scratch_operands = 0 : i64, tpu.core_type = #tpu.core_type<tc>, window_params = [{transform_indices = @transform_0, window_bounds = array<i64: 2000, 128>}, {transform_indices = @transform_1, window_bounds = array<i64: 2000, 128>}, {transform_indices = @transform_2, window_bounds = array<i64: 2000, 128>}]} {
    %get3A = arith.constant 0 : index
    %get3A_0 = arith.constant 0 : index
    %get3A_1 = vector.load %arg1[%get3A, %get3A_0] : memref<2000x128xf32, #tpu.memory_space<vmem>>, vector<2000x128xf32>
    %get3A_2 = arith.constant 0 : index
    %get3A_3 = arith.constant 0 : index
    %get3A_4 = vector.load %arg2[%get3A_2, %get3A_3] : memref<2000x128xf32, #tpu.memory_space<vmem>>, vector<2000x128xf32>
    %mul3A = arith.mulf %get3A_1, %get3A_4 : vector<2000x128xf32>
    %swap3A = arith.constant 0 : index
    %swap3A_5 = arith.constant 0 : index
    %swap3A_6 = vector.load %arg3[%swap3A, %swap3A_5] : memref<2000x128xf32, #tpu.memory_space<vmem>>, vector<2000x128xf32>
    tpu.vector_store %arg3[%swap3A, %swap3A_5], %mul3A {strides = array<i32>} : memref<2000x128xf32, #tpu.memory_space<vmem>>, vector<2000x128xf32>,
    return
  }
  func.func @transform_0(%arg0: i32) -> (i32, i32) {
    %c0_i32 = arith.constant 0 : i32
    %c0_i32_0 = arith.constant 0 : i32
    return %arg0, %c0_i32 : i32, i32
  }
  func.func @transform_1(%arg0: i32) -> (i32, i32) {
    %c0_i32 = arith.constant 0 : i32
    %c0_i32_0 = arith.constant 0 : i32
    return %arg0, %c0_i32 : i32, i32
  }
  func.func @transform_2(%arg0: i32) -> (i32, i32) {
    %c0_i32 = arith.constant 0 : i32
    %c0_i32_0 = arith.constant 0 : i32
    return %arg0, %c0_i32 : i32, i32
  }
}

module attributes {stable_mosaic.version = 14 : i64} {
  func.func @_tc_mid_body(%arg0: i32, %arg1: memref<2000x256xf32, #tpu.memory_space<vmem>>, %arg2: memref<2000x128xf32, #tpu.memory_space<vmem>>, %arg3: memref<1x128xf32, #tpu.memory_space<vmem>>, %arg4: memref<128x128xf32, #tpu.memory_space<vmem>>, %arg5: memref<2000x128xf32, #tpu.memory_space<vmem>>) attributes {dimension_semantics = [#tpu.dimension_semantics<arbitrary>], iteration_bounds = array<i64: 5>, scalar_prefetch = 0 : i64, scratch_operands = 0 : i64, tpu.core_type = #tpu.core_type<tc>, window_params = [{transform_indices = @transform_0, window_bounds = array<i64: 2000, 256>}, {transform_indices = @transform_1, window_bounds = array<i64: 2000, 128>}, {pipeline_mode = #tpu.pipeline_mode<synchronous>, transform_indices = @transform_2, window_bounds = array<i64: 1, 128>}, {pipeline_mode = #tpu.pipeline_mode<synchronous>, transform_indices = @transform_3, window_bounds = array<i64: 128, 128>}, {transform_indices = @transform_4, window_bounds = array<i64: 2000, 128>}]} {
    %get3A = arith.constant 0 : index
    %get3A_0 = arith.constant 0 : index
    %get3A_1 = vector.load %arg2[%get3A, %get3A_0] : memref<2000x128xf32, #tpu.memory_space<vmem>>, vector<2000x128xf32>
    %get3A_2 = arith.constant 0 : index
    %get3A_3 = arith.constant 0 : index
    %get3A_4 = vector.load %arg1[%get3A_2, %get3A_3] : memref<2000x256xf32, #tpu.memory_space<vmem>>, vector<2000x128xf32>
    %get3A_5 = arith.constant 0 : index
    %get3A_6 = arith.constant 128 : index
    %get3A_7 = vector.load %arg1[%get3A_5, %get3A_6] : memref<2000x256xf32, #tpu.memory_space<vmem>>, vector<2000x128xf32>
    %add3A = arith.addf %get3A_4, %get3A_7 : vector<2000x128xf32>
    %mul3A = arith.mulf %get3A_1, %add3A : vector<2000x128xf32>
    %get3A_8 = arith.constant 0 : index
    %get3A_9 = arith.constant 0 : index
    %get3A_10 = vector.load %arg3[%get3A_8, %get3A_9] : memref<1x128xf32, #tpu.memory_space<vmem>>, vector<1x128xf32>
    %add3A_11 = vector.broadcast %get3A_10 : vector<1x128xf32> to vector<2000x128xf32>
    %add3A_12 = arith.addf %mul3A, %add3A_11 : vector<2000x128xf32>
    %max3A = arith.constant 0.000000e+00 : f32
    %max3A_13 = vector.broadcast %max3A : f32 to vector<2000x128xf32>
    %max3A_14 = arith.maximumf %add3A_12, %max3A_13 : vector<2000x128xf32>
    %get3A_15 = arith.constant 0 : index
    %get3A_16 = arith.constant 0 : index
    %get3A_17 = vector.load %arg4[%get3A_15, %get3A_16] : memref<128x128xf32, #tpu.memory_space<vmem>>, vector<128x128xf32>
    %dot_general3A = arith.constant dense<0.000000e+00> : vector<2000x128xf32>
    %dot_general3A_18 = tpu.matmul %max3A_14, %get3A_17, %dot_general3A {dimension_numbers = #tpu.dot_dimension_numbers<[1], [0], [0], [1], [0, 0, 1, 1], [], []>, transpose_lhs_hint = false} : vector<2000x128xf32>, vector<128x128xf32>, vector<2000x128xf32> -> vector<2000x128xf32>
    %mul3A_19 = arith.mulf %dot_general3A_18, %get3A_1 : vector<2000x128xf32>
    %swap3A = arith.constant 0 : index
    %swap3A_20 = arith.constant 0 : index
    %swap3A_21 = vector.load %arg5[%swap3A, %swap3A_20] : memref<2000x128xf32, #tpu.memory_space<vmem>>, vector<2000x128xf32>
    tpu.vector_store %arg5[%swap3A, %swap3A_20], %mul3A_19 {strides = array<i32>} : memref<2000x128xf32, #tpu.memory_space<vmem>>, vector<2000x128xf32>,
    return
  }
  func.func @transform_0(%arg0: i32) -> (i32, i32) {
    %c0_i32 = arith.constant 0 : i32
    %c0_i32_0 = arith.constant 0 : i32
    return %arg0, %c0_i32 : i32, i32
  }
  func.func @transform_1(%arg0: i32) -> (i32, i32) {
    %c0_i32 = arith.constant 0 : i32
    %c0_i32_0 = arith.constant 0 : i32
    return %arg0, %c0_i32 : i32, i32
  }
  func.func @transform_2(%arg0: i32) -> (i32, i32) {
    %c0_i32 = arith.constant 0 : i32
    %c0_i32_0 = arith.constant 0 : i32
    %c0_i32_1 = arith.constant 0 : i32
    return %c0_i32, %c0_i32_0 : i32, i32
  }
  func.func @transform_3(%arg0: i32) -> (i32, i32) {
    %c0_i32 = arith.constant 0 : i32
    %c0_i32_0 = arith.constant 0 : i32
    %c0_i32_1 = arith.constant 0 : i32
    return %c0_i32, %c0_i32_0 : i32, i32
  }
  func.func @transform_4(%arg0: i32) -> (i32, i32) {
    %c0_i32 = arith.constant 0 : i32
    %c0_i32_0 = arith.constant 0 : i32
    return %arg0, %c0_i32 : i32, i32
  }
}

module attributes {stable_mosaic.version = 14 : i64} {
  func.func @_tc_final_body(%arg0: i32, %arg1: memref<2000x256xf32, #tpu.memory_space<vmem>>, %arg2: memref<2000x128xf32, #tpu.memory_space<vmem>>, %arg3: memref<1x64xf32, #tpu.memory_space<vmem>>, %arg4: memref<2000x64xf32, #tpu.memory_space<vmem>>) attributes {dimension_semantics = [#tpu.dimension_semantics<arbitrary>], iteration_bounds = array<i64: 5>, scalar_prefetch = 0 : i64, scratch_operands = 0 : i64, tpu.core_type = #tpu.core_type<tc>, window_params = [{transform_indices = @transform_0, window_bounds = array<i64: 2000, 256>}, {transform_indices = @transform_1, window_bounds = array<i64: 2000, 128>}, {pipeline_mode = #tpu.pipeline_mode<synchronous>, transform_indices = @transform_2, window_bounds = array<i64: 1, 64>}, {transform_indices = @transform_3, window_bounds = array<i64: 2000, 64>}]} {
    %get3A = arith.constant 0 : index
    %get3A_0 = arith.constant 0 : index
    %get3A_1 = vector.load %arg2[%get3A, %get3A_0] : memref<2000x128xf32, #tpu.memory_space<vmem>>, vector<2000x128xf32>
    %get3A_2 = arith.constant 0 : index
    %get3A_3 = arith.constant 0 : index
    %get3A_4 = vector.load %arg1[%get3A_2, %get3A_3] : memref<2000x256xf32, #tpu.memory_space<vmem>>, vector<2000x128xf32>
    %get3A_5 = arith.constant 0 : index
    %get3A_6 = arith.constant 128 : index
    %get3A_7 = vector.load %arg1[%get3A_5, %get3A_6] : memref<2000x256xf32, #tpu.memory_space<vmem>>, vector<2000x128xf32>
    %add3A = arith.addf %get3A_4, %get3A_7 : vector<2000x128xf32>
    %mul3A = arith.mulf %get3A_1, %add3A : vector<2000x128xf32>
    %slice3A = vector.extract_strided_slice %mul3A {offsets = [0, 0], sizes = [2000, 64], strides = [1, 1]} : vector<2000x128xf32> to vector<2000x64xf32>
    %get3A_8 = arith.constant 0 : index
    %get3A_9 = arith.constant 0 : index
    %get3A_10 = vector.load %arg3[%get3A_8, %get3A_9] : memref<1x64xf32, #tpu.memory_space<vmem>>, vector<1x64xf32>
    %add3A_11 = vector.broadcast %get3A_10 : vector<1x64xf32> to vector<2000x64xf32>
    %add3A_12 = arith.addf %slice3A, %add3A_11 : vector<2000x64xf32>
    %swap3A = arith.constant 0 : index
    %swap3A_13 = arith.constant 0 : index
    %swap3A_14 = vector.load %arg4[%swap3A, %swap3A_13] : memref<2000x64xf32, #tpu.memory_space<vmem>>, vector<2000x64xf32>
    tpu.vector_store %arg4[%swap3A, %swap3A_13], %add3A_12 {strides = array<i32>} : memref<2000x64xf32, #tpu.memory_space<vmem>>, vector<2000x64xf32>,
    return
  }
  func.func @transform_0(%arg0: i32) -> (i32, i32) {
    %c0_i32 = arith.constant 0 : i32
    %c0_i32_0 = arith.constant 0 : i32
    return %arg0, %c0_i32 : i32, i32
  }
  func.func @transform_1(%arg0: i32) -> (i32, i32) {
    %c0_i32 = arith.constant 0 : i32
    %c0_i32_0 = arith.constant 0 : i32
    return %arg0, %c0_i32 : i32, i32
  }
  func.func @transform_2(%arg0: i32) -> (i32, i32) {
    %c0_i32 = arith.constant 0 : i32
    %c0_i32_0 = arith.constant 0 : i32
    %c0_i32_1 = arith.constant 0 : i32
    return %c0_i32, %c0_i32_0 : i32, i32
  }
  func.func @transform_3(%arg0: i32) -> (i32, i32) {
    %c0_i32 = arith.constant 0 : i32
    %c0_i32_0 = arith.constant 0 : i32
    return %arg0, %c0_i32 : i32, i32
  }
}

</mosaic_0001>

<sc_bundles>
// kernel: kernel.10.cloned.1.call-start
scs
__scs_entry_jumppad:
0x0: {  	(pc) =	sbr.rel $0x88, $3  }
0x1: {  	(tag) =	ssettag $0x0;
	lr =	simm.s32 $0x1  }
0x2: {  	[smem:$0x3F9B] =	sst lr;
	_ =	strace $0xD0000000  }
0x3: {  	_ = 	snop  }
0x4: {  	_ = 	snop  }
0x5: {  	_ = 	snop  }
0x6: {  	_ = 	snop  }
0x7: {  	_ = 	snop  }
__scs_overlays_trampoline_lowered:
0x8: {  	[smem:$0x3FAA] =	sst s0  }
0x9: {  	[smem:$0x3FAB] =	sst s1  }
0xa: {  	[smem:$0x3FAC] =	sst s2  }
0xb: {  	[smem:$0x3FAD] =	sst s3  }
0xc: {  	[smem:$0x3FAE] =	sst s4  }
0xd: {  	[smem:$0x3FAF] =	sst s5  }
0xe: {  	[smem:$0x3FB0] =	sst s6  }
0xf: {  	[smem:$0x3FB1] =	sst s7  }
0x10: {  	[smem:$0x3FB2] =	sst s8  }
0x11: {  	[smem:$0x3FB3] =	sst s9;
	s0 =	simm.s32 @!p0 $0x0  }
0x12: {  	s1 =	sld [smem:$0x3F99];
	s0 =	simm.s32 @p0 $0x1  }
0x13: {  	[smem:$0x3FB4] =	sst s0;
	s0 =	simm.s32 @!p1 $0x0  }
0x14: {  	s2 =	sld [smem:$0x3F98];
	s0 =	simm.s32 @p1 $0x1  }
0x15: {  	[smem:$0x3FB5] =	sst s0;
	s0 =	simm.s32 @!p2 $0x0  }
0x16: {  	s3 =	sld [smem:$0x3FDB];
	s0 =	simm.s32 @p2 $0x1  }
0x17: {  	s4 =	simm.s32 $0x1BF5;
	[smem:$0x3FB7] =	sst s0  }
0x18: {  	s0 =	sld [smem:$0x3F9A];
	_ =	swait.ge [sflag:s4], $0x0  }
0x19: {  	s7 =	sld [smem:$0x3F9B]  }
0x1a: {  	s8 =	sadd.s32 $0xFFFFE003, lr  }
0x1b: {  	s9 =	sadd.s32 $0xFFFFFEF7, lr;
	s5 =	simm.s32 $0xFFFFFFFF;
	p2 =	slt.u32 s8, $0xFFFFF086  }
0x1c: {  	p1 =	slt.u32 s9, $0xF7A;
	s5 =	simm.s32 @!p2 $0x0  }
0x1d: {  	s5 =	simm.s32 @p1 $0x1;
	p0 =	seq.s32 s7, s2  }
0x1e: {  	s7 =	smul.u32 @!p0 $0xF7A, s2;
	p2 =	seq.s32 @!p0 s5, $0x0  }
0x1f: {  	s9 =	smul.u32 $0xF7A, s1;
	s8 =	simm.s32 @!p0 $0x1BF5;
	p2 =	por !p2, p0  }
0x20: {  	[sflag:s8] =	ssyncset.s32 @!p0 $0xFFFFF086;
	s6 =	sadd.s32 @!p0 s3, s7;
	s7 =	simm.s32 @!p0 $0x108  }
0x21: {  	s3 =	sadd.s32 s3, s9;
	s6 =	sadd.s32 @!p0 $0x88, s6;
	s7 =	simm.s32 @p2 $0x1082  }
0x22: {  	[simem:s7], [sflag:s8] =	dma.local @!p0 [hbm:s6], $0xF7A  }
0x23: {  	s9 =	sor.u32 $0xD0000000, s2;
	s6 =	simm.s32 $0x108;
	_ =	swait.ge @!p0 [sflag:s8], $0x0  }
0x24: {  	s3 =	sadd.s32 $0x88, s3;
	s6 =	simm.s32 @!p1 $0x1082;
	[sflag:s4] =	ssyncset.s32 $0xFFFFF086  }
0x25: {  	[simem:s6], [sflag:s4] =	dma.local [hbm:s3], $0xF7A  }
0x26: {  	[smem:$0x3F9B] =	sst s1;
	(tag) =	ssettag s2;
	_ =	strace s9  }
0x27: {  	s1 =	sld [smem:$0x3FAB]  }
0x28: {  	s2 =	sld [smem:$0x3FAC]  }
0x29: {  	s4 =	sld [smem:$0x3FAE]  }
0x2a: {  	p0 =	seq.s32 s5, $0x0;
	s5 =	sld [smem:$0x3FAF]  }
0x2b: {  	s6 =	sld [smem:$0x3FB0]  }
0x2c: {  	s7 =	sld [smem:$0x3FB1]  }
0x2d: {  	s3 =	simm.s32 $0x108;
	s8 =	sld [smem:$0x3FB2]  }
0x2e: {  	s3 =	simm.s32 @!p0 $0x1082;
	s9 =	sld [smem:$0x3FB3]  }
0x2f: {  	lr =	sadd.s32 s0, s3;
	s0 =	sld [smem:$0x3FAA]  }
0x30: {  	s3 =	sld [smem:$0x3FAD]  }
0x31: {  	[smem:$0x3FB6] =	sst s10  }
0x32: {  	s10 =	sld [smem:$0x3FB4];
	_ =	sdelay $0x3  }
0x33: {  	p0 =	seq.s32 s10, $0x1;
	s10 =	sld [smem:$0x3FB6];
	_ =	sdelay $0x3  }
0x34: {  	[smem:$0x3FB6] =	sst s10  }
0x35: {  	s10 =	sld [smem:$0x3FB5];
	_ =	sdelay $0x3  }
0x36: {  	p1 =	seq.s32 s10, $0x1;
	s10 =	sld [smem:$0x3FB6];
	_ =	sdelay $0x3  }
0x37: {  	[smem:$0x3FB6] =	sst s10  }
0x38: {  	s10 =	sld [smem:$0x3FB7]  }
0x39: {  	_ = 	snop;
	(pc) =	sbr.ind lr, $3  }
0x3a: {  	_ = 	snop  }
0x3b: {  	_ = 	snop  }
0x3c: {  	p2 =	seq.s32 s10, $0x1;
	s10 =	sld [smem:$0x3FB6]  }
0x3d: {  	_ =	shalt  }
0x3e: {  	_ =	shalt  }
0x3f: {  	_ =	shalt  }
0x40: {  	_ =	shalt  }
0x41: {  	_ =	shalt  }
0x42: {  	_ =	shalt  }
0x43: {  	_ =	shalt  }
0x44: {  	_ =	shalt  }
0x45: {  	_ =	shalt  }
0x46: {  	_ =	shalt  }
0x47: {  	_ =	shalt  }
0x48: {  	_ =	shalt  }
0x49: {  	_ =	shalt  }
0x4a: {  	_ =	shalt  }
0x4b: {  	_ =	shalt  }
0x4c: {  	_ =	shalt  }
0x4d: {  	_ =	shalt  }
0x4e: {  	_ =	shalt  }
0x4f: {  	_ =	shalt  }
0x50: {  	_ =	shalt  }
0x51: {  	_ =	shalt  }
0x52: {  	_ =	shalt  }
0x53: {  	_ =	shalt  }
0x54: {  	_ =	shalt  }
0x55: {  	_ =	shalt  }
0x56: {  	_ =	shalt  }
0x57: {  	_ =	shalt  }
0x58: {  	_ =	shalt  }
0x59: {  	_ =	shalt  }
0x5a: {  	_ =	shalt  }
0x5b: {  	_ =	shalt  }
0x5c: {  	_ =	shalt  }
0x5d: {  	_ =	shalt  }
0x5e: {  	_ =	shalt  }
0x5f: {  	_ =	shalt  }
0x60: {  	_ =	shalt  }
0x61: {  	_ =	shalt  }
0x62: {  	_ =	shalt  }
0x63: {  	_ =	shalt  }
0x64: {  	_ =	shalt  }
0x65: {  	_ =	shalt  }
0x66: {  	_ =	shalt  }
0x67: {  	_ =	shalt  }
0x68: {  	_ =	shalt  }
0x69: {  	_ =	shalt  }
0x6a: {  	_ =	shalt  }
0x6b: {  	_ =	shalt  }
0x6c: {  	_ =	shalt  }
0x6d: {  	_ =	shalt  }
0x6e: {  	_ =	shalt  }
0x6f: {  	_ =	shalt  }
0x70: {  	_ =	shalt  }
0x71: {  	_ =	shalt  }
0x72: {  	_ =	shalt  }
0x73: {  	_ =	shalt  }
0x74: {  	_ =	shalt  }
0x75: {  	_ =	shalt  }
0x76: {  	_ =	shalt  }
0x77: {  	_ =	shalt  }
0x78: {  	_ =	shalt  }
0x79: {  	_ =	shalt  }
0x7a: {  	_ =	shalt  }
0x7b: {  	_ =	shalt  }
0x7c: {  	_ =	shalt  }
0x7d: {  	_ =	shalt  }
0x7e: {  	_ =	shalt  }
0x7f: {  	_ =	shalt  }
0x80: {  	_ =	shalt  }
0x81: {  	_ =	shalt  }
0x82: {  	_ =	shalt  }
0x83: {  	_ =	shalt  }
0x84: {  	_ =	shalt  }
0x85: {  	_ =	shalt  }
0x86: {  	_ =	shalt  }
0x87: {  	_ =	shalt  }
.Lfunc_end0:
.L_simem_size_0:
called_computation_lowered:
.L_overlay_start_0:
0x88: {  	s2 =	sld [smem:$0x3FD9]  }
0x89: {  	s3 =	sld [smem:$0x3FFE];
	_ =	sdelay $0x1  }
0x8a: {  	s1 =	srdreg.scid  }
0x8b: {  	s0 =	sand.u32 $0x1, s1  }
0x8c: {  	s17 =	sshll.u32 s0, $0xA;
	s2 =	sadd.s32 s3, s2  }
0x8d: {  	s2 =	sadd.s32 s2, s17  }
0x8e: {  	[smem:$0x3FC2] =	sst s2  }
0x8f: {  	_ = 	snop  }
0x90: {  	s2 =	sld [smem:$0x3FD0];
	(tm) =	ssettm $0x1  }
0x91: {  	s18 =	sld [smem:$0x3FFB];
	_ =	sdelay $0x3  }
0x92: {  	_ =	strace s18  }
0x93: {  	s3 =	sld [smem:$0x3FFC];
	_ =	sdelay $0x3  }
0x94: {  	_ =	strace s3  }
0x95: {  	s3 =	sld [smem:$0x3FFD];
	_ =	sdelay $0x3  }
0x96: {  	_ =	strace s3  }
0x97: {  	_ =	strace $0x8FFFFFFF  }
0x98: {  	s19 =	sld [smem:$0x3FDB];
	_ =	sdelay $0x1  }
0x99: {  	s4 =	simm.s32 $_scs_section_size  }
0x9a: {  	s5 =	simm.s32 $_size__tile_overlayer_lowered;
	s6 =	simm.s32 $_tile_overlayer_lowered  }
0x9b: {  	s22 =	simm.s32 $0x1BFF;
	s21 =	sshll.u32 s6, $0x1;
	s3 =	sadd.s32 s4, s19  }
0x9c: {  	s7 =	simm.s32 $0x0;
	s20 =	sshll.u32 s5, $0x1;
	s5 =	sadd.s32 s21, s3  }
0x9d: {  	[timem:s7], [sflag:s22] =	dma.local [hbm:s5], s20  }
0x9e: {  	_ =	swait.ge [sflag:s22], s20  }
0x9f: {  	s4 =	ssub.s32 $0x0, s20;
	[sflag:s22] =	ssyncset.done $0x0  }
0xa0: {  	[sflag:s22] =	ssyncadd.s32 s4;
	_ =	sdelay $0x1  }
0xa1: {  	s23 =	simm.s32 $0x1B8B  }
0xa2: {  	_ =	swait.ge [sflag:s23], $0x1  }
0xa3: {  	[sflag:s23] =	ssyncset.done $0x0  }
0xa4: {  	s25 =	simm.s32 $0x1B8E;
	s24 =	sld [smem:$0x3FFE];
	[sflag:s23] =	ssyncadd.s32 $0xFFFFFFFF  }
0xa5: {  	s26 =	simm.s32 $execute0_lowered;
	[smem:$0x3FD2] =	sst s25  }
0xa6: {  	s5 =	sshll.u32 s26, $0x1;
	_ =	strace $0x80000046;
	[dreg:$0x1] =	wrdreg $0xFFFFFFFF  }
0xa7: {  	s28 =	simm.s32 $_size_execute0_lowered;
	s3 =	sadd.s32 s3, s5;
	[dreg:$0x0] =	wrdreg $0x0  }
0xa8: {  	s5 =	sshll.u32 s28, $0x1;
	[dreg:$0x2] =	wrdreg s3  }
0xa9: {  	[dreg:$0x3] =	wrdreg s5  }
0xaa: {  	[dreg:$0x4] =	wrdreg $0xC0  }
0xab: {  	_ =	task [dreg:s7], $0x5FFFF  }
0xac: {  	[dreg:$0x1] =	wrdreg $0xFFFFFFFF  }
0xad: {  	[dreg:$0x0] =	wrdreg $0x60  }
0xae: {  	[dreg:$0x2] =	wrdreg s2  }
0xaf: {  	[dreg:$0x3] =	wrdreg s24  }
0xb0: {  	[dreg:$0x4] =	wrdreg $0x28800  }
0xb1: {  	[dreg:$0x5] =	wrdreg $0x9  }
0xb2: {  	_ =	task.clear_ibuf [dreg:s7], $0x6FFFF;
	_ =	strace $0x90000046  }
0xb3: {  	s29 =	simm.s32 $0x9;
	_ =	strace $0x80000048  }
0xb4: {  	_ =	swait.ge [sflag:s29], $0x1  }
0xb5: {  	[sflag:s29] =	ssyncadd.s32 $0xFFFFFFFF  }
0xb6: {  	_ =	strace $0x90000048  }
0xb7: {  	_ =	sfence  }
0xb8: {  	s30 =	sld [smem:$0x0];
	_ =	sdelay $0x2  }
0xb9: {  	s31 =	sshll.u32 s1, $0xD;
	s1 =	sshrl.u32 s1, $0x2  }
0xba: {  	s3 =	sand.u32 $0x4000, s31;
	s1 =	sadd.s32 s1, s30  }
0xbb: {  	s0 =	sor.u32 s3, s0;
	s1 =	sshll.u32 s1, $0x11  }
0xbc: {  	s0 =	sor.u32 s1, s0  }
0xbd: {  	s0 =	sadd.s32 $0x8F2B, s0  }
0xbe: {  	[sflag:s0] =	ssyncadd.remote.s32 $0x1  }
0xbf: {  	_ =	sfence.sel $0xFFFF  }
0xc0: {  	[dreg:$0x0] =	wrdreg $0xFFFFFFFF;
	(pc) =	sbr.abs _section_cstart, $3  }
0xc1: {  	[dreg:$0x1] =	wrdreg $0xFFFFFFFF  }
0xc2: {  	_ =	task.clear_ibuf [dreg:s7], $0x2FFFF;
	_ =	strace $0x9FFFFFFF  }
0xc3: {  	(tm) =	ssettm $0x7FFFFFFF  }
tec
execute0_lowered:
.L_overlay_start_1:
0x0: {  	(tag) =	ssettag $0x1  }
0x1: {  	s10 =	rddreg [dreg:$0x0]  }
0x2: {  	s5 =	rddreg [dreg:$0x1]  }
0x3: {  	s2 =	rddreg [dreg:$0x2]  }
0x4: {  	s0 =	rddreg [dreg:$0x3];
	s1 =	stileid.u32  }
0x5: {  	s3 =	simm.s32 $0x0;
	s4 =	srdreg.scid;
	s16 =	simm.s32 $0x80  }
0x6: {  	s17 =	simm.s32 $0x20;
	s18 =	simm.s32 $0x10;
	s19 =	simm.s32 $0x0  }
0x7: {  	s7 =	smul.u32 $0x280, s1;
	[smem:$0x7FF] =	sst s3;
	s6 =	sand.u32 $0x1, s4  }
0x8: {  	s8 =	smul.u32 $0x500, s1;
	s4 =	sadd.s32 $0x2800, s5;
	s12 =	sshll.u32 s1, $0x1  }
0x9: {  	s30 =	sshll.u32 s1, $0x6;
	_ =	strace $0x80000047;
	s11 =	sshll.u32 s6, $0x7  }
0xa: {  	s26 =	ssub.s32 $0x2, s6;
	s6 =	sor.u32 s6, s12;
	s9 =	sshrl.u32 s7, $0x3  }
0xb: {  	s8 =	sor.u32 s11, s8;
	s28 =	sshrl.u32 s26, $0x1;
	p0 =	seq.s32 s6, $0x1F  }
0xc: {  	s12 =	smul.u32 $0x2800, s6;
	s6 =	simm.s32 $0xC00;
	s15 =	sadd.s32 s7, s2  }
0xd: {  	s9 =	sadd.s32 s9, s5;
	s8 =	sshrl.u32 s8, $0x3;
	s14 =	ssub.s32 s26, s28  }
0xe: {  	s6 =	simm.s32 @!p0 $0x0;
	s13 =	sadd.s32 s8, s5;
	s5 =	simm.s32 $0x14  }
0xf: {  	s29 =	sshrl.u32 s12, $0x3;
	s7 =	sadd.s32 $0x2200, s9;
	s8 =	sor.u32 $0x1C01, s30  }
0x10: {  	s12 =	smax.u32 s14, $0x1;
	s14 =	simm.s32 $0x1;
	s5 =	simm.s32 @!p0 $0x50  }
0x11: {  	s31 =	sadd.s32 s10, s29;
	s10 =	sadd.s32 $0x13600, s10;
	s11 =	sadd.s32 $0x2A00, s13  }
0x12: {  	s13 =	sshrl.u32 s15, $0x3;
	s15 =	simm.s32 $0x2800;
	s9 =	sadd.s32 $0x9C80, s31  }
.LBB2_1:
0x13: {  	[spmem:s13], [sflag:s8] =	dma.local [hbm:s7], $0x50  }
0x14: {  	_ =	swait.ge [sflag:s14], $0x50  }
0x15: {  	[sflag:s14] =	ssyncset.done $0x0  }
0x16: {  	s20 =	simm.s32 @p0 $0x0;
	[sflag:s14] =	ssyncadd.s32 $0xFFFFFFB0  }
0x17: {  	[tilespmem:s20], [sflag:$0x1] =	stream.linear.gather @p0 [hbm4b:s10+s20], $0x1600, $0x38;
	[tilespmem:$0x2B00] =	vst v63  }
0x18: {  	s20 =	simm.s32 @p0 $0x1  }
0x19: {  	_ =	swait.ge @p0 [sflag:s20], $0x1600  }
0x1a: {  	[sflag:s20] =	ssyncset.done @p0 $0x0  }
0x1b: {  	[sflag:s20] =	ssyncadd.s32 @p0 $0xFFFFEA00;
	s20 =	simm.s32 @!p0 $0x0  }
0x1c: {  	[tilespmem:s20], [sflag:$0x1] =	stream.linear.gather @!p0 [hbm4b:s9+s20], $0x2800, $0x38;
	[tilespmem:$0x2B00] =	vst v63  }
0x1d: {  	s20 =	simm.s32 @!p0 $0x1  }
0x1e: {  	_ =	swait.ge @!p0 [sflag:s20], $0x2800  }
0x1f: {  	[sflag:s20] =	ssyncset.done @!p0 $0x0  }
0x20: {  	[sflag:s20] =	ssyncadd.s32 @!p0 $0xFFFFD800  }
0x21: {  	[tilespmem:s15], [sflag:$0x1] =	stream.linear.gather [hbm4b:s4+s3], $0x80, $0x38;
	[tilespmem:$0x2B00] =	vst v63  }
0x22: {  	_ =	swait.ge [sflag:s14], $0x80  }
0x23: {  	p1 =	sne.s32 s5, $0x1;
	[sflag:s14] =	ssyncset.done $0x0  }
.Ltmp0:
0x24: {  	[sflag:s14] =	ssyncadd.s32 $0xFFFFFF80;
	(pc) =	sbr.rel @!p1 .LBB2_3-.Ltmp0, $4  }
0x25: {  	[bflag:$0x0] =	sbarrier.arrive $0xFFFF  }
0x26: {  	[spmem:s2] =	stream.indirect.scatter.add.f32 [tilespmem:s15], [sflag:$0x1], $0x1, s6, s16, $0xb8;
	[tilespmem:$0x2B00] =	vst v63  }
0x27: {  	_ =	swait.ge [sflag:s14], $0x80  }
0x28: {  	s21 =	smov.u32 s6;
	s20 =	sadd.s32 $0xFFFFFFFF, s5;
	[sflag:s14] =	ssyncset.done $0x0  }
.LBB2_2:
0x29: {  	p1 =	sne.s32 s20, $0x1;
	[sflag:s14] =	ssyncadd.s32 $0xFFFFFF80;
	s21 =	sadd.s32 $0x80, s21  }
.Ltmp1:
0x2a: {  	s20 =	sadd.s32 $0xFFFFFFFF, s20;
	(pc) =	sbr.rel @p1 .LBB2_2-.Ltmp1, $4  }
0x2b: {  	_ = 	snop  }
0x2c: {  	[spmem:s2] =	stream.indirect.scatter.add.f32 [tilespmem:s15], [sflag:$0x1], $0x1, s21, s16, $0xb8;
	[tilespmem:$0x2B00] =	vst v63  }
0x2d: {  	_ =	swait.ge [sflag:s14], $0x80  }
0x2e: {  	[sflag:s14] =	ssyncset.done $0x0  }
.LBB2_3:
0x2f: {  	s19 =	sadd.s32 $0x1, s19  }
0x30: {  	[sflag:s14] =	ssyncadd.s32 $0xFFFFFF80;
	p1 =	sne.s32 s19, s12  }
.Ltmp2:
0x31: {  	[bflag:$0x0] =	sbarrier.arrive $0xFFFF;
	(pc) =	sbr.rel @p1 .LBB2_1-.Ltmp2, $4  }
0x32: {  	[hbm:s11@s17], [sflag:s8] =	dma.strided [spmem:s13@s18], $0x50, s14, $0x10   }
0x33: {  	_ =	swait.ge [sflag:s14], $0x50  }
0x34: {  	[sflag:s14] =	ssyncset.done $0x0  }
0x35: {  	[sflag:s14] =	ssyncadd.s32 $0xFFFFFFB0  }
0x36: {  	_ =	sfence.sel $0x180000  }
0x37: {  	[bflag:$0x0] =	sbarrier.arrive $0xFFFF  }
0x38: {  	p0 =	sne.s32 s1, $0x0;
	_ =	strace $0x90000047  }
0x39: {  	s0 =	sadd.s32 @!p0 $0x100000, s0;
	[bflag:$0x2] =	sbarrier.arrive $0xFFFF  }
0x3a: {  	[sflag:s0] =	ssyncadd.tile.s32 @!p0 $0x1;
	_ =	shalt  }
.Lfunc_end2:
_tile_overlayer_lowered:
.L_overlay_start_2:
0x3b: {  	(tag) =	ssettag $0x2  }
0x3c: {  	s0 =	rddreg [dreg:$0x0];
	s2 =	stileid.u32  }
0x3d: {  	s1 =	rddreg [dreg:$0x1];
	p0 =	sne.s32 s2, $0x0  }
0x3e: {  	s3 =	rddreg [dreg:$0x2];
	[bflag:$0x3] =	sbarrier.arrive $0xFFFF;
	s2 =	simm.s32 @!p0 $0x1C01  }
0x3f: {  	[timem:s3], [sflag:s2] =	dma.local @!p0 [hbm:s0], s1  }
0x40: {  	s0 =	simm.s32 @!p0 $0x1  }
0x41: {  	_ =	swait.ge @!p0 [sflag:s0], s1  }
0x42: {  	s1 =	ssub.s32 @!p0 $0x0, s1;
	[sflag:s0] =	ssyncset.done @!p0 $0x0  }
0x43: {  	[sflag:s0] =	ssyncadd.s32 @!p0 s1  }
0x44: {  	[bflag:$0x3] =	sbarrier.arrive $0xFFFF  }
0x45: {  	_ =	shalt  }

// kernel: kernel.13.cloned.1.call-start
scs
__scs_entry_jumppad:
0x0: {  	(pc) =	sbr.rel $0x88, $3  }
0x1: {  	(tag) =	ssettag $0x0;
	lr =	simm.s32 $0x1  }
0x2: {  	[smem:$0x3F9B] =	sst lr;
	_ =	strace $0xD0000000  }
0x3: {  	_ = 	snop  }
0x4: {  	_ = 	snop  }
0x5: {  	_ = 	snop  }
0x6: {  	_ = 	snop  }
0x7: {  	_ = 	snop  }
__scs_overlays_trampoline_lowered:
0x8: {  	[smem:$0x3FAA] =	sst s0  }
0x9: {  	[smem:$0x3FAB] =	sst s1  }
0xa: {  	[smem:$0x3FAC] =	sst s2  }
0xb: {  	[smem:$0x3FAD] =	sst s3  }
0xc: {  	[smem:$0x3FAE] =	sst s4  }
0xd: {  	[smem:$0x3FAF] =	sst s5  }
0xe: {  	[smem:$0x3FB0] =	sst s6  }
0xf: {  	[smem:$0x3FB1] =	sst s7  }
0x10: {  	[smem:$0x3FB2] =	sst s8  }
0x11: {  	[smem:$0x3FB3] =	sst s9;
	s0 =	simm.s32 @!p0 $0x0  }
0x12: {  	s1 =	sld [smem:$0x3F99];
	s0 =	simm.s32 @p0 $0x1  }
0x13: {  	[smem:$0x3FB4] =	sst s0;
	s0 =	simm.s32 @!p1 $0x0  }
0x14: {  	s2 =	sld [smem:$0x3F98];
	s0 =	simm.s32 @p1 $0x1  }
0x15: {  	[smem:$0x3FB5] =	sst s0;
	s0 =	simm.s32 @!p2 $0x0  }
0x16: {  	s3 =	sld [smem:$0x3FDB];
	s0 =	simm.s32 @p2 $0x1  }
0x17: {  	s4 =	simm.s32 $0x1BF5;
	[smem:$0x3FB7] =	sst s0  }
0x18: {  	s0 =	sld [smem:$0x3F9A];
	_ =	swait.ge [sflag:s4], $0x0  }
0x19: {  	s7 =	sld [smem:$0x3F9B]  }
0x1a: {  	s8 =	sadd.s32 $0xFFFFE003, lr  }
0x1b: {  	s9 =	sadd.s32 $0xFFFFFEF7, lr;
	s5 =	simm.s32 $0xFFFFFFFF;
	p2 =	slt.u32 s8, $0xFFFFF086  }
0x1c: {  	p1 =	slt.u32 s9, $0xF7A;
	s5 =	simm.s32 @!p2 $0x0  }
0x1d: {  	s5 =	simm.s32 @p1 $0x1;
	p0 =	seq.s32 s7, s2  }
0x1e: {  	s7 =	smul.u32 @!p0 $0xF7A, s2;
	p2 =	seq.s32 @!p0 s5, $0x0  }
0x1f: {  	s9 =	smul.u32 $0xF7A, s1;
	s8 =	simm.s32 @!p0 $0x1BF5;
	p2 =	por !p2, p0  }
0x20: {  	[sflag:s8] =	ssyncset.s32 @!p0 $0xFFFFF086;
	s6 =	sadd.s32 @!p0 s3, s7;
	s7 =	simm.s32 @!p0 $0x108  }
0x21: {  	s3 =	sadd.s32 s3, s9;
	s6 =	sadd.s32 @!p0 $0x88, s6;
	s7 =	simm.s32 @p2 $0x1082  }
0x22: {  	[simem:s7], [sflag:s8] =	dma.local @!p0 [hbm:s6], $0xF7A  }
0x23: {  	s9 =	sor.u32 $0xD0000000, s2;
	s6 =	simm.s32 $0x108;
	_ =	swait.ge @!p0 [sflag:s8], $0x0  }
0x24: {  	s3 =	sadd.s32 $0x88, s3;
	s6 =	simm.s32 @!p1 $0x1082;
	[sflag:s4] =	ssyncset.s32 $0xFFFFF086  }
0x25: {  	[simem:s6], [sflag:s4] =	dma.local [hbm:s3], $0xF7A  }
0x26: {  	[smem:$0x3F9B] =	sst s1;
	(tag) =	ssettag s2;
	_ =	strace s9  }
0x27: {  	s1 =	sld [smem:$0x3FAB]  }
0x28: {  	s2 =	sld [smem:$0x3FAC]  }
0x29: {  	s4 =	sld [smem:$0x3FAE]  }
0x2a: {  	p0 =	seq.s32 s5, $0x0;
	s5 =	sld [smem:$0x3FAF]  }
0x2b: {  	s6 =	sld [smem:$0x3FB0]  }
0x2c: {  	s7 =	sld [smem:$0x3FB1]  }
0x2d: {  	s3 =	simm.s32 $0x108;
	s8 =	sld [smem:$0x3FB2]  }
0x2e: {  	s3 =	simm.s32 @!p0 $0x1082;
	s9 =	sld [smem:$0x3FB3]  }
0x2f: {  	lr =	sadd.s32 s0, s3;
	s0 =	sld [smem:$0x3FAA]  }
0x30: {  	s3 =	sld [smem:$0x3FAD]  }
0x31: {  	[smem:$0x3FB6] =	sst s10  }
0x32: {  	s10 =	sld [smem:$0x3FB4];
	_ =	sdelay $0x3  }
0x33: {  	p0 =	seq.s32 s10, $0x1;
	s10 =	sld [smem:$0x3FB6];
	_ =	sdelay $0x3  }
0x34: {  	[smem:$0x3FB6] =	sst s10  }
0x35: {  	s10 =	sld [smem:$0x3FB5];
	_ =	sdelay $0x3  }
0x36: {  	p1 =	seq.s32 s10, $0x1;
	s10 =	sld [smem:$0x3FB6];
	_ =	sdelay $0x3  }
0x37: {  	[smem:$0x3FB6] =	sst s10  }
0x38: {  	s10 =	sld [smem:$0x3FB7]  }
0x39: {  	_ = 	snop;
	(pc) =	sbr.ind lr, $3  }
0x3a: {  	_ = 	snop  }
0x3b: {  	_ = 	snop  }
0x3c: {  	p2 =	seq.s32 s10, $0x1;
	s10 =	sld [smem:$0x3FB6]  }
0x3d: {  	_ =	shalt  }
0x3e: {  	_ =	shalt  }
0x3f: {  	_ =	shalt  }
0x40: {  	_ =	shalt  }
0x41: {  	_ =	shalt  }
0x42: {  	_ =	shalt  }
0x43: {  	_ =	shalt  }
0x44: {  	_ =	shalt  }
0x45: {  	_ =	shalt  }
0x46: {  	_ =	shalt  }
0x47: {  	_ =	shalt  }
0x48: {  	_ =	shalt  }
0x49: {  	_ =	shalt  }
0x4a: {  	_ =	shalt  }
0x4b: {  	_ =	shalt  }
0x4c: {  	_ =	shalt  }
0x4d: {  	_ =	shalt  }
0x4e: {  	_ =	shalt  }
0x4f: {  	_ =	shalt  }
0x50: {  	_ =	shalt  }
0x51: {  	_ =	shalt  }
0x52: {  	_ =	shalt  }
0x53: {  	_ =	shalt  }
0x54: {  	_ =	shalt  }
0x55: {  	_ =	shalt  }
0x56: {  	_ =	shalt  }
0x57: {  	_ =	shalt  }
0x58: {  	_ =	shalt  }
0x59: {  	_ =	shalt  }
0x5a: {  	_ =	shalt  }
0x5b: {  	_ =	shalt  }
0x5c: {  	_ =	shalt  }
0x5d: {  	_ =	shalt  }
0x5e: {  	_ =	shalt  }
0x5f: {  	_ =	shalt  }
0x60: {  	_ =	shalt  }
0x61: {  	_ =	shalt  }
0x62: {  	_ =	shalt  }
0x63: {  	_ =	shalt  }
0x64: {  	_ =	shalt  }
0x65: {  	_ =	shalt  }
0x66: {  	_ =	shalt  }
0x67: {  	_ =	shalt  }
0x68: {  	_ =	shalt  }
0x69: {  	_ =	shalt  }
0x6a: {  	_ =	shalt  }
0x6b: {  	_ =	shalt  }
0x6c: {  	_ =	shalt  }
0x6d: {  	_ =	shalt  }
0x6e: {  	_ =	shalt  }
0x6f: {  	_ =	shalt  }
0x70: {  	_ =	shalt  }
0x71: {  	_ =	shalt  }
0x72: {  	_ =	shalt  }
0x73: {  	_ =	shalt  }
0x74: {  	_ =	shalt  }
0x75: {  	_ =	shalt  }
0x76: {  	_ =	shalt  }
0x77: {  	_ =	shalt  }
0x78: {  	_ =	shalt  }
0x79: {  	_ =	shalt  }
0x7a: {  	_ =	shalt  }
0x7b: {  	_ =	shalt  }
0x7c: {  	_ =	shalt  }
0x7d: {  	_ =	shalt  }
0x7e: {  	_ =	shalt  }
0x7f: {  	_ =	shalt  }
0x80: {  	_ =	shalt  }
0x81: {  	_ =	shalt  }
0x82: {  	_ =	shalt  }
0x83: {  	_ =	shalt  }
0x84: {  	_ =	shalt  }
0x85: {  	_ =	shalt  }
0x86: {  	_ =	shalt  }
0x87: {  	_ =	shalt  }
.Lfunc_end0:
.L_simem_size_0:
called_computation.1_lowered:
.L_overlay_start_0:
0x88: {  	s2 =	sld [smem:$0x3FD9]  }
0x89: {  	s3 =	sld [smem:$0x3FFE];
	_ =	sdelay $0x1  }
0x8a: {  	s1 =	srdreg.scid  }
0x8b: {  	s0 =	sand.u32 $0x1, s1  }
0x8c: {  	s17 =	sshll.u32 s0, $0xA;
	s2 =	sadd.s32 s3, s2  }
0x8d: {  	s2 =	sadd.s32 s2, s17  }
0x8e: {  	[smem:$0x3FC2] =	sst s2  }
0x8f: {  	_ = 	snop  }
0x90: {  	s2 =	sld [smem:$0x3FD0];
	(tm) =	ssettm $0x1  }
0x91: {  	s18 =	sld [smem:$0x3FFB];
	_ =	sdelay $0x3  }
0x92: {  	_ =	strace s18  }
0x93: {  	s3 =	sld [smem:$0x3FFC];
	_ =	sdelay $0x3  }
0x94: {  	_ =	strace s3  }
0x95: {  	s3 =	sld [smem:$0x3FFD];
	_ =	sdelay $0x3  }
0x96: {  	_ =	strace s3  }
0x97: {  	_ =	strace $0x8FFFFFFF  }
0x98: {  	s19 =	sld [smem:$0x3FDB];
	_ =	sdelay $0x1  }
0x99: {  	s4 =	simm.s32 $_scs_section_size  }
0x9a: {  	s5 =	simm.s32 $_size__tile_overlayer_lowered;
	s6 =	simm.s32 $_tile_overlayer_lowered  }
0x9b: {  	s22 =	simm.s32 $0x1BFF;
	s21 =	sshll.u32 s6, $0x1;
	s3 =	sadd.s32 s4, s19  }
0x9c: {  	s7 =	simm.s32 $0x0;
	s20 =	sshll.u32 s5, $0x1;
	s5 =	sadd.s32 s21, s3  }
0x9d: {  	[timem:s7], [sflag:s22] =	dma.local [hbm:s5], s20  }
0x9e: {  	_ =	swait.ge [sflag:s22], s20  }
0x9f: {  	s4 =	ssub.s32 $0x0, s20;
	[sflag:s22] =	ssyncset.done $0x0  }
0xa0: {  	[sflag:s22] =	ssyncadd.s32 s4;
	_ =	sdelay $0x1  }
0xa1: {  	s23 =	simm.s32 $0x1B8B  }
0xa2: {  	_ =	swait.ge [sflag:s23], $0x1  }
0xa3: {  	[sflag:s23] =	ssyncset.done $0x0  }
0xa4: {  	s25 =	simm.s32 $0x1B8E;
	s24 =	sld [smem:$0x3FFE];
	[sflag:s23] =	ssyncadd.s32 $0xFFFFFFFF  }
0xa5: {  	s26 =	simm.s32 $execute0_lowered;
	[smem:$0x3FD2] =	sst s25  }
0xa6: {  	s5 =	sshll.u32 s26, $0x1;
	_ =	strace $0x80000049;
	[dreg:$0x1] =	wrdreg $0xFFFFFFFF  }
0xa7: {  	s28 =	simm.s32 $_size_execute0_lowered;
	s3 =	sadd.s32 s3, s5;
	[dreg:$0x0] =	wrdreg $0x0  }
0xa8: {  	s5 =	sshll.u32 s28, $0x1;
	[dreg:$0x2] =	wrdreg s3  }
0xa9: {  	[dreg:$0x3] =	wrdreg s5  }
0xaa: {  	[dreg:$0x4] =	wrdreg $0xC0  }
0xab: {  	_ =	task [dreg:s7], $0x5FFFF  }
0xac: {  	[dreg:$0x1] =	wrdreg $0xFFFFFFFF  }
0xad: {  	[dreg:$0x0] =	wrdreg $0x60  }
0xae: {  	[dreg:$0x2] =	wrdreg s24  }
0xaf: {  	[dreg:$0x3] =	wrdreg s2  }
0xb0: {  	[dreg:$0x4] =	wrdreg $0xB0000  }
0xb1: {  	[dreg:$0x5] =	wrdreg $0x9  }
0xb2: {  	_ =	task.clear_ibuf [dreg:s7], $0x6FFFF;
	_ =	strace $0x90000049  }
0xb3: {  	s29 =	simm.s32 $0x9;
	_ =	strace $0x8000004B  }
0xb4: {  	_ =	swait.ge [sflag:s29], $0x1  }
0xb5: {  	[sflag:s29] =	ssyncadd.s32 $0xFFFFFFFF  }
0xb6: {  	_ =	strace $0x9000004B  }
0xb7: {  	_ =	sfence  }
0xb8: {  	s30 =	sld [smem:$0x0];
	_ =	sdelay $0x2  }
0xb9: {  	s31 =	sshll.u32 s1, $0xD;
	s1 =	sshrl.u32 s1, $0x2  }
0xba: {  	s3 =	sand.u32 $0x4000, s31;
	s1 =	sadd.s32 s1, s30  }
0xbb: {  	s0 =	sor.u32 s3, s0;
	s1 =	sshll.u32 s1, $0x11  }
0xbc: {  	s0 =	sor.u32 s1, s0  }
0xbd: {  	s0 =	sadd.s32 $0x8F2B, s0  }
0xbe: {  	[sflag:s0] =	ssyncadd.remote.s32 $0x1  }
0xbf: {  	_ =	sfence.sel $0xFFFF  }
0xc0: {  	[dreg:$0x0] =	wrdreg $0xFFFFFFFF;
	(pc) =	sbr.abs _section_cstart, $3  }
0xc1: {  	[dreg:$0x1] =	wrdreg $0xFFFFFFFF  }
0xc2: {  	_ =	task.clear_ibuf [dreg:s7], $0x2FFFF;
	_ =	strace $0x9FFFFFFF  }
0xc3: {  	(tm) =	ssettm $0x7FFFFFFF  }
tec
execute0_lowered:
.L_overlay_start_1:
0x0: {  	(tag) =	ssettag $0x1  }
0x1: {  	s0 =	rddreg [dreg:$0x0]  }
0x2: {  	s1 =	rddreg [dreg:$0x1]  }
0x3: {  	s2 =	rddreg [dreg:$0x2];
	s3 =	simm.s32 $0x0;
	s4 =	srdreg.scid  }
0x4: {  	s17 =	stileid.u32;
	s18 =	simm.s32 $0x3;
	s20 =	simm.s32 $0x7000  }
0x5: {  	s29 =	simm.s32 $0x1380;
	s30 =	simm.s32 $0x2B00;
	s31 =	simm.s32 $0x8  }
0x6: {  	s19 =	simm.s32 $0x1800;
	s9 =	sand.u32 $0x1, s4;
	s21 =	smul.u32 $0x28000, s17  }
0x7: {  	s5 =	sshll.u32 s17, $0x1;
	[smem:$0x7FF] =	sst s3;
	s4 =	sadd.s32 $0x2200, s0  }
0x8: {  	s12 =	sadd.s32 $0x2A200, s0;
	s10 =	smul.u32 $0x50000, s17;
	s8 =	sadd.s32 $0x13600, s1  }
0x9: {  	s15 =	smul.u32 $0x2800, s17;
	s28 =	sshll.u32 s17, $0x6;
	s6 =	sshll.u32 s9, $0xA  }
0xa: {  	s14 =	sor.u32 s9, s5;
	_ =	strace $0x8000004A;
	s7 =	ssub.s32 $0x2, s9  }
0xb: {  	p0 =	seq.s32 s9, $0x1;
	s16 =	smov.u32 s4;
	s22 =	sor.u32 s6, s21  }
0xc: {  	s23 =	smul.u32 $0x2800, s14;
	s25 =	sshrl.u32 s7, $0x1;
	s26 =	sshrl.u32 s10, $0x2  }
0xd: {  	s16 =	smov.u32 @p0 s12;
	p0 =	seq.s32 s14, $0x1F;
	s14 =	simm.s32 $0x80  }
0xe: {  	s21 =	simm.s32 $0x1;
	s5 =	sshrl.u32 s22, $0x3;
	s13 =	ssub.s32 s7, s25  }
0xf: {  	s7 =	sadd.s32 $0x9980, s1;
	s0 =	sadd.s32 s5, s0;
	s24 =	sshrl.u32 s23, $0x3  }
.Ltmp0:
0x10: {  	s12 =	smax.u32 s13, $0x1;
	s13 =	sadd.s32 s16, s15;
	(pc) =	sbr.rel .LBB2_1-.Ltmp0, $4  }
0x11: {  	s15 =	simm.s32 $0x3000;
	s16 =	sor.u32 $0x1C03, s28;
	s5 =	sadd.s32 s1, s24  }
0x12: {  	s1 =	sadd.s32 s26, s2;
	s11 =	sadd.s32 $0x52200, s0;
	s24 =	simm.s32 $0x2  }
0x13: {  	s0 =	simm.s32 $0x2B80;
	s6 =	sadd.s32 $0x9C80, s5;
	s9 =	sadd.s32 $0x280, s5  }
0x14: {  	s10 =	sadd.s32 $0x9F00, s5;
	s17 =	sshrl.u32 s1, $0x3;
	s1 =	simm.s32 $0x100  }
.LBB2_9:
0x15: {  	s22 =	simm.s32 $0xC80  }
0x16: {  	[tilespmem:s20], [sflag:$0x2] =	stream.indirect.gather [hbm4b:s4+s14], $0x80, s22, s14, $0xb8;
	[tilespmem:$0x1F000] =	vst v63  }
0x17: {  	_ =	swait.ge [sflag:s21], $0x4000  }
0x18: {  	[sflag:s21] =	ssyncset.done $0x0  }
0x19: {  	s25 =	simm.s32 $0x2400;
	[sflag:s21] =	ssyncadd.s32 $0xFFFFC000  }
0x1a: {  	[spmem:s2] =	stream.indirect.scatter.add.f32 [tilespmem:s15], [sflag:$0x3], $0x80, s25, s14, $0xb8;
	[tilespmem:$0x1F000] =	vst v63  }
0x1b: {  	_ =	swait.ge [sflag:s18], $0x4000  }
0x1c: {  	[sflag:s18] =	ssyncset.done $0x0  }
0x1d: {  	s26 =	simm.s32 $0xD00;
	[sflag:s18] =	ssyncadd.s32 $0xFFFFC000  }
0x1e: {  	[tilespmem:s15], [sflag:$0x1] =	stream.indirect.gather [hbm4b:s4+s14], $0x80, s26, s14, $0xb8;
	[tilespmem:$0x1F000] =	vst v63  }
0x1f: {  	_ =	swait.ge [sflag:s24], $0x4000  }
0x20: {  	[sflag:s24] =	ssyncset.done $0x0  }
0x21: {  	s28 =	simm.s32 $0x2480;
	[sflag:s24] =	ssyncadd.s32 $0xFFFFC000  }
0x22: {  	[spmem:s2] =	stream.indirect.scatter.add.f32 [tilespmem:s20], [sflag:$0x3], $0x80, s28, s14, $0xb8;
	[tilespmem:$0x1F000] =	vst v63  }
0x23: {  	_ =	swait.ge [sflag:s18], $0x4000  }
0x24: {  	[sflag:s18] =	ssyncset.done $0x0  }
0x25: {  	s23 =	simm.s32 $0xD80;
	[sflag:s18] =	ssyncadd.s32 $0xFFFFC000  }
0x26: {  	[tilespmem:s20], [sflag:$0x2] =	stream.indirect.gather [hbm4b:s4+s14], $0x80, s23, s14, $0xb8;
	[tilespmem:$0x1F000] =	vst v63  }
0x27: {  	_ =	swait.ge [sflag:s21], $0x4000  }
0x28: {  	[sflag:s21] =	ssyncset.done $0x0  }
0x29: {  	s25 =	simm.s32 $0x2500;
	[sflag:s21] =	ssyncadd.s32 $0xFFFFC000  }
0x2a: {  	[spmem:s2] =	stream.indirect.scatter.add.f32 [tilespmem:s15], [sflag:$0x3], $0x80, s25, s14, $0xb8;
	[tilespmem:$0x1F000] =	vst v63  }
0x2b: {  	_ =	swait.ge [sflag:s18], $0x4000  }
0x2c: {  	[sflag:s18] =	ssyncset.done $0x0  }
0x2d: {  	s26 =	simm.s32 $0xE00;
	[sflag:s18] =	ssyncadd.s32 $0xFFFFC000  }
0x2e: {  	[tilespmem:s15], [sflag:$0x1] =	stream.indirect.gather [hbm4b:s4+s14], $0x80, s26, s14, $0xb8;
	[tilespmem:$0x1F000] =	vst v63  }
0x2f: {  	_ =	swait.ge [sflag:s24], $0x4000  }
0x30: {  	[sflag:s24] =	ssyncset.done $0x0  }
0x31: {  	s28 =	simm.s32 $0x2580;
	[sflag:s24] =	ssyncadd.s32 $0xFFFFC000  }
0x32: {  	[spmem:s2] =	stream.indirect.scatter.add.f32 [tilespmem:s20], [sflag:$0x3], $0x80, s28, s14, $0xb8;
	[tilespmem:$0x1F000] =	vst v63  }
0x33: {  	_ =	swait.ge [sflag:s18], $0x4000  }
0x34: {  	[sflag:s18] =	ssyncset.done $0x0  }
0x35: {  	s23 =	simm.s32 $0xE80;
	[sflag:s18] =	ssyncadd.s32 $0xFFFFC000  }
0x36: {  	[tilespmem:s20], [sflag:$0x2] =	stream.indirect.gather [hbm4b:s4+s14], $0x80, s23, s14, $0xb8;
	[tilespmem:$0x1F000] =	vst v63  }
0x37: {  	_ =	swait.ge [sflag:s21], $0x4000  }
0x38: {  	[sflag:s21] =	ssyncset.done $0x0  }
0x39: {  	s25 =	simm.s32 $0x2600;
	[sflag:s21] =	ssyncadd.s32 $0xFFFFC000  }
0x3a: {  	[spmem:s2] =	stream.indirect.scatter.add.f32 [tilespmem:s15], [sflag:$0x3], $0x80, s25, s14, $0xb8;
	[tilespmem:$0x1F000] =	vst v63  }
0x3b: {  	_ =	swait.ge [sflag:s18], $0x4000  }
0x3c: {  	[sflag:s18] =	ssyncset.done $0x0  }
0x3d: {  	s26 =	simm.s32 $0xF00;
	[sflag:s18] =	ssyncadd.s32 $0xFFFFC000  }
0x3e: {  	[tilespmem:s15], [sflag:$0x1] =	stream.indirect.gather [hbm4b:s4+s14], $0x80, s26, s14, $0xb8;
	[tilespmem:$0x1F000] =	vst v63  }
0x3f: {  	_ =	swait.ge [sflag:s24], $0x4000  }
0x40: {  	[sflag:s24] =	ssyncset.done $0x0  }
0x41: {  	s28 =	simm.s32 $0x2680;
	[sflag:s24] =	ssyncadd.s32 $0xFFFFC000  }
0x42: {  	[spmem:s2] =	stream.indirect.scatter.add.f32 [tilespmem:s20], [sflag:$0x3], $0x80, s28, s14, $0xb8;
	[tilespmem:$0x1F000] =	vst v63  }
0x43: {  	_ =	swait.ge [sflag:s18], $0x4000  }
0x44: {  	[sflag:s18] =	ssyncset.done $0x0  }
0x45: {  	s23 =	simm.s32 $0xF80;
	[sflag:s18] =	ssyncadd.s32 $0xFFFFC000  }
0x46: {  	[tilespmem:s20], [sflag:$0x2] =	stream.indirect.gather [hbm4b:s4+s14], $0x80, s23, s14, $0xb8;
	[tilespmem:$0x1F000] =	vst v63  }
0x47: {  	_ =	swait.ge [sflag:s21], $0x4000  }
0x48: {  	[sflag:s21] =	ssyncset.done $0x0  }
0x49: {  	s25 =	simm.s32 $0x2700;
	[sflag:s21] =	ssyncadd.s32 $0xFFFFC000  }
0x4a: {  	[spmem:s2] =	stream.indirect.scatter.add.f32 [tilespmem:s15], [sflag:$0x3], $0x80, s25, s14, $0xb8;
	[tilespmem:$0x1F000] =	vst v63  }
0x4b: {  	_ =	swait.ge [sflag:s18], $0x4000  }
0x4c: {  	[sflag:s18] =	ssyncset.done $0x0  }
0x4d: {  	s26 =	simm.s32 $0x1000;
	[sflag:s18] =	ssyncadd.s32 $0xFFFFC000  }
0x4e: {  	[tilespmem:s15], [sflag:$0x1] =	stream.indirect.gather [hbm4b:s4+s14], $0x80, s26, s14, $0xb8;
	[tilespmem:$0x1F000] =	vst v63  }
0x4f: {  	_ =	swait.ge [sflag:s24], $0x4000  }
0x50: {  	[sflag:s24] =	ssyncset.done $0x0  }
0x51: {  	s28 =	simm.s32 $0x2780;
	[sflag:s24] =	ssyncadd.s32 $0xFFFFC000  }
0x52: {  	[spmem:s2] =	stream.indirect.scatter.add.f32 [tilespmem:s20], [sflag:$0x3], $0x80, s28, s14, $0xb8;
	[tilespmem:$0x1F000] =	vst v63  }
0x53: {  	_ =	swait.ge [sflag:s18], $0x4000  }
0x54: {  	[sflag:s18] =	ssyncset.done $0x0  }
0x55: {  	s23 =	simm.s32 $0x1080;
	[sflag:s18] =	ssyncadd.s32 $0xFFFFC000  }
0x56: {  	[tilespmem:s20], [sflag:$0x2] =	stream.indirect.gather [hbm4b:s4+s14], $0x80, s23, s14, $0xb8;
	[tilespmem:$0x1F000] =	vst v63  }
0x57: {  	_ =	swait.ge [sflag:s21], $0x4000  }
0x58: {  	[sflag:s21] =	ssyncset.done $0x0  }
0x59: {  	s25 =	simm.s32 $0x2800;
	[sflag:s21] =	ssyncadd.s32 $0xFFFFC000  }
0x5a: {  	[spmem:s2] =	stream.indirect.scatter.add.f32 [tilespmem:s15], [sflag:$0x3], $0x80, s25, s14, $0xb8;
	[tilespmem:$0x1F000] =	vst v63  }
0x5b: {  	_ =	swait.ge [sflag:s18], $0x4000  }
0x5c: {  	[sflag:s18] =	ssyncset.done $0x0  }
0x5d: {  	s26 =	simm.s32 $0x1100;
	[sflag:s18] =	ssyncadd.s32 $0xFFFFC000  }
0x5e: {  	[tilespmem:s15], [sflag:$0x1] =	stream.indirect.gather [hbm4b:s4+s14], $0x80, s26, s14, $0xb8;
	[tilespmem:$0x1F000] =	vst v63  }
0x5f: {  	_ =	swait.ge [sflag:s24], $0x4000  }
0x60: {  	[sflag:s24] =	ssyncset.done $0x0  }
0x61: {  	s28 =	simm.s32 $0x2880;
	[sflag:s24] =	ssyncadd.s32 $0xFFFFC000  }
0x62: {  	[spmem:s2] =	stream.indirect.scatter.add.f32 [tilespmem:s20], [sflag:$0x3], $0x80, s28, s14, $0xb8;
	[tilespmem:$0x1F000] =	vst v63  }
0x63: {  	_ =	swait.ge [sflag:s18], $0x4000  }
0x64: {  	[sflag:s18] =	ssyncset.done $0x0  }
0x65: {  	s23 =	simm.s32 $0x1180;
	[sflag:s18] =	ssyncadd.s32 $0xFFFFC000  }
0x66: {  	[tilespmem:s20], [sflag:$0x2] =	stream.indirect.gather [hbm4b:s4+s14], $0x80, s23, s14, $0xb8;
	[tilespmem:$0x1F000] =	vst v63  }
0x67: {  	_ =	swait.ge [sflag:s21], $0x4000  }
0x68: {  	[sflag:s21] =	ssyncset.done $0x0  }
0x69: {  	s25 =	simm.s32 $0x2900;
	[sflag:s21] =	ssyncadd.s32 $0xFFFFC000  }
0x6a: {  	[spmem:s2] =	stream.indirect.scatter.add.f32 [tilespmem:s15], [sflag:$0x3], $0x80, s25, s14, $0xb8;
	[tilespmem:$0x1F000] =	vst v63  }
0x6b: {  	_ =	swait.ge [sflag:s18], $0x4000  }
0x6c: {  	[sflag:s18] =	ssyncset.done $0x0  }
0x6d: {  	s26 =	simm.s32 $0x1200;
	[sflag:s18] =	ssyncadd.s32 $0xFFFFC000  }
0x6e: {  	[tilespmem:s15], [sflag:$0x1] =	stream.indirect.gather [hbm4b:s4+s14], $0x80, s26, s14, $0xb8;
	[tilespmem:$0x1F000] =	vst v63  }
0x6f: {  	_ =	swait.ge [sflag:s24], $0x4000  }
0x70: {  	[sflag:s24] =	ssyncset.done $0x0  }
0x71: {  	s28 =	simm.s32 $0x2980;
	[sflag:s24] =	ssyncadd.s32 $0xFFFFC000  }
0x72: {  	[spmem:s2] =	stream.indirect.scatter.add.f32 [tilespmem:s20], [sflag:$0x3], $0x80, s28, s14, $0xb8;
	[tilespmem:$0x1F000] =	vst v63  }
0x73: {  	_ =	swait.ge [sflag:s18], $0x4000  }
0x74: {  	[sflag:s18] =	ssyncset.done $0x0  }
0x75: {  	s23 =	simm.s32 $0x1280;
	[sflag:s18] =	ssyncadd.s32 $0xFFFFC000  }
0x76: {  	[tilespmem:s20], [sflag:$0x2] =	stream.indirect.gather [hbm4b:s4+s14], $0x80, s23, s14, $0xb8;
	[tilespmem:$0x1F000] =	vst v63  }
0x77: {  	_ =	swait.ge [sflag:s21], $0x4000  }
0x78: {  	[sflag:s21] =	ssyncset.done $0x0  }
0x79: {  	s25 =	simm.s32 $0x2A00;
	[sflag:s21] =	ssyncadd.s32 $0xFFFFC000  }
0x7a: {  	[spmem:s2] =	stream.indirect.scatter.add.f32 [tilespmem:s15], [sflag:$0x3], $0x80, s25, s14, $0xb8;
	[tilespmem:$0x1F000] =	vst v63  }
0x7b: {  	_ =	swait.ge [sflag:s18], $0x4000  }
0x7c: {  	[sflag:s18] =	ssyncset.done $0x0  }
0x7d: {  	s26 =	simm.s32 $0x1300;
	[sflag:s18] =	ssyncadd.s32 $0xFFFFC000  }
0x7e: {  	[tilespmem:s15], [sflag:$0x1] =	stream.indirect.gather [hbm4b:s4+s14], $0x80, s26, s14, $0xb8;
	[tilespmem:$0x1F000] =	vst v63  }
0x7f: {  	_ =	swait.ge [sflag:s24], $0x4000  }
0x80: {  	[sflag:s24] =	ssyncset.done $0x0  }
0x81: {  	s28 =	simm.s32 $0x2A80;
	[sflag:s24] =	ssyncadd.s32 $0xFFFFC000  }
0x82: {  	[spmem:s2] =	stream.indirect.scatter.add.f32 [tilespmem:s20], [sflag:$0x3], $0x80, s28, s14, $0xb8;
	[tilespmem:$0x1F000] =	vst v63  }
0x83: {  	_ =	swait.ge [sflag:s18], $0x4000  }
0x84: {  	[sflag:s18] =	ssyncset.done $0x0  }
0x85: {  	[sflag:s18] =	ssyncadd.s32 $0xFFFFC000  }
0x86: {  	[tilespmem:s20], [sflag:$0x2] =	stream.indirect.gather [hbm4b:s4+s14], $0x80, s29, s14, $0xb8;
	[tilespmem:$0x1F000] =	vst v63  }
0x87: {  	_ =	swait.ge [sflag:s21], $0x4000  }
0x88: {  	[sflag:s21] =	ssyncset.done $0x0  }
0x89: {  	[sflag:s21] =	ssyncadd.s32 $0xFFFFC000  }
0x8a: {  	[spmem:s2] =	stream.indirect.scatter.add.f32 [tilespmem:s15], [sflag:$0x3], $0x80, s30, s14, $0xb8;
	[tilespmem:$0x1F000] =	vst v63  }
0x8b: {  	_ =	swait.ge [sflag:s18], $0x4000  }
0x8c: {  	[sflag:s18] =	ssyncset.done $0x0  }
0x8d: {  	s23 =	simm.s32 $0x1400;
	[sflag:s18] =	ssyncadd.s32 $0xFFFFC000  }
0x8e: {  	[tilespmem:s15], [sflag:$0x1] =	stream.indirect.gather [hbm4b:s4+s14], $0x80, s23, s14, $0xb8;
	[tilespmem:$0x1F000] =	vst v63  }
0x8f: {  	_ =	swait.ge [sflag:s24], $0x4000  }
0x90: {  	[sflag:s24] =	ssyncset.done $0x0  }
0x91: {  	[sflag:s24] =	ssyncadd.s32 $0xFFFFC000  }
0x92: {  	[spmem:s2] =	stream.indirect.scatter.add.f32 [tilespmem:s20], [sflag:$0x3], $0x80, s0, s14, $0xb8;
	[tilespmem:$0x1F000] =	vst v63  }
0x93: {  	_ =	swait.ge [sflag:s18], $0x4000  }
0x94: {  	[sflag:s18] =	ssyncset.done $0x0  }
0x95: {  	s25 =	simm.s32 $0x1480;
	[sflag:s18] =	ssyncadd.s32 $0xFFFFC000  }
0x96: {  	[tilespmem:s20], [sflag:$0x2] =	stream.indirect.gather [hbm4b:s4+s14], $0x80, s25, s14, $0xb8;
	[tilespmem:$0x1F000] =	vst v63  }
0x97: {  	_ =	swait.ge [sflag:s21], $0x4000  }
0x98: {  	[sflag:s21] =	ssyncset.done $0x0  }
0x99: {  	s26 =	simm.s32 $0x2C00;
	[sflag:s21] =	ssyncadd.s32 $0xFFFFC000  }
0x9a: {  	[spmem:s2] =	stream.indirect.scatter.add.f32 [tilespmem:s15], [sflag:$0x3], $0x80, s26, s14, $0xb8;
	[tilespmem:$0x1F000] =	vst v63  }
0x9b: {  	_ =	swait.ge [sflag:s18], $0x4000  }
0x9c: {  	[sflag:s18] =	ssyncset.done $0x0  }
0x9d: {  	s28 =	simm.s32 $0x1500;
	[sflag:s18] =	ssyncadd.s32 $0xFFFFC000  }
0x9e: {  	[tilespmem:s15], [sflag:$0x1] =	stream.indirect.gather [hbm4b:s4+s14], $0x80, s28, s14, $0xb8;
	[tilespmem:$0x1F000] =	vst v63  }
0x9f: {  	_ =	swait.ge [sflag:s24], $0x4000  }
0xa0: {  	[sflag:s24] =	ssyncset.done $0x0  }
0xa1: {  	s23 =	simm.s32 $0x2C80;
	[sflag:s24] =	ssyncadd.s32 $0xFFFFC000  }
0xa2: {  	[spmem:s2] =	stream.indirect.scatter.add.f32 [tilespmem:s20], [sflag:$0x3], $0x80, s23, s14, $0xb8;
	[tilespmem:$0x1F000] =	vst v63  }
0xa3: {  	_ =	swait.ge [sflag:s18], $0x4000  }
0xa4: {  	[sflag:s18] =	ssyncset.done $0x0  }
0xa5: {  	s25 =	simm.s32 $0x1580;
	[sflag:s18] =	ssyncadd.s32 $0xFFFFC000  }
0xa6: {  	[tilespmem:s20], [sflag:$0x2] =	stream.indirect.gather [hbm4b:s4+s14], $0x80, s25, s14, $0xb8;
	[tilespmem:$0x1F000] =	vst v63  }
0xa7: {  	_ =	swait.ge [sflag:s21], $0x4000  }
0xa8: {  	[sflag:s21] =	ssyncset.done $0x0  }
0xa9: {  	s26 =	simm.s32 $0x2D00;
	[sflag:s21] =	ssyncadd.s32 $0xFFFFC000  }
0xaa: {  	[spmem:s2] =	stream.indirect.scatter.add.f32 [tilespmem:s15], [sflag:$0x3], $0x80, s26, s14, $0xb8;
	[tilespmem:$0x1F000] =	vst v63  }
0xab: {  	_ =	swait.ge [sflag:s18], $0x4000  }
0xac: {  	[sflag:s18] =	ssyncset.done $0x0  }
0xad: {  	[sflag:s18] =	ssyncadd.s32 $0xFFFFC000  }
0xae: {  	_ =	swait.ge [sflag:s24], $0x4000  }
0xaf: {  	[sflag:s24] =	ssyncset.done $0x0  }
0xb0: {  	s28 =	simm.s32 $0x2D80;
	[sflag:s24] =	ssyncadd.s32 $0xFFFFC000  }
0xb1: {  	[spmem:s2] =	stream.indirect.scatter.add.f32 [tilespmem:s20], [sflag:$0x3], $0x80, s28, s14, $0xb8;
	[tilespmem:$0x1F000] =	vst v63  }
.LBB2_7:
0xb2: {  	_ =	swait.ge [sflag:s18], $0x4000  }
0xb3: {  	s3 =	sadd.s32 $0x1, s3;
	[sflag:s18] =	ssyncset.done $0x0  }
0xb4: {  	p1 =	sne.s32 s3, s12;
	[sflag:s18] =	ssyncadd.s32 $0xFFFFC000  }
.Ltmp1:
0xb5: {  	[bflag:$0x0] =	sbarrier.arrive $0xFFFF;
	(pc) =	sbr.rel @!p1 .LBB2_8-.Ltmp1, $4  }
0xb6: {  	[hbm:s11@s1], [sflag:s16] =	dma.strided [spmem:s17@s14], $0x2800, s31, $0x10   }
0xb7: {  	_ =	swait.ge [sflag:s18], $0x2800  }
0xb8: {  	[sflag:s18] =	ssyncset.done $0x0  }
0xb9: {  	[sflag:s18] =	ssyncadd.s32 $0xFFFFD800  }
.LBB2_1:
0xba: {  	s22 =	simm.s32 @p0 $0x0;
	s23 =	simm.s32 @p0 $0x3  }
0xbb: {  	[tilespmem:s22], [sflag:$0x3] =	stream.linear.gather @p0 [hbm4b:s7+s22], $0x1600, $0x38;
	[tilespmem:$0x1F000] =	vst v63  }
0xbc: {  	_ =	swait.ge @p0 [sflag:s23], $0x1600  }
0xbd: {  	[sflag:s23] =	ssyncset.done @p0 $0x0  }
0xbe: {  	s25 =	simm.s32 @p0 $0x1800;
	[sflag:s23] =	ssyncadd.s32 @p0 $0xFFFFEA00  }
0xbf: {  	[tilespmem:s25], [sflag:$0x3] =	stream.linear.gather @p0 [hbm4b:s8+s22], $0x1600, $0x38;
	[tilespmem:$0x1F000] =	vst v63  }
0xc0: {  	_ =	swait.ge @p0 [sflag:s23], $0x1600  }
0xc1: {  	[sflag:s23] =	ssyncset.done @p0 $0x0  }
0xc2: {  	s22 =	simm.s32 @!p0 $0x0;
	[sflag:s23] =	ssyncadd.s32 @p0 $0xFFFFEA00;
	s23 =	simm.s32 @!p0 $0x3  }
0xc3: {  	[tilespmem:s22], [sflag:$0x3] =	stream.linear.gather @!p0 [hbm4b:s5+s22], $0x1400, $0x38;
	[tilespmem:$0x1F000] =	vst v63  }
0xc4: {  	_ =	swait.ge @!p0 [sflag:s23], $0x1400  }
0xc5: {  	[sflag:s23] =	ssyncset.done @!p0 $0x0  }
0xc6: {  	s25 =	simm.s32 @!p0 $0x1800;
	[sflag:s23] =	ssyncadd.s32 @!p0 $0xFFFFEC00  }
0xc7: {  	[tilespmem:s25], [sflag:$0x3] =	stream.linear.gather @!p0 [hbm4b:s6+s22], $0x1400, $0x38;
	[tilespmem:$0x1F000] =	vst v63  }
0xc8: {  	_ =	swait.ge @!p0 [sflag:s23], $0x1400  }
0xc9: {  	[sflag:s23] =	ssyncset.done @!p0 $0x0  }
0xca: {  	s22 =	simm.s32 @p0 $0xC00;
	[sflag:s23] =	ssyncadd.s32 @!p0 $0xFFFFEC00  }
0xcb: {  	[tilespmem:s15], [sflag:$0x1] =	stream.indirect.gather [hbm4b:s4+s14], $0x80, s22, s14, $0xb8;
	[tilespmem:$0x1F000] =	vst v63  }
0xcc: {  	[spmem:s17], [sflag:s16] =	dma.local [hbm:s13], $0x2800  }
.Ltmp2:
0xcd: {  	_ =	swait.ge [sflag:s18], $0x2800;
	(pc) =	sbr.rel @p0 .LBB2_9-.Ltmp2, $3  }
0xce: {  	[sflag:s18] =	ssyncset.done $0x0  }
0xcf: {  	[sflag:s18] =	ssyncadd.s32 $0xFFFFD800  }
0xd0: {  	[bflag:$0x0] =	sbarrier.arrive $0xFFFF;
	_ =	sdelay $0x1  }
0xd1: {  	s22 =	simm.s32 $0x80  }
0xd2: {  	[tilespmem:s20], [sflag:$0x2] =	stream.indirect.gather [hbm4b:s4+s14], $0x80, s22, s14, $0xb8;
	[tilespmem:$0x1F000] =	vst v63  }
0xd3: {  	_ =	swait.ge [sflag:s21], $0x4000  }
0xd4: {  	[sflag:s21] =	ssyncset.done $0x0  }
0xd5: {  	s25 =	simm.s32 $0x1800;
	[sflag:s21] =	ssyncadd.s32 $0xFFFFC000  }
0xd6: {  	[spmem:s2] =	stream.indirect.scatter.add.f32 [tilespmem:s15], [sflag:$0x3], $0x80, s25, s14, $0xb8;
	[tilespmem:$0x1F000] =	vst v63  }
0xd7: {  	_ =	swait.ge [sflag:s18], $0x4000  }
0xd8: {  	[sflag:s18] =	ssyncset.done $0x0  }
0xd9: {  	s26 =	simm.s32 $0x100;
	[sflag:s18] =	ssyncadd.s32 $0xFFFFC000  }
0xda: {  	[tilespmem:s15], [sflag:$0x1] =	stream.indirect.gather [hbm4b:s4+s14], $0x80, s26, s14, $0xb8;
	[tilespmem:$0x1F000] =	vst v63  }
0xdb: {  	_ =	swait.ge [sflag:s24], $0x4000  }
0xdc: {  	[sflag:s24] =	ssyncset.done $0x0  }
0xdd: {  	s28 =	simm.s32 $0x1880;
	[sflag:s24] =	ssyncadd.s32 $0xFFFFC000  }
0xde: {  	[spmem:s2] =	stream.indirect.scatter.add.f32 [tilespmem:s20], [sflag:$0x3], $0x80, s28, s14, $0xb8;
	[tilespmem:$0x1F000] =	vst v63  }
0xdf: {  	_ =	swait.ge [sflag:s18], $0x4000  }
0xe0: {  	s23 =	simm.s32 $0x800;
	s22 =	simm.s32 $0x100;
	[sflag:s18] =	ssyncset.done $0x0  }
.LBB2_3:
0xe1: {  	s25 =	sadd.s32 $0x80, s22  }
0xe2: {  	[sflag:s18] =	ssyncadd.s32 $0xFFFFC000;
	s26 =	smov.u32 s23;
	s28 =	sadd.s32 $0x400, s23  }
0xe3: {  	[tilespmem:s20], [sflag:$0x2] =	stream.indirect.gather [hbm4b:s4+s14], $0x80, s25, s14, $0xb8;
	[tilespmem:$0x1F000] =	vst v63  }
0xe4: {  	p1 =	sne.s32 s23, $0x4800;
	_ =	swait.ge [sflag:s21], $0x4000  }
0xe5: {  	[sflag:s21] =	ssyncset.done $0x0  }
0xe6: {  	s23 =	sadd.s32 $0x1800, s22;
	[sflag:s21] =	ssyncadd.s32 $0xFFFFC000  }
0xe7: {  	[spmem:s2] =	stream.indirect.scatter.add.f32 [tilespmem:s15], [sflag:$0x3], $0x80, s23, s14, $0xb8;
	[tilespmem:$0x1F000] =	vst v63  }
0xe8: {  	_ =	swait.ge [sflag:s18], $0x4000  }
0xe9: {  	[sflag:s18] =	ssyncset.done $0x0  }
0xea: {  	s23 =	sadd.s32 $0x100, s22;
	[sflag:s18] =	ssyncadd.s32 $0xFFFFC000  }
0xeb: {  	[tilespmem:s15], [sflag:$0x1] =	stream.indirect.gather [hbm4b:s4+s14], $0x80, s23, s14, $0xb8;
	[tilespmem:$0x1F000] =	vst v63  }
0xec: {  	_ =	swait.ge [sflag:s24], $0x4000  }
.Ltmp3:
0xed: {  	[sflag:s24] =	ssyncset.done $0x0;
	(pc) =	sbr.rel @p1 .LBB2_3-.Ltmp3, $4  }
0xee: {  	s22 =	sadd.s32 $0x1880, s22;
	[sflag:s24] =	ssyncadd.s32 $0xFFFFC000  }
0xef: {  	[spmem:s2] =	stream.indirect.scatter.add.f32 [tilespmem:s20], [sflag:$0x3], $0x80, s22, s14, $0xb8;
	[tilespmem:$0x1F000] =	vst v63  }
0xf0: {  	_ =	swait.ge [sflag:s18], $0x4000  }
0xf1: {  	s23 =	smov.u32 s28;
	s22 =	sshra.s32 s26, $0x2;
	[sflag:s18] =	ssyncset.done $0x0  }
0xf2: {  	s23 =	sadd.s32 $0x80, s22;
	[sflag:s18] =	ssyncadd.s32 $0xFFFFC000  }
0xf3: {  	[tilespmem:s20], [sflag:$0x2] =	stream.indirect.gather [hbm4b:s4+s14], $0x80, s23, s14, $0xb8;
	[tilespmem:$0x1F000] =	vst v63  }
0xf4: {  	_ =	swait.ge [sflag:s21], $0x4000  }
0xf5: {  	[sflag:s21] =	ssyncset.done $0x0  }
0xf6: {  	s28 =	sadd.s32 $0x1800, s22;
	[sflag:s21] =	ssyncadd.s32 $0xFFFFC000  }
0xf7: {  	[spmem:s2] =	stream.indirect.scatter.add.f32 [tilespmem:s15], [sflag:$0x3], $0x80, s28, s14, $0xb8;
	[tilespmem:$0x1F000] =	vst v63  }
0xf8: {  	_ =	swait.ge [sflag:s18], $0x4000  }
0xf9: {  	[sflag:s18] =	ssyncset.done $0x0  }
0xfa: {  	s25 =	sadd.s32 $0x100, s22;
	[sflag:s18] =	ssyncadd.s32 $0xFFFFC000  }
0xfb: {  	[tilespmem:s15], [sflag:$0x1] =	stream.indirect.gather [hbm4b:s4+s14], $0x80, s25, s14, $0xb8;
	[tilespmem:$0x1F000] =	vst v63  }
0xfc: {  	_ =	swait.ge [sflag:s24], $0x4000  }
0xfd: {  	[sflag:s24] =	ssyncset.done $0x0  }
0xfe: {  	s26 =	sadd.s32 $0x1880, s22;
	[sflag:s24] =	ssyncadd.s32 $0xFFFFC000  }
0xff: {  	[spmem:s2] =	stream.indirect.scatter.add.f32 [tilespmem:s20], [sflag:$0x3], $0x80, s26, s14, $0xb8;
	[tilespmem:$0x1F000] =	vst v63  }
0x100: {  	_ =	swait.ge [sflag:s18], $0x4000  }
0x101: {  	[sflag:s18] =	ssyncset.done $0x0  }
0x102: {  	[sflag:s18] =	ssyncadd.s32 $0xFFFFC000  }
0x103: {  	[tilespmem:s20], [sflag:$0x2] =	stream.indirect.gather [hbm4b:s4+s14], $0x80, s29, s14, $0xb8;
	[tilespmem:$0x1F000] =	vst v63  }
0x104: {  	_ =	swait.ge [sflag:s21], $0x4000  }
0x105: {  	[sflag:s21] =	ssyncset.done $0x0  }
0x106: {  	[sflag:s21] =	ssyncadd.s32 $0xFFFFC000  }
0x107: {  	[spmem:s2] =	stream.indirect.scatter.add.f32 [tilespmem:s15], [sflag:$0x3], $0x80, s30, s14, $0xb8;
	[tilespmem:$0x1F000] =	vst v63  }
0x108: {  	_ =	swait.ge [sflag:s18], $0x4000  }
0x109: {  	[sflag:s18] =	ssyncset.done $0x0  }
0x10a: {  	[sflag:s18] =	ssyncadd.s32 $0xFFFFC000  }
0x10b: {  	_ =	swait.ge [sflag:s24], $0x4000  }
0x10c: {  	[sflag:s24] =	ssyncset.done $0x0  }
0x10d: {  	[sflag:s24] =	ssyncadd.s32 $0xFFFFC000  }
0x10e: {  	[spmem:s2] =	stream.indirect.scatter.add.f32 [tilespmem:s20], [sflag:$0x3], $0x80, s0, s14, $0xb8;
	[tilespmem:$0x1F000] =	vst v63  }
0x10f: {  	_ =	swait.ge [sflag:s18], $0x4000  }
0x110: {  	[sflag:s18] =	ssyncset.done $0x0  }
0x111: {  	s28 =	simm.s32 $0x0;
	[sflag:s18] =	ssyncadd.s32 $0xFFFFC000  }
0x112: {  	[tilespmem:s28], [sflag:$0x3] =	stream.linear.gather [hbm4b:s9+s28], $0x1400, $0x38;
	[tilespmem:$0x1F000] =	vst v63  }
0x113: {  	_ =	swait.ge [sflag:s18], $0x1400  }
0x114: {  	[sflag:s18] =	ssyncset.done $0x0  }
0x115: {  	[sflag:s18] =	ssyncadd.s32 $0xFFFFEC00  }
0x116: {  	[tilespmem:s19], [sflag:$0x3] =	stream.linear.gather [hbm4b:s10+s28], $0x1400, $0x38;
	[tilespmem:$0x1F000] =	vst v63  }
0x117: {  	_ =	swait.ge [sflag:s18], $0x1400  }
0x118: {  	[sflag:s18] =	ssyncset.done $0x0  }
0x119: {  	[sflag:s18] =	ssyncadd.s32 $0xFFFFEC00  }
0x11a: {  	[tilespmem:s15], [sflag:$0x1] =	stream.indirect.gather [hbm4b:s4+s14], $0x80, s28, s14, $0xb8;
	[tilespmem:$0x1F000] =	vst v63  }
0x11b: {  	s23 =	simm.s32 $0x80  }
0x11c: {  	[tilespmem:s20], [sflag:$0x2] =	stream.indirect.gather [hbm4b:s4+s14], $0x80, s23, s14, $0xb8;
	[tilespmem:$0x1F000] =	vst v63  }
0x11d: {  	_ =	swait.ge [sflag:s21], $0x4000  }
0x11e: {  	[sflag:s21] =	ssyncset.done $0x0  }
0x11f: {  	s25 =	simm.s32 $0x1800;
	[sflag:s21] =	ssyncadd.s32 $0xFFFFC000  }
0x120: {  	[spmem:s2] =	stream.indirect.scatter.add.f32 [tilespmem:s15], [sflag:$0x3], $0x80, s25, s14, $0xb8;
	[tilespmem:$0x1F000] =	vst v63  }
0x121: {  	_ =	swait.ge [sflag:s18], $0x4000  }
0x122: {  	[sflag:s18] =	ssyncset.done $0x0  }
0x123: {  	s26 =	simm.s32 $0x100;
	[sflag:s18] =	ssyncadd.s32 $0xFFFFC000  }
0x124: {  	[tilespmem:s15], [sflag:$0x1] =	stream.indirect.gather [hbm4b:s4+s14], $0x80, s26, s14, $0xb8;
	[tilespmem:$0x1F000] =	vst v63  }
0x125: {  	_ =	swait.ge [sflag:s24], $0x4000  }
0x126: {  	[sflag:s24] =	ssyncset.done $0x0  }
0x127: {  	s28 =	simm.s32 $0x1880;
	[sflag:s24] =	ssyncadd.s32 $0xFFFFC000  }
0x128: {  	[spmem:s2] =	stream.indirect.scatter.add.f32 [tilespmem:s20], [sflag:$0x3], $0x80, s28, s14, $0xb8;
	[tilespmem:$0x1F000] =	vst v63  }
0x129: {  	_ =	swait.ge [sflag:s18], $0x4000  }
0x12a: {  	s22 =	simm.s32 $0x100;
	s23 =	simm.s32 $0x800;
	[sflag:s18] =	ssyncset.done $0x0  }
.LBB2_5:
0x12b: {  	s25 =	sadd.s32 $0x80, s22  }
0x12c: {  	[sflag:s18] =	ssyncadd.s32 $0xFFFFC000;
	s26 =	smov.u32 s23;
	s28 =	sadd.s32 $0x400, s23  }
0x12d: {  	[tilespmem:s20], [sflag:$0x2] =	stream.indirect.gather [hbm4b:s4+s14], $0x80, s25, s14, $0xb8;
	[tilespmem:$0x1F000] =	vst v63  }
0x12e: {  	p1 =	seq.s32 s23, $0x4800;
	_ =	swait.ge [sflag:s21], $0x4000  }
0x12f: {  	[sflag:s21] =	ssyncset.done $0x0  }
0x130: {  	s23 =	sadd.s32 $0x1800, s22;
	[sflag:s21] =	ssyncadd.s32 $0xFFFFC000  }
0x131: {  	[spmem:s2] =	stream.indirect.scatter.add.f32 [tilespmem:s15], [sflag:$0x3], $0x80, s23, s14, $0xb8;
	[tilespmem:$0x1F000] =	vst v63  }
0x132: {  	_ =	swait.ge [sflag:s18], $0x4000  }
0x133: {  	[sflag:s18] =	ssyncset.done $0x0  }
0x134: {  	s23 =	sadd.s32 $0x100, s22;
	[sflag:s18] =	ssyncadd.s32 $0xFFFFC000  }
0x135: {  	[tilespmem:s15], [sflag:$0x1] =	stream.indirect.gather [hbm4b:s4+s14], $0x80, s23, s14, $0xb8;
	[tilespmem:$0x1F000] =	vst v63  }
0x136: {  	_ =	swait.ge [sflag:s24], $0x4000  }
.Ltmp4:
0x137: {  	[sflag:s24] =	ssyncset.done $0x0;
	(pc) =	sbr.rel @!p1 .LBB2_5-.Ltmp4, $4  }
0x138: {  	s22 =	sadd.s32 $0x1880, s22;
	[sflag:s24] =	ssyncadd.s32 $0xFFFFC000  }
0x139: {  	[spmem:s2] =	stream.indirect.scatter.add.f32 [tilespmem:s20], [sflag:$0x3], $0x80, s22, s14, $0xb8;
	[tilespmem:$0x1F000] =	vst v63  }
0x13a: {  	_ =	swait.ge [sflag:s18], $0x4000  }
0x13b: {  	s23 =	smov.u32 s28;
	s22 =	sshra.s32 s26, $0x2;
	[sflag:s18] =	ssyncset.done $0x0  }
0x13c: {  	s23 =	sadd.s32 $0x80, s22;
	[sflag:s18] =	ssyncadd.s32 $0xFFFFC000  }
0x13d: {  	[tilespmem:s20], [sflag:$0x2] =	stream.indirect.gather [hbm4b:s4+s14], $0x80, s23, s14, $0xb8;
	[tilespmem:$0x1F000] =	vst v63  }
0x13e: {  	_ =	swait.ge [sflag:s21], $0x4000  }
0x13f: {  	[sflag:s21] =	ssyncset.done $0x0  }
0x140: {  	s25 =	sadd.s32 $0x1800, s22;
	[sflag:s21] =	ssyncadd.s32 $0xFFFFC000  }
0x141: {  	[spmem:s2] =	stream.indirect.scatter.add.f32 [tilespmem:s15], [sflag:$0x3], $0x80, s25, s14, $0xb8;
	[tilespmem:$0x1F000] =	vst v63  }
0x142: {  	_ =	swait.ge [sflag:s18], $0x4000  }
0x143: {  	[sflag:s18] =	ssyncset.done $0x0  }
0x144: {  	s26 =	sadd.s32 $0x100, s22;
	[sflag:s18] =	ssyncadd.s32 $0xFFFFC000  }
0x145: {  	[tilespmem:s15], [sflag:$0x1] =	stream.indirect.gather [hbm4b:s4+s14], $0x80, s26, s14, $0xb8;
	[tilespmem:$0x1F000] =	vst v63  }
0x146: {  	_ =	swait.ge [sflag:s24], $0x4000  }
0x147: {  	[sflag:s24] =	ssyncset.done $0x0  }
0x148: {  	s28 =	sadd.s32 $0x1880, s22;
	[sflag:s24] =	ssyncadd.s32 $0xFFFFC000  }
0x149: {  	[spmem:s2] =	stream.indirect.scatter.add.f32 [tilespmem:s20], [sflag:$0x3], $0x80, s28, s14, $0xb8;
	[tilespmem:$0x1F000] =	vst v63  }
0x14a: {  	_ =	swait.ge [sflag:s18], $0x4000  }
0x14b: {  	[sflag:s18] =	ssyncset.done $0x0  }
0x14c: {  	[sflag:s18] =	ssyncadd.s32 $0xFFFFC000  }
0x14d: {  	[tilespmem:s20], [sflag:$0x2] =	stream.indirect.gather [hbm4b:s4+s14], $0x80, s29, s14, $0xb8;
	[tilespmem:$0x1F000] =	vst v63  }
0x14e: {  	_ =	swait.ge [sflag:s21], $0x4000  }
0x14f: {  	[sflag:s21] =	ssyncset.done $0x0  }
0x150: {  	[sflag:s21] =	ssyncadd.s32 $0xFFFFC000  }
0x151: {  	[spmem:s2] =	stream.indirect.scatter.add.f32 [tilespmem:s15], [sflag:$0x3], $0x80, s30, s14, $0xb8;
	[tilespmem:$0x1F000] =	vst v63  }
0x152: {  	_ =	swait.ge [sflag:s18], $0x4000  }
0x153: {  	[sflag:s18] =	ssyncset.done $0x0  }
.Ltmp5:
0x154: {  	[sflag:s18] =	ssyncadd.s32 $0xFFFFC000;
	(pc) =	sbr.rel .LBB2_7-.Ltmp5, $4  }
0x155: {  	_ =	swait.ge [sflag:s24], $0x4000  }
0x156: {  	[sflag:s24] =	ssyncset.done $0x0  }
0x157: {  	[sflag:s24] =	ssyncadd.s32 $0xFFFFC000  }
0x158: {  	[spmem:s2] =	stream.indirect.scatter.add.f32 [tilespmem:s20], [sflag:$0x3], $0x80, s0, s14, $0xb8;
	[tilespmem:$0x1F000] =	vst v63  }
.LBB2_8:
0x159: {  	_ =	sfence.sel $0x180000  }
0x15a: {  	[bflag:$0x0] =	sbarrier.arrive $0xFFFF  }
0x15b: {  	_ =	strace $0x9000004A  }
0x15c: {  	s0 =	stileid.u32;
	[bflag:$0x2] =	sbarrier.arrive $0xFFFF  }
0x15d: {  	p0 =	sne.s32 s0, $0x0;
	s0 =	rddreg [dreg:$0x3]  }
0x15e: {  	s0 =	sadd.s32 @!p0 $0x100000, s0  }
0x15f: {  	[sflag:s0] =	ssyncadd.tile.s32 @!p0 $0x1;
	_ =	shalt  }
.Lfunc_end2:
_tile_overlayer_lowered:
.L_overlay_start_2:
0x160: {  	(tag) =	ssettag $0x2  }
0x161: {  	s0 =	rddreg [dreg:$0x0];
	s2 =	stileid.u32  }
0x162: {  	s1 =	rddreg [dreg:$0x1];
	p0 =	sne.s32 s2, $0x0  }
0x163: {  	s3 =	rddreg [dreg:$0x2];
	[bflag:$0x3] =	sbarrier.arrive $0xFFFF;
	s2 =	simm.s32 @!p0 $0x1C03  }
0x164: {  	[timem:s3], [sflag:s2] =	dma.local @!p0 [hbm:s0], s1  }
0x165: {  	s0 =	simm.s32 @!p0 $0x3  }
0x166: {  	_ =	swait.ge @!p0 [sflag:s0], s1  }
0x167: {  	s1 =	ssub.s32 @!p0 $0x0, s1;
	[sflag:s0] =	ssyncset.done @!p0 $0x0  }
0x168: {  	[sflag:s0] =	ssyncadd.s32 @!p0 s1  }
0x169: {  	[bflag:$0x3] =	sbarrier.arrive $0xFFFF  }
0x16a: {  	_ =	shalt  }

// kernel: kernel.16.cloned.1.call-start
scs
__scs_entry_jumppad:
0x0: {  	(pc) =	sbr.rel $0x88, $3  }
0x1: {  	(tag) =	ssettag $0x0;
	lr =	simm.s32 $0x1  }
0x2: {  	[smem:$0x3F9B] =	sst lr;
	_ =	strace $0xD0000000  }
0x3: {  	_ = 	snop  }
0x4: {  	_ = 	snop  }
0x5: {  	_ = 	snop  }
0x6: {  	_ = 	snop  }
0x7: {  	_ = 	snop  }
__scs_overlays_trampoline_lowered:
0x8: {  	[smem:$0x3FAA] =	sst s0  }
0x9: {  	[smem:$0x3FAB] =	sst s1  }
0xa: {  	[smem:$0x3FAC] =	sst s2  }
0xb: {  	[smem:$0x3FAD] =	sst s3  }
0xc: {  	[smem:$0x3FAE] =	sst s4  }
0xd: {  	[smem:$0x3FAF] =	sst s5  }
0xe: {  	[smem:$0x3FB0] =	sst s6  }
0xf: {  	[smem:$0x3FB1] =	sst s7  }
0x10: {  	[smem:$0x3FB2] =	sst s8  }
0x11: {  	[smem:$0x3FB3] =	sst s9;
	s0 =	simm.s32 @!p0 $0x0  }
0x12: {  	s1 =	sld [smem:$0x3F99];
	s0 =	simm.s32 @p0 $0x1  }
0x13: {  	[smem:$0x3FB4] =	sst s0;
	s0 =	simm.s32 @!p1 $0x0  }
0x14: {  	s2 =	sld [smem:$0x3F98];
	s0 =	simm.s32 @p1 $0x1  }
0x15: {  	[smem:$0x3FB5] =	sst s0;
	s0 =	simm.s32 @!p2 $0x0  }
0x16: {  	s3 =	sld [smem:$0x3FDB];
	s0 =	simm.s32 @p2 $0x1  }
0x17: {  	s4 =	simm.s32 $0x1BF5;
	[smem:$0x3FB7] =	sst s0  }
0x18: {  	s0 =	sld [smem:$0x3F9A];
	_ =	swait.ge [sflag:s4], $0x0  }
0x19: {  	s7 =	sld [smem:$0x3F9B]  }
0x1a: {  	s8 =	sadd.s32 $0xFFFFE003, lr  }
0x1b: {  	s9 =	sadd.s32 $0xFFFFFEF7, lr;
	s5 =	simm.s32 $0xFFFFFFFF;
	p2 =	slt.u32 s8, $0xFFFFF086  }
0x1c: {  	p1 =	slt.u32 s9, $0xF7A;
	s5 =	simm.s32 @!p2 $0x0  }
0x1d: {  	s5 =	simm.s32 @p1 $0x1;
	p0 =	seq.s32 s7, s2  }
0x1e: {  	s7 =	smul.u32 @!p0 $0xF7A, s2;
	p2 =	seq.s32 @!p0 s5, $0x0  }
0x1f: {  	s9 =	smul.u32 $0xF7A, s1;
	s8 =	simm.s32 @!p0 $0x1BF5;
	p2 =	por !p2, p0  }
0x20: {  	[sflag:s8] =	ssyncset.s32 @!p0 $0xFFFFF086;
	s6 =	sadd.s32 @!p0 s3, s7;
	s7 =	simm.s32 @!p0 $0x108  }
0x21: {  	s3 =	sadd.s32 s3, s9;
	s6 =	sadd.s32 @!p0 $0x88, s6;
	s7 =	simm.s32 @p2 $0x1082  }
0x22: {  	[simem:s7], [sflag:s8] =	dma.local @!p0 [hbm:s6], $0xF7A  }
0x23: {  	s9 =	sor.u32 $0xD0000000, s2;
	s6 =	simm.s32 $0x108;
	_ =	swait.ge @!p0 [sflag:s8], $0x0  }
0x24: {  	s3 =	sadd.s32 $0x88, s3;
	s6 =	simm.s32 @!p1 $0x1082;
	[sflag:s4] =	ssyncset.s32 $0xFFFFF086  }
0x25: {  	[simem:s6], [sflag:s4] =	dma.local [hbm:s3], $0xF7A  }
0x26: {  	[smem:$0x3F9B] =	sst s1;
	(tag) =	ssettag s2;
	_ =	strace s9  }
0x27: {  	s1 =	sld [smem:$0x3FAB]  }
0x28: {  	s2 =	sld [smem:$0x3FAC]  }
0x29: {  	s4 =	sld [smem:$0x3FAE]  }
0x2a: {  	p0 =	seq.s32 s5, $0x0;
	s5 =	sld [smem:$0x3FAF]  }
0x2b: {  	s6 =	sld [smem:$0x3FB0]  }
0x2c: {  	s7 =	sld [smem:$0x3FB1]  }
0x2d: {  	s3 =	simm.s32 $0x108;
	s8 =	sld [smem:$0x3FB2]  }
0x2e: {  	s3 =	simm.s32 @!p0 $0x1082;
	s9 =	sld [smem:$0x3FB3]  }
0x2f: {  	lr =	sadd.s32 s0, s3;
	s0 =	sld [smem:$0x3FAA]  }
0x30: {  	s3 =	sld [smem:$0x3FAD]  }
0x31: {  	[smem:$0x3FB6] =	sst s10  }
0x32: {  	s10 =	sld [smem:$0x3FB4];
	_ =	sdelay $0x3  }
0x33: {  	p0 =	seq.s32 s10, $0x1;
	s10 =	sld [smem:$0x3FB6];
	_ =	sdelay $0x3  }
0x34: {  	[smem:$0x3FB6] =	sst s10  }
0x35: {  	s10 =	sld [smem:$0x3FB5];
	_ =	sdelay $0x3  }
0x36: {  	p1 =	seq.s32 s10, $0x1;
	s10 =	sld [smem:$0x3FB6];
	_ =	sdelay $0x3  }
0x37: {  	[smem:$0x3FB6] =	sst s10  }
0x38: {  	s10 =	sld [smem:$0x3FB7]  }
0x39: {  	_ = 	snop;
	(pc) =	sbr.ind lr, $3  }
0x3a: {  	_ = 	snop  }
0x3b: {  	_ = 	snop  }
0x3c: {  	p2 =	seq.s32 s10, $0x1;
	s10 =	sld [smem:$0x3FB6]  }
0x3d: {  	_ =	shalt  }
0x3e: {  	_ =	shalt  }
0x3f: {  	_ =	shalt  }
0x40: {  	_ =	shalt  }
0x41: {  	_ =	shalt  }
0x42: {  	_ =	shalt  }
0x43: {  	_ =	shalt  }
0x44: {  	_ =	shalt  }
0x45: {  	_ =	shalt  }
0x46: {  	_ =	shalt  }
0x47: {  	_ =	shalt  }
0x48: {  	_ =	shalt  }
0x49: {  	_ =	shalt  }
0x4a: {  	_ =	shalt  }
0x4b: {  	_ =	shalt  }
0x4c: {  	_ =	shalt  }
0x4d: {  	_ =	shalt  }
0x4e: {  	_ =	shalt  }
0x4f: {  	_ =	shalt  }
0x50: {  	_ =	shalt  }
0x51: {  	_ =	shalt  }
0x52: {  	_ =	shalt  }
0x53: {  	_ =	shalt  }
0x54: {  	_ =	shalt  }
0x55: {  	_ =	shalt  }
0x56: {  	_ =	shalt  }
0x57: {  	_ =	shalt  }
0x58: {  	_ =	shalt  }
0x59: {  	_ =	shalt  }
0x5a: {  	_ =	shalt  }
0x5b: {  	_ =	shalt  }
0x5c: {  	_ =	shalt  }
0x5d: {  	_ =	shalt  }
0x5e: {  	_ =	shalt  }
0x5f: {  	_ =	shalt  }
0x60: {  	_ =	shalt  }
0x61: {  	_ =	shalt  }
0x62: {  	_ =	shalt  }
0x63: {  	_ =	shalt  }
0x64: {  	_ =	shalt  }
0x65: {  	_ =	shalt  }
0x66: {  	_ =	shalt  }
0x67: {  	_ =	shalt  }
0x68: {  	_ =	shalt  }
0x69: {  	_ =	shalt  }
0x6a: {  	_ =	shalt  }
0x6b: {  	_ =	shalt  }
0x6c: {  	_ =	shalt  }
0x6d: {  	_ =	shalt  }
0x6e: {  	_ =	shalt  }
0x6f: {  	_ =	shalt  }
0x70: {  	_ =	shalt  }
0x71: {  	_ =	shalt  }
0x72: {  	_ =	shalt  }
0x73: {  	_ =	shalt  }
0x74: {  	_ =	shalt  }
0x75: {  	_ =	shalt  }
0x76: {  	_ =	shalt  }
0x77: {  	_ =	shalt  }
0x78: {  	_ =	shalt  }
0x79: {  	_ =	shalt  }
0x7a: {  	_ =	shalt  }
0x7b: {  	_ =	shalt  }
0x7c: {  	_ =	shalt  }
0x7d: {  	_ =	shalt  }
0x7e: {  	_ =	shalt  }
0x7f: {  	_ =	shalt  }
0x80: {  	_ =	shalt  }
0x81: {  	_ =	shalt  }
0x82: {  	_ =	shalt  }
0x83: {  	_ =	shalt  }
0x84: {  	_ =	shalt  }
0x85: {  	_ =	shalt  }
0x86: {  	_ =	shalt  }
0x87: {  	_ =	shalt  }
.Lfunc_end0:
.L_simem_size_0:
called_computation.2_lowered:
.L_overlay_start_0:
0x88: {  	s2 =	sld [smem:$0x3FD9]  }
0x89: {  	s3 =	sld [smem:$0x3FFE];
	_ =	sdelay $0x1  }
0x8a: {  	s1 =	srdreg.scid  }
0x8b: {  	s0 =	sand.u32 $0x1, s1  }
0x8c: {  	s17 =	sshll.u32 s0, $0xA;
	s2 =	sadd.s32 s3, s2  }
0x8d: {  	s2 =	sadd.s32 s2, s17  }
0x8e: {  	[smem:$0x3FC2] =	sst s2  }
0x8f: {  	_ = 	snop  }
0x90: {  	s2 =	sld [smem:$0x3FD0];
	(tm) =	ssettm $0x1  }
0x91: {  	s18 =	sld [smem:$0x3FFB];
	_ =	sdelay $0x3  }
0x92: {  	_ =	strace s18  }
0x93: {  	s3 =	sld [smem:$0x3FFC];
	_ =	sdelay $0x3  }
0x94: {  	_ =	strace s3  }
0x95: {  	s3 =	sld [smem:$0x3FFD];
	_ =	sdelay $0x3  }
0x96: {  	_ =	strace s3  }
0x97: {  	_ =	strace $0x8FFFFFFF  }
0x98: {  	s19 =	sld [smem:$0x3FDB];
	_ =	sdelay $0x1  }
0x99: {  	s4 =	simm.s32 $_scs_section_size  }
0x9a: {  	s5 =	simm.s32 $_size__tile_overlayer_lowered;
	s6 =	simm.s32 $_tile_overlayer_lowered  }
0x9b: {  	s22 =	simm.s32 $0x1BFF;
	s21 =	sshll.u32 s6, $0x1;
	s3 =	sadd.s32 s4, s19  }
0x9c: {  	s7 =	simm.s32 $0x0;
	s20 =	sshll.u32 s5, $0x1;
	s5 =	sadd.s32 s21, s3  }
0x9d: {  	[timem:s7], [sflag:s22] =	dma.local [hbm:s5], s20  }
0x9e: {  	_ =	swait.ge [sflag:s22], s20  }
0x9f: {  	s4 =	ssub.s32 $0x0, s20;
	[sflag:s22] =	ssyncset.done $0x0  }
0xa0: {  	[sflag:s22] =	ssyncadd.s32 s4;
	_ =	sdelay $0x1  }
0xa1: {  	s23 =	simm.s32 $0x1B8B  }
0xa2: {  	_ =	swait.ge [sflag:s23], $0x1  }
0xa3: {  	[sflag:s23] =	ssyncset.done $0x0  }
0xa4: {  	s25 =	simm.s32 $0x1B8E;
	s24 =	sld [smem:$0x3FFE];
	[sflag:s23] =	ssyncadd.s32 $0xFFFFFFFF  }
0xa5: {  	s26 =	simm.s32 $execute0_lowered;
	[smem:$0x3FD2] =	sst s25  }
0xa6: {  	s5 =	sshll.u32 s26, $0x1;
	_ =	strace $0x8000004C;
	[dreg:$0x1] =	wrdreg $0xFFFFFFFF  }
0xa7: {  	s28 =	simm.s32 $_size_execute0_lowered;
	s3 =	sadd.s32 s3, s5;
	[dreg:$0x0] =	wrdreg $0x0  }
0xa8: {  	s5 =	sshll.u32 s28, $0x1;
	[dreg:$0x2] =	wrdreg s3  }
0xa9: {  	[dreg:$0x3] =	wrdreg s5  }
0xaa: {  	[dreg:$0x4] =	wrdreg $0xC0  }
0xab: {  	_ =	task [dreg:s7], $0x5FFFF  }
0xac: {  	[dreg:$0x1] =	wrdreg $0xFFFFFFFF  }
0xad: {  	[dreg:$0x0] =	wrdreg $0x60  }
0xae: {  	[dreg:$0x2] =	wrdreg s24  }
0xaf: {  	[dreg:$0x3] =	wrdreg s2  }
0xb0: {  	[dreg:$0x4] =	wrdreg $0xB0000  }
0xb1: {  	[dreg:$0x5] =	wrdreg $0x9  }
0xb2: {  	_ =	task.clear_ibuf [dreg:s7], $0x6FFFF;
	_ =	strace $0x9000004C  }
0xb3: {  	s29 =	simm.s32 $0x9;
	_ =	strace $0x8000004E  }
0xb4: {  	_ =	swait.ge [sflag:s29], $0x1  }
0xb5: {  	[sflag:s29] =	ssyncadd.s32 $0xFFFFFFFF  }
0xb6: {  	_ =	strace $0x9000004E  }
0xb7: {  	_ =	sfence  }
0xb8: {  	s30 =	sld [smem:$0x0];
	_ =	sdelay $0x2  }
0xb9: {  	s31 =	sshll.u32 s1, $0xD;
	s1 =	sshrl.u32 s1, $0x2  }
0xba: {  	s3 =	sand.u32 $0x4000, s31;
	s1 =	sadd.s32 s1, s30  }
0xbb: {  	s0 =	sor.u32 s3, s0;
	s1 =	sshll.u32 s1, $0x11  }
0xbc: {  	s0 =	sor.u32 s1, s0  }
0xbd: {  	s0 =	sadd.s32 $0x8F2B, s0  }
0xbe: {  	[sflag:s0] =	ssyncadd.remote.s32 $0x1  }
0xbf: {  	_ =	sfence.sel $0xFFFF  }
0xc0: {  	[dreg:$0x0] =	wrdreg $0xFFFFFFFF;
	(pc) =	sbr.abs _section_cstart, $3  }
0xc1: {  	[dreg:$0x1] =	wrdreg $0xFFFFFFFF  }
0xc2: {  	_ =	task.clear_ibuf [dreg:s7], $0x2FFFF;
	_ =	strace $0x9FFFFFFF  }
0xc3: {  	(tm) =	ssettm $0x7FFFFFFF  }
tec
execute0_lowered:
.L_overlay_start_1:
0x0: {  	(tag) =	ssettag $0x1  }
0x1: {  	s0 =	rddreg [dreg:$0x0]  }
0x2: {  	s1 =	rddreg [dreg:$0x1]  }
0x3: {  	s2 =	rddreg [dreg:$0x2];
	s3 =	simm.s32 $0x0;
	s4 =	srdreg.scid  }
0x4: {  	s17 =	stileid.u32;
	s18 =	simm.s32 $0x3;
	s20 =	simm.s32 $0x7000  }
0x5: {  	s29 =	simm.s32 $0x1380;
	s30 =	simm.s32 $0x2B00;
	s31 =	simm.s32 $0x8  }
0x6: {  	s19 =	simm.s32 $0x1800;
	s9 =	sand.u32 $0x1, s4;
	s21 =	smul.u32 $0x28000, s17  }
0x7: {  	s5 =	sshll.u32 s17, $0x1;
	[smem:$0x7FF] =	sst s3;
	s4 =	sadd.s32 $0x2200, s0  }
0x8: {  	s12 =	sadd.s32 $0x2A200, s0;
	s10 =	smul.u32 $0x50000, s17;
	s8 =	sadd.s32 $0x13600, s1  }
0x9: {  	s15 =	smul.u32 $0x2800, s17;
	s28 =	sshll.u32 s17, $0x6;
	s6 =	sshll.u32 s9, $0xA  }
0xa: {  	s14 =	sor.u32 s9, s5;
	_ =	strace $0x8000004D;
	s7 =	ssub.s32 $0x2, s9  }
0xb: {  	p0 =	seq.s32 s9, $0x1;
	s16 =	smov.u32 s4;
	s22 =	sor.u32 s6, s21  }
0xc: {  	s23 =	smul.u32 $0x2800, s14;
	s25 =	sshrl.u32 s7, $0x1;
	s26 =	sshrl.u32 s10, $0x2  }
0xd: {  	s16 =	smov.u32 @p0 s12;
	p0 =	seq.s32 s14, $0x1F;
	s14 =	simm.s32 $0x80  }
0xe: {  	s21 =	simm.s32 $0x1;
	s5 =	sshrl.u32 s22, $0x3;
	s13 =	ssub.s32 s7, s25  }
0xf: {  	s7 =	sadd.s32 $0x9980, s1;
	s0 =	sadd.s32 s5, s0;
	s24 =	sshrl.u32 s23, $0x3  }
.Ltmp0:
0x10: {  	s12 =	smax.u32 s13, $0x1;
	s13 =	sadd.s32 s16, s15;
	(pc) =	sbr.rel .LBB2_1-.Ltmp0, $4  }
0x11: {  	s15 =	simm.s32 $0x3000;
	s16 =	sor.u32 $0x1C03, s28;
	s5 =	sadd.s32 s1, s24  }
0x12: {  	s1 =	sadd.s32 s26, s2;
	s11 =	sadd.s32 $0x52200, s0;
	s24 =	simm.s32 $0x2  }
0x13: {  	s0 =	simm.s32 $0x2B80;
	s6 =	sadd.s32 $0x9C80, s5;
	s9 =	sadd.s32 $0x280, s5  }
0x14: {  	s10 =	sadd.s32 $0x9F00, s5;
	s17 =	sshrl.u32 s1, $0x3;
	s1 =	simm.s32 $0x100  }
.LBB2_9:
0x15: {  	s22 =	simm.s32 $0xC80  }
0x16: {  	[tilespmem:s20], [sflag:$0x2] =	stream.indirect.gather [hbm4b:s4+s14], $0x80, s22, s14, $0xb8;
	[tilespmem:$0x1F000] =	vst v63  }
0x17: {  	_ =	swait.ge [sflag:s21], $0x4000  }
0x18: {  	[sflag:s21] =	ssyncset.done $0x0  }
0x19: {  	s25 =	simm.s32 $0x2400;
	[sflag:s21] =	ssyncadd.s32 $0xFFFFC000  }
0x1a: {  	[spmem:s2] =	stream.indirect.scatter.add.f32 [tilespmem:s15], [sflag:$0x3], $0x80, s25, s14, $0xb8;
	[tilespmem:$0x1F000] =	vst v63  }
0x1b: {  	_ =	swait.ge [sflag:s18], $0x4000  }
0x1c: {  	[sflag:s18] =	ssyncset.done $0x0  }
0x1d: {  	s26 =	simm.s32 $0xD00;
	[sflag:s18] =	ssyncadd.s32 $0xFFFFC000  }
0x1e: {  	[tilespmem:s15], [sflag:$0x1] =	stream.indirect.gather [hbm4b:s4+s14], $0x80, s26, s14, $0xb8;
	[tilespmem:$0x1F000] =	vst v63  }
0x1f: {  	_ =	swait.ge [sflag:s24], $0x4000  }
0x20: {  	[sflag:s24] =	ssyncset.done $0x0  }
0x21: {  	s28 =	simm.s32 $0x2480;
	[sflag:s24] =	ssyncadd.s32 $0xFFFFC000  }
0x22: {  	[spmem:s2] =	stream.indirect.scatter.add.f32 [tilespmem:s20], [sflag:$0x3], $0x80, s28, s14, $0xb8;
	[tilespmem:$0x1F000] =	vst v63  }
0x23: {  	_ =	swait.ge [sflag:s18], $0x4000  }
0x24: {  	[sflag:s18] =	ssyncset.done $0x0  }
0x25: {  	s23 =	simm.s32 $0xD80;
	[sflag:s18] =	ssyncadd.s32 $0xFFFFC000  }
0x26: {  	[tilespmem:s20], [sflag:$0x2] =	stream.indirect.gather [hbm4b:s4+s14], $0x80, s23, s14, $0xb8;
	[tilespmem:$0x1F000] =	vst v63  }
0x27: {  	_ =	swait.ge [sflag:s21], $0x4000  }
0x28: {  	[sflag:s21] =	ssyncset.done $0x0  }
0x29: {  	s25 =	simm.s32 $0x2500;
	[sflag:s21] =	ssyncadd.s32 $0xFFFFC000  }
0x2a: {  	[spmem:s2] =	stream.indirect.scatter.add.f32 [tilespmem:s15], [sflag:$0x3], $0x80, s25, s14, $0xb8;
	[tilespmem:$0x1F000] =	vst v63  }
0x2b: {  	_ =	swait.ge [sflag:s18], $0x4000  }
0x2c: {  	[sflag:s18] =	ssyncset.done $0x0  }
0x2d: {  	s26 =	simm.s32 $0xE00;
	[sflag:s18] =	ssyncadd.s32 $0xFFFFC000  }
0x2e: {  	[tilespmem:s15], [sflag:$0x1] =	stream.indirect.gather [hbm4b:s4+s14], $0x80, s26, s14, $0xb8;
	[tilespmem:$0x1F000] =	vst v63  }
0x2f: {  	_ =	swait.ge [sflag:s24], $0x4000  }
0x30: {  	[sflag:s24] =	ssyncset.done $0x0  }
0x31: {  	s28 =	simm.s32 $0x2580;
	[sflag:s24] =	ssyncadd.s32 $0xFFFFC000  }
0x32: {  	[spmem:s2] =	stream.indirect.scatter.add.f32 [tilespmem:s20], [sflag:$0x3], $0x80, s28, s14, $0xb8;
	[tilespmem:$0x1F000] =	vst v63  }
0x33: {  	_ =	swait.ge [sflag:s18], $0x4000  }
0x34: {  	[sflag:s18] =	ssyncset.done $0x0  }
0x35: {  	s23 =	simm.s32 $0xE80;
	[sflag:s18] =	ssyncadd.s32 $0xFFFFC000  }
0x36: {  	[tilespmem:s20], [sflag:$0x2] =	stream.indirect.gather [hbm4b:s4+s14], $0x80, s23, s14, $0xb8;
	[tilespmem:$0x1F000] =	vst v63  }
0x37: {  	_ =	swait.ge [sflag:s21], $0x4000  }
0x38: {  	[sflag:s21] =	ssyncset.done $0x0  }
0x39: {  	s25 =	simm.s32 $0x2600;
	[sflag:s21] =	ssyncadd.s32 $0xFFFFC000  }
0x3a: {  	[spmem:s2] =	stream.indirect.scatter.add.f32 [tilespmem:s15], [sflag:$0x3], $0x80, s25, s14, $0xb8;
	[tilespmem:$0x1F000] =	vst v63  }
0x3b: {  	_ =	swait.ge [sflag:s18], $0x4000  }
0x3c: {  	[sflag:s18] =	ssyncset.done $0x0  }
0x3d: {  	s26 =	simm.s32 $0xF00;
	[sflag:s18] =	ssyncadd.s32 $0xFFFFC000  }
0x3e: {  	[tilespmem:s15], [sflag:$0x1] =	stream.indirect.gather [hbm4b:s4+s14], $0x80, s26, s14, $0xb8;
	[tilespmem:$0x1F000] =	vst v63  }
0x3f: {  	_ =	swait.ge [sflag:s24], $0x4000  }
0x40: {  	[sflag:s24] =	ssyncset.done $0x0  }
0x41: {  	s28 =	simm.s32 $0x2680;
	[sflag:s24] =	ssyncadd.s32 $0xFFFFC000  }
0x42: {  	[spmem:s2] =	stream.indirect.scatter.add.f32 [tilespmem:s20], [sflag:$0x3], $0x80, s28, s14, $0xb8;
	[tilespmem:$0x1F000] =	vst v63  }
0x43: {  	_ =	swait.ge [sflag:s18], $0x4000  }
0x44: {  	[sflag:s18] =	ssyncset.done $0x0  }
0x45: {  	s23 =	simm.s32 $0xF80;
	[sflag:s18] =	ssyncadd.s32 $0xFFFFC000  }
0x46: {  	[tilespmem:s20], [sflag:$0x2] =	stream.indirect.gather [hbm4b:s4+s14], $0x80, s23, s14, $0xb8;
	[tilespmem:$0x1F000] =	vst v63  }
0x47: {  	_ =	swait.ge [sflag:s21], $0x4000  }
0x48: {  	[sflag:s21] =	ssyncset.done $0x0  }
0x49: {  	s25 =	simm.s32 $0x2700;
	[sflag:s21] =	ssyncadd.s32 $0xFFFFC000  }
0x4a: {  	[spmem:s2] =	stream.indirect.scatter.add.f32 [tilespmem:s15], [sflag:$0x3], $0x80, s25, s14, $0xb8;
	[tilespmem:$0x1F000] =	vst v63  }
0x4b: {  	_ =	swait.ge [sflag:s18], $0x4000  }
0x4c: {  	[sflag:s18] =	ssyncset.done $0x0  }
0x4d: {  	s26 =	simm.s32 $0x1000;
	[sflag:s18] =	ssyncadd.s32 $0xFFFFC000  }
0x4e: {  	[tilespmem:s15], [sflag:$0x1] =	stream.indirect.gather [hbm4b:s4+s14], $0x80, s26, s14, $0xb8;
	[tilespmem:$0x1F000] =	vst v63  }
0x4f: {  	_ =	swait.ge [sflag:s24], $0x4000  }
0x50: {  	[sflag:s24] =	ssyncset.done $0x0  }
0x51: {  	s28 =	simm.s32 $0x2780;
	[sflag:s24] =	ssyncadd.s32 $0xFFFFC000  }
0x52: {  	[spmem:s2] =	stream.indirect.scatter.add.f32 [tilespmem:s20], [sflag:$0x3], $0x80, s28, s14, $0xb8;
	[tilespmem:$0x1F000] =	vst v63  }
0x53: {  	_ =	swait.ge [sflag:s18], $0x4000  }
0x54: {  	[sflag:s18] =	ssyncset.done $0x0  }
0x55: {  	s23 =	simm.s32 $0x1080;
	[sflag:s18] =	ssyncadd.s32 $0xFFFFC000  }
0x56: {  	[tilespmem:s20], [sflag:$0x2] =	stream.indirect.gather [hbm4b:s4+s14], $0x80, s23, s14, $0xb8;
	[tilespmem:$0x1F000] =	vst v63  }
0x57: {  	_ =	swait.ge [sflag:s21], $0x4000  }
0x58: {  	[sflag:s21] =	ssyncset.done $0x0  }
0x59: {  	s25 =	simm.s32 $0x2800;
	[sflag:s21] =	ssyncadd.s32 $0xFFFFC000  }
0x5a: {  	[spmem:s2] =	stream.indirect.scatter.add.f32 [tilespmem:s15], [sflag:$0x3], $0x80, s25, s14, $0xb8;
	[tilespmem:$0x1F000] =	vst v63  }
0x5b: {  	_ =	swait.ge [sflag:s18], $0x4000  }
0x5c: {  	[sflag:s18] =	ssyncset.done $0x0  }
0x5d: {  	s26 =	simm.s32 $0x1100;
	[sflag:s18] =	ssyncadd.s32 $0xFFFFC000  }
0x5e: {  	[tilespmem:s15], [sflag:$0x1] =	stream.indirect.gather [hbm4b:s4+s14], $0x80, s26, s14, $0xb8;
	[tilespmem:$0x1F000] =	vst v63  }
0x5f: {  	_ =	swait.ge [sflag:s24], $0x4000  }
0x60: {  	[sflag:s24] =	ssyncset.done $0x0  }
0x61: {  	s28 =	simm.s32 $0x2880;
	[sflag:s24] =	ssyncadd.s32 $0xFFFFC000  }
0x62: {  	[spmem:s2] =	stream.indirect.scatter.add.f32 [tilespmem:s20], [sflag:$0x3], $0x80, s28, s14, $0xb8;
	[tilespmem:$0x1F000] =	vst v63  }
0x63: {  	_ =	swait.ge [sflag:s18], $0x4000  }
0x64: {  	[sflag:s18] =	ssyncset.done $0x0  }
0x65: {  	s23 =	simm.s32 $0x1180;
	[sflag:s18] =	ssyncadd.s32 $0xFFFFC000  }
0x66: {  	[tilespmem:s20], [sflag:$0x2] =	stream.indirect.gather [hbm4b:s4+s14], $0x80, s23, s14, $0xb8;
	[tilespmem:$0x1F000] =	vst v63  }
0x67: {  	_ =	swait.ge [sflag:s21], $0x4000  }
0x68: {  	[sflag:s21] =	ssyncset.done $0x0  }
0x69: {  	s25 =	simm.s32 $0x2900;
	[sflag:s21] =	ssyncadd.s32 $0xFFFFC000  }
0x6a: {  	[spmem:s2] =	stream.indirect.scatter.add.f32 [tilespmem:s15], [sflag:$0x3], $0x80, s25, s14, $0xb8;
	[tilespmem:$0x1F000] =	vst v63  }
0x6b: {  	_ =	swait.ge [sflag:s18], $0x4000  }
0x6c: {  	[sflag:s18] =	ssyncset.done $0x0  }
0x6d: {  	s26 =	simm.s32 $0x1200;
	[sflag:s18] =	ssyncadd.s32 $0xFFFFC000  }
0x6e: {  	[tilespmem:s15], [sflag:$0x1] =	stream.indirect.gather [hbm4b:s4+s14], $0x80, s26, s14, $0xb8;
	[tilespmem:$0x1F000] =	vst v63  }
0x6f: {  	_ =	swait.ge [sflag:s24], $0x4000  }
0x70: {  	[sflag:s24] =	ssyncset.done $0x0  }
0x71: {  	s28 =	simm.s32 $0x2980;
	[sflag:s24] =	ssyncadd.s32 $0xFFFFC000  }
0x72: {  	[spmem:s2] =	stream.indirect.scatter.add.f32 [tilespmem:s20], [sflag:$0x3], $0x80, s28, s14, $0xb8;
	[tilespmem:$0x1F000] =	vst v63  }
0x73: {  	_ =	swait.ge [sflag:s18], $0x4000  }
0x74: {  	[sflag:s18] =	ssyncset.done $0x0  }
0x75: {  	s23 =	simm.s32 $0x1280;
	[sflag:s18] =	ssyncadd.s32 $0xFFFFC000  }
0x76: {  	[tilespmem:s20], [sflag:$0x2] =	stream.indirect.gather [hbm4b:s4+s14], $0x80, s23, s14, $0xb8;
	[tilespmem:$0x1F000] =	vst v63  }
0x77: {  	_ =	swait.ge [sflag:s21], $0x4000  }
0x78: {  	[sflag:s21] =	ssyncset.done $0x0  }
0x79: {  	s25 =	simm.s32 $0x2A00;
	[sflag:s21] =	ssyncadd.s32 $0xFFFFC000  }
0x7a: {  	[spmem:s2] =	stream.indirect.scatter.add.f32 [tilespmem:s15], [sflag:$0x3], $0x80, s25, s14, $0xb8;
	[tilespmem:$0x1F000] =	vst v63  }
0x7b: {  	_ =	swait.ge [sflag:s18], $0x4000  }
0x7c: {  	[sflag:s18] =	ssyncset.done $0x0  }
0x7d: {  	s26 =	simm.s32 $0x1300;
	[sflag:s18] =	ssyncadd.s32 $0xFFFFC000  }
0x7e: {  	[tilespmem:s15], [sflag:$0x1] =	stream.indirect.gather [hbm4b:s4+s14], $0x80, s26, s14, $0xb8;
	[tilespmem:$0x1F000] =	vst v63  }
0x7f: {  	_ =	swait.ge [sflag:s24], $0x4000  }
0x80: {  	[sflag:s24] =	ssyncset.done $0x0  }
0x81: {  	s28 =	simm.s32 $0x2A80;
	[sflag:s24] =	ssyncadd.s32 $0xFFFFC000  }
0x82: {  	[spmem:s2] =	stream.indirect.scatter.add.f32 [tilespmem:s20], [sflag:$0x3], $0x80, s28, s14, $0xb8;
	[tilespmem:$0x1F000] =	vst v63  }
0x83: {  	_ =	swait.ge [sflag:s18], $0x4000  }
0x84: {  	[sflag:s18] =	ssyncset.done $0x0  }
0x85: {  	[sflag:s18] =	ssyncadd.s32 $0xFFFFC000  }
0x86: {  	[tilespmem:s20], [sflag:$0x2] =	stream.indirect.gather [hbm4b:s4+s14], $0x80, s29, s14, $0xb8;
	[tilespmem:$0x1F000] =	vst v63  }
0x87: {  	_ =	swait.ge [sflag:s21], $0x4000  }
0x88: {  	[sflag:s21] =	ssyncset.done $0x0  }
0x89: {  	[sflag:s21] =	ssyncadd.s32 $0xFFFFC000  }
0x8a: {  	[spmem:s2] =	stream.indirect.scatter.add.f32 [tilespmem:s15], [sflag:$0x3], $0x80, s30, s14, $0xb8;
	[tilespmem:$0x1F000] =	vst v63  }
0x8b: {  	_ =	swait.ge [sflag:s18], $0x4000  }
0x8c: {  	[sflag:s18] =	ssyncset.done $0x0  }
0x8d: {  	s23 =	simm.s32 $0x1400;
	[sflag:s18] =	ssyncadd.s32 $0xFFFFC000  }
0x8e: {  	[tilespmem:s15], [sflag:$0x1] =	stream.indirect.gather [hbm4b:s4+s14], $0x80, s23, s14, $0xb8;
	[tilespmem:$0x1F000] =	vst v63  }
0x8f: {  	_ =	swait.ge [sflag:s24], $0x4000  }
0x90: {  	[sflag:s24] =	ssyncset.done $0x0  }
0x91: {  	[sflag:s24] =	ssyncadd.s32 $0xFFFFC000  }
0x92: {  	[spmem:s2] =	stream.indirect.scatter.add.f32 [tilespmem:s20], [sflag:$0x3], $0x80, s0, s14, $0xb8;
	[tilespmem:$0x1F000] =	vst v63  }
0x93: {  	_ =	swait.ge [sflag:s18], $0x4000  }
0x94: {  	[sflag:s18] =	ssyncset.done $0x0  }
0x95: {  	s25 =	simm.s32 $0x1480;
	[sflag:s18] =	ssyncadd.s32 $0xFFFFC000  }
0x96: {  	[tilespmem:s20], [sflag:$0x2] =	stream.indirect.gather [hbm4b:s4+s14], $0x80, s25, s14, $0xb8;
	[tilespmem:$0x1F000] =	vst v63  }
0x97: {  	_ =	swait.ge [sflag:s21], $0x4000  }
0x98: {  	[sflag:s21] =	ssyncset.done $0x0  }
0x99: {  	s26 =	simm.s32 $0x2C00;
	[sflag:s21] =	ssyncadd.s32 $0xFFFFC000  }
0x9a: {  	[spmem:s2] =	stream.indirect.scatter.add.f32 [tilespmem:s15], [sflag:$0x3], $0x80, s26, s14, $0xb8;
	[tilespmem:$0x1F000] =	vst v63  }
0x9b: {  	_ =	swait.ge [sflag:s18], $0x4000  }
0x9c: {  	[sflag:s18] =	ssyncset.done $0x0  }
0x9d: {  	s28 =	simm.s32 $0x1500;
	[sflag:s18] =	ssyncadd.s32 $0xFFFFC000  }
0x9e: {  	[tilespmem:s15], [sflag:$0x1] =	stream.indirect.gather [hbm4b:s4+s14], $0x80, s28, s14, $0xb8;
	[tilespmem:$0x1F000] =	vst v63  }
0x9f: {  	_ =	swait.ge [sflag:s24], $0x4000  }
0xa0: {  	[sflag:s24] =	ssyncset.done $0x0  }
0xa1: {  	s23 =	simm.s32 $0x2C80;
	[sflag:s24] =	ssyncadd.s32 $0xFFFFC000  }
0xa2: {  	[spmem:s2] =	stream.indirect.scatter.add.f32 [tilespmem:s20], [sflag:$0x3], $0x80, s23, s14, $0xb8;
	[tilespmem:$0x1F000] =	vst v63  }
0xa3: {  	_ =	swait.ge [sflag:s18], $0x4000  }
0xa4: {  	[sflag:s18] =	ssyncset.done $0x0  }
0xa5: {  	s25 =	simm.s32 $0x1580;
	[sflag:s18] =	ssyncadd.s32 $0xFFFFC000  }
0xa6: {  	[tilespmem:s20], [sflag:$0x2] =	stream.indirect.gather [hbm4b:s4+s14], $0x80, s25, s14, $0xb8;
	[tilespmem:$0x1F000] =	vst v63  }
0xa7: {  	_ =	swait.ge [sflag:s21], $0x4000  }
0xa8: {  	[sflag:s21] =	ssyncset.done $0x0  }
0xa9: {  	s26 =	simm.s32 $0x2D00;
	[sflag:s21] =	ssyncadd.s32 $0xFFFFC000  }
0xaa: {  	[spmem:s2] =	stream.indirect.scatter.add.f32 [tilespmem:s15], [sflag:$0x3], $0x80, s26, s14, $0xb8;
	[tilespmem:$0x1F000] =	vst v63  }
0xab: {  	_ =	swait.ge [sflag:s18], $0x4000  }
0xac: {  	[sflag:s18] =	ssyncset.done $0x0  }
0xad: {  	[sflag:s18] =	ssyncadd.s32 $0xFFFFC000  }
0xae: {  	_ =	swait.ge [sflag:s24], $0x4000  }
0xaf: {  	[sflag:s24] =	ssyncset.done $0x0  }
0xb0: {  	s28 =	simm.s32 $0x2D80;
	[sflag:s24] =	ssyncadd.s32 $0xFFFFC000  }
0xb1: {  	[spmem:s2] =	stream.indirect.scatter.add.f32 [tilespmem:s20], [sflag:$0x3], $0x80, s28, s14, $0xb8;
	[tilespmem:$0x1F000] =	vst v63  }
.LBB2_7:
0xb2: {  	_ =	swait.ge [sflag:s18], $0x4000  }
0xb3: {  	s3 =	sadd.s32 $0x1, s3;
	[sflag:s18] =	ssyncset.done $0x0  }
0xb4: {  	p1 =	sne.s32 s3, s12;
	[sflag:s18] =	ssyncadd.s32 $0xFFFFC000  }
.Ltmp1:
0xb5: {  	[bflag:$0x0] =	sbarrier.arrive $0xFFFF;
	(pc) =	sbr.rel @!p1 .LBB2_8-.Ltmp1, $4  }
0xb6: {  	[hbm:s11@s1], [sflag:s16] =	dma.strided [spmem:s17@s14], $0x2800, s31, $0x10   }
0xb7: {  	_ =	swait.ge [sflag:s18], $0x2800  }
0xb8: {  	[sflag:s18] =	ssyncset.done $0x0  }
0xb9: {  	[sflag:s18] =	ssyncadd.s32 $0xFFFFD800  }
.LBB2_1:
0xba: {  	s22 =	simm.s32 @p0 $0x0;
	s23 =	simm.s32 @p0 $0x3  }
0xbb: {  	[tilespmem:s22], [sflag:$0x3] =	stream.linear.gather @p0 [hbm4b:s7+s22], $0x1600, $0x38;
	[tilespmem:$0x1F000] =	vst v63  }
0xbc: {  	_ =	swait.ge @p0 [sflag:s23], $0x1600  }
0xbd: {  	[sflag:s23] =	ssyncset.done @p0 $0x0  }
0xbe: {  	s25 =	simm.s32 @p0 $0x1800;
	[sflag:s23] =	ssyncadd.s32 @p0 $0xFFFFEA00  }
0xbf: {  	[tilespmem:s25], [sflag:$0x3] =	stream.linear.gather @p0 [hbm4b:s8+s22], $0x1600, $0x38;
	[tilespmem:$0x1F000] =	vst v63  }
0xc0: {  	_ =	swait.ge @p0 [sflag:s23], $0x1600  }
0xc1: {  	[sflag:s23] =	ssyncset.done @p0 $0x0  }
0xc2: {  	s22 =	simm.s32 @!p0 $0x0;
	[sflag:s23] =	ssyncadd.s32 @p0 $0xFFFFEA00;
	s23 =	simm.s32 @!p0 $0x3  }
0xc3: {  	[tilespmem:s22], [sflag:$0x3] =	stream.linear.gather @!p0 [hbm4b:s5+s22], $0x1400, $0x38;
	[tilespmem:$0x1F000] =	vst v63  }
0xc4: {  	_ =	swait.ge @!p0 [sflag:s23], $0x1400  }
0xc5: {  	[sflag:s23] =	ssyncset.done @!p0 $0x0  }
0xc6: {  	s25 =	simm.s32 @!p0 $0x1800;
	[sflag:s23] =	ssyncadd.s32 @!p0 $0xFFFFEC00  }
0xc7: {  	[tilespmem:s25], [sflag:$0x3] =	stream.linear.gather @!p0 [hbm4b:s6+s22], $0x1400, $0x38;
	[tilespmem:$0x1F000] =	vst v63  }
0xc8: {  	_ =	swait.ge @!p0 [sflag:s23], $0x1400  }
0xc9: {  	[sflag:s23] =	ssyncset.done @!p0 $0x0  }
0xca: {  	s22 =	simm.s32 @p0 $0xC00;
	[sflag:s23] =	ssyncadd.s32 @!p0 $0xFFFFEC00  }
0xcb: {  	[tilespmem:s15], [sflag:$0x1] =	stream.indirect.gather [hbm4b:s4+s14], $0x80, s22, s14, $0xb8;
	[tilespmem:$0x1F000] =	vst v63  }
0xcc: {  	[spmem:s17], [sflag:s16] =	dma.local [hbm:s13], $0x2800  }
.Ltmp2:
0xcd: {  	_ =	swait.ge [sflag:s18], $0x2800;
	(pc) =	sbr.rel @p0 .LBB2_9-.Ltmp2, $3  }
0xce: {  	[sflag:s18] =	ssyncset.done $0x0  }
0xcf: {  	[sflag:s18] =	ssyncadd.s32 $0xFFFFD800  }
0xd0: {  	[bflag:$0x0] =	sbarrier.arrive $0xFFFF;
	_ =	sdelay $0x1  }
0xd1: {  	s22 =	simm.s32 $0x80  }
0xd2: {  	[tilespmem:s20], [sflag:$0x2] =	stream.indirect.gather [hbm4b:s4+s14], $0x80, s22, s14, $0xb8;
	[tilespmem:$0x1F000] =	vst v63  }
0xd3: {  	_ =	swait.ge [sflag:s21], $0x4000  }
0xd4: {  	[sflag:s21] =	ssyncset.done $0x0  }
0xd5: {  	s25 =	simm.s32 $0x1800;
	[sflag:s21] =	ssyncadd.s32 $0xFFFFC000  }
0xd6: {  	[spmem:s2] =	stream.indirect.scatter.add.f32 [tilespmem:s15], [sflag:$0x3], $0x80, s25, s14, $0xb8;
	[tilespmem:$0x1F000] =	vst v63  }
0xd7: {  	_ =	swait.ge [sflag:s18], $0x4000  }
0xd8: {  	[sflag:s18] =	ssyncset.done $0x0  }
0xd9: {  	s26 =	simm.s32 $0x100;
	[sflag:s18] =	ssyncadd.s32 $0xFFFFC000  }
0xda: {  	[tilespmem:s15], [sflag:$0x1] =	stream.indirect.gather [hbm4b:s4+s14], $0x80, s26, s14, $0xb8;
	[tilespmem:$0x1F000] =	vst v63  }
0xdb: {  	_ =	swait.ge [sflag:s24], $0x4000  }
0xdc: {  	[sflag:s24] =	ssyncset.done $0x0  }
0xdd: {  	s28 =	simm.s32 $0x1880;
	[sflag:s24] =	ssyncadd.s32 $0xFFFFC000  }
0xde: {  	[spmem:s2] =	stream.indirect.scatter.add.f32 [tilespmem:s20], [sflag:$0x3], $0x80, s28, s14, $0xb8;
	[tilespmem:$0x1F000] =	vst v63  }
0xdf: {  	_ =	swait.ge [sflag:s18], $0x4000  }
0xe0: {  	s23 =	simm.s32 $0x800;
	s22 =	simm.s32 $0x100;
	[sflag:s18] =	ssyncset.done $0x0  }
.LBB2_3:
0xe1: {  	s25 =	sadd.s32 $0x80, s22  }
0xe2: {  	[sflag:s18] =	ssyncadd.s32 $0xFFFFC000;
	s26 =	smov.u32 s23;
	s28 =	sadd.s32 $0x400, s23  }
0xe3: {  	[tilespmem:s20], [sflag:$0x2] =	stream.indirect.gather [hbm4b:s4+s14], $0x80, s25, s14, $0xb8;
	[tilespmem:$0x1F000] =	vst v63  }
0xe4: {  	p1 =	sne.s32 s23, $0x4800;
	_ =	swait.ge [sflag:s21], $0x4000  }
0xe5: {  	[sflag:s21] =	ssyncset.done $0x0  }
0xe6: {  	s23 =	sadd.s32 $0x1800, s22;
	[sflag:s21] =	ssyncadd.s32 $0xFFFFC000  }
0xe7: {  	[spmem:s2] =	stream.indirect.scatter.add.f32 [tilespmem:s15], [sflag:$0x3], $0x80, s23, s14, $0xb8;
	[tilespmem:$0x1F000] =	vst v63  }
0xe8: {  	_ =	swait.ge [sflag:s18], $0x4000  }
0xe9: {  	[sflag:s18] =	ssyncset.done $0x0  }
0xea: {  	s23 =	sadd.s32 $0x100, s22;
	[sflag:s18] =	ssyncadd.s32 $0xFFFFC000  }
0xeb: {  	[tilespmem:s15], [sflag:$0x1] =	stream.indirect.gather [hbm4b:s4+s14], $0x80, s23, s14, $0xb8;
	[tilespmem:$0x1F000] =	vst v63  }
0xec: {  	_ =	swait.ge [sflag:s24], $0x4000  }
.Ltmp3:
0xed: {  	[sflag:s24] =	ssyncset.done $0x0;
	(pc) =	sbr.rel @p1 .LBB2_3-.Ltmp3, $4  }
0xee: {  	s22 =	sadd.s32 $0x1880, s22;
	[sflag:s24] =	ssyncadd.s32 $0xFFFFC000  }
0xef: {  	[spmem:s2] =	stream.indirect.scatter.add.f32 [tilespmem:s20], [sflag:$0x3], $0x80, s22, s14, $0xb8;
	[tilespmem:$0x1F000] =	vst v63  }
0xf0: {  	_ =	swait.ge [sflag:s18], $0x4000  }
0xf1: {  	s23 =	smov.u32 s28;
	s22 =	sshra.s32 s26, $0x2;
	[sflag:s18] =	ssyncset.done $0x0  }
0xf2: {  	s23 =	sadd.s32 $0x80, s22;
	[sflag:s18] =	ssyncadd.s32 $0xFFFFC000  }
0xf3: {  	[tilespmem:s20], [sflag:$0x2] =	stream.indirect.gather [hbm4b:s4+s14], $0x80, s23, s14, $0xb8;
	[tilespmem:$0x1F000] =	vst v63  }
0xf4: {  	_ =	swait.ge [sflag:s21], $0x4000  }
0xf5: {  	[sflag:s21] =	ssyncset.done $0x0  }
0xf6: {  	s28 =	sadd.s32 $0x1800, s22;
	[sflag:s21] =	ssyncadd.s32 $0xFFFFC000  }
0xf7: {  	[spmem:s2] =	stream.indirect.scatter.add.f32 [tilespmem:s15], [sflag:$0x3], $0x80, s28, s14, $0xb8;
	[tilespmem:$0x1F000] =	vst v63  }
0xf8: {  	_ =	swait.ge [sflag:s18], $0x4000  }
0xf9: {  	[sflag:s18] =	ssyncset.done $0x0  }
0xfa: {  	s25 =	sadd.s32 $0x100, s22;
	[sflag:s18] =	ssyncadd.s32 $0xFFFFC000  }
0xfb: {  	[tilespmem:s15], [sflag:$0x1] =	stream.indirect.gather [hbm4b:s4+s14], $0x80, s25, s14, $0xb8;
	[tilespmem:$0x1F000] =	vst v63  }
0xfc: {  	_ =	swait.ge [sflag:s24], $0x4000  }
0xfd: {  	[sflag:s24] =	ssyncset.done $0x0  }
0xfe: {  	s26 =	sadd.s32 $0x1880, s22;
	[sflag:s24] =	ssyncadd.s32 $0xFFFFC000  }
0xff: {  	[spmem:s2] =	stream.indirect.scatter.add.f32 [tilespmem:s20], [sflag:$0x3], $0x80, s26, s14, $0xb8;
	[tilespmem:$0x1F000] =	vst v63  }
0x100: {  	_ =	swait.ge [sflag:s18], $0x4000  }
0x101: {  	[sflag:s18] =	ssyncset.done $0x0  }
0x102: {  	[sflag:s18] =	ssyncadd.s32 $0xFFFFC000  }
0x103: {  	[tilespmem:s20], [sflag:$0x2] =	stream.indirect.gather [hbm4b:s4+s14], $0x80, s29, s14, $0xb8;
	[tilespmem:$0x1F000] =	vst v63  }
0x104: {  	_ =	swait.ge [sflag:s21], $0x4000  }
0x105: {  	[sflag:s21] =	ssyncset.done $0x0  }
0x106: {  	[sflag:s21] =	ssyncadd.s32 $0xFFFFC000  }
0x107: {  	[spmem:s2] =	stream.indirect.scatter.add.f32 [tilespmem:s15], [sflag:$0x3], $0x80, s30, s14, $0xb8;
	[tilespmem:$0x1F000] =	vst v63  }
0x108: {  	_ =	swait.ge [sflag:s18], $0x4000  }
0x109: {  	[sflag:s18] =	ssyncset.done $0x0  }
0x10a: {  	[sflag:s18] =	ssyncadd.s32 $0xFFFFC000  }
0x10b: {  	_ =	swait.ge [sflag:s24], $0x4000  }
0x10c: {  	[sflag:s24] =	ssyncset.done $0x0  }
0x10d: {  	[sflag:s24] =	ssyncadd.s32 $0xFFFFC000  }
0x10e: {  	[spmem:s2] =	stream.indirect.scatter.add.f32 [tilespmem:s20], [sflag:$0x3], $0x80, s0, s14, $0xb8;
	[tilespmem:$0x1F000] =	vst v63  }
0x10f: {  	_ =	swait.ge [sflag:s18], $0x4000  }
0x110: {  	[sflag:s18] =	ssyncset.done $0x0  }
0x111: {  	s28 =	simm.s32 $0x0;
	[sflag:s18] =	ssyncadd.s32 $0xFFFFC000  }
0x112: {  	[tilespmem:s28], [sflag:$0x3] =	stream.linear.gather [hbm4b:s9+s28], $0x1400, $0x38;
	[tilespmem:$0x1F000] =	vst v63  }
0x113: {  	_ =	swait.ge [sflag:s18], $0x1400  }
0x114: {  	[sflag:s18] =	ssyncset.done $0x0  }
0x115: {  	[sflag:s18] =	ssyncadd.s32 $0xFFFFEC00  }
0x116: {  	[tilespmem:s19], [sflag:$0x3] =	stream.linear.gather [hbm4b:s10+s28], $0x1400, $0x38;
	[tilespmem:$0x1F000] =	vst v63  }
0x117: {  	_ =	swait.ge [sflag:s18], $0x1400  }
0x118: {  	[sflag:s18] =	ssyncset.done $0x0  }
0x119: {  	[sflag:s18] =	ssyncadd.s32 $0xFFFFEC00  }
0x11a: {  	[tilespmem:s15], [sflag:$0x1] =	stream.indirect.gather [hbm4b:s4+s14], $0x80, s28, s14, $0xb8;
	[tilespmem:$0x1F000] =	vst v63  }
0x11b: {  	s23 =	simm.s32 $0x80  }
0x11c: {  	[tilespmem:s20], [sflag:$0x2] =	stream.indirect.gather [hbm4b:s4+s14], $0x80, s23, s14, $0xb8;
	[tilespmem:$0x1F000] =	vst v63  }
0x11d: {  	_ =	swait.ge [sflag:s21], $0x4000  }
0x11e: {  	[sflag:s21] =	ssyncset.done $0x0  }
0x11f: {  	s25 =	simm.s32 $0x1800;
	[sflag:s21] =	ssyncadd.s32 $0xFFFFC000  }
0x120: {  	[spmem:s2] =	stream.indirect.scatter.add.f32 [tilespmem:s15], [sflag:$0x3], $0x80, s25, s14, $0xb8;
	[tilespmem:$0x1F000] =	vst v63  }
0x121: {  	_ =	swait.ge [sflag:s18], $0x4000  }
0x122: {  	[sflag:s18] =	ssyncset.done $0x0  }
0x123: {  	s26 =	simm.s32 $0x100;
	[sflag:s18] =	ssyncadd.s32 $0xFFFFC000  }
0x124: {  	[tilespmem:s15], [sflag:$0x1] =	stream.indirect.gather [hbm4b:s4+s14], $0x80, s26, s14, $0xb8;
	[tilespmem:$0x1F000] =	vst v63  }
0x125: {  	_ =	swait.ge [sflag:s24], $0x4000  }
0x126: {  	[sflag:s24] =	ssyncset.done $0x0  }
0x127: {  	s28 =	simm.s32 $0x1880;
	[sflag:s24] =	ssyncadd.s32 $0xFFFFC000  }
0x128: {  	[spmem:s2] =	stream.indirect.scatter.add.f32 [tilespmem:s20], [sflag:$0x3], $0x80, s28, s14, $0xb8;
	[tilespmem:$0x1F000] =	vst v63  }
0x129: {  	_ =	swait.ge [sflag:s18], $0x4000  }
0x12a: {  	s22 =	simm.s32 $0x100;
	s23 =	simm.s32 $0x800;
	[sflag:s18] =	ssyncset.done $0x0  }
.LBB2_5:
0x12b: {  	s25 =	sadd.s32 $0x80, s22  }
0x12c: {  	[sflag:s18] =	ssyncadd.s32 $0xFFFFC000;
	s26 =	smov.u32 s23;
	s28 =	sadd.s32 $0x400, s23  }
0x12d: {  	[tilespmem:s20], [sflag:$0x2] =	stream.indirect.gather [hbm4b:s4+s14], $0x80, s25, s14, $0xb8;
	[tilespmem:$0x1F000] =	vst v63  }
0x12e: {  	p1 =	seq.s32 s23, $0x4800;
	_ =	swait.ge [sflag:s21], $0x4000  }
0x12f: {  	[sflag:s21] =	ssyncset.done $0x0  }
0x130: {  	s23 =	sadd.s32 $0x1800, s22;
	[sflag:s21] =	ssyncadd.s32 $0xFFFFC000  }
0x131: {  	[spmem:s2] =	stream.indirect.scatter.add.f32 [tilespmem:s15], [sflag:$0x3], $0x80, s23, s14, $0xb8;
	[tilespmem:$0x1F000] =	vst v63  }
0x132: {  	_ =	swait.ge [sflag:s18], $0x4000  }
0x133: {  	[sflag:s18] =	ssyncset.done $0x0  }
0x134: {  	s23 =	sadd.s32 $0x100, s22;
	[sflag:s18] =	ssyncadd.s32 $0xFFFFC000  }
0x135: {  	[tilespmem:s15], [sflag:$0x1] =	stream.indirect.gather [hbm4b:s4+s14], $0x80, s23, s14, $0xb8;
	[tilespmem:$0x1F000] =	vst v63  }
0x136: {  	_ =	swait.ge [sflag:s24], $0x4000  }
.Ltmp4:
0x137: {  	[sflag:s24] =	ssyncset.done $0x0;
	(pc) =	sbr.rel @!p1 .LBB2_5-.Ltmp4, $4  }
0x138: {  	s22 =	sadd.s32 $0x1880, s22;
	[sflag:s24] =	ssyncadd.s32 $0xFFFFC000  }
0x139: {  	[spmem:s2] =	stream.indirect.scatter.add.f32 [tilespmem:s20], [sflag:$0x3], $0x80, s22, s14, $0xb8;
	[tilespmem:$0x1F000] =	vst v63  }
0x13a: {  	_ =	swait.ge [sflag:s18], $0x4000  }
0x13b: {  	s23 =	smov.u32 s28;
	s22 =	sshra.s32 s26, $0x2;
	[sflag:s18] =	ssyncset.done $0x0  }
0x13c: {  	s23 =	sadd.s32 $0x80, s22;
	[sflag:s18] =	ssyncadd.s32 $0xFFFFC000  }
0x13d: {  	[tilespmem:s20], [sflag:$0x2] =	stream.indirect.gather [hbm4b:s4+s14], $0x80, s23, s14, $0xb8;
	[tilespmem:$0x1F000] =	vst v63  }
0x13e: {  	_ =	swait.ge [sflag:s21], $0x4000  }
0x13f: {  	[sflag:s21] =	ssyncset.done $0x0  }
0x140: {  	s25 =	sadd.s32 $0x1800, s22;
	[sflag:s21] =	ssyncadd.s32 $0xFFFFC000  }
0x141: {  	[spmem:s2] =	stream.indirect.scatter.add.f32 [tilespmem:s15], [sflag:$0x3], $0x80, s25, s14, $0xb8;
	[tilespmem:$0x1F000] =	vst v63  }
0x142: {  	_ =	swait.ge [sflag:s18], $0x4000  }
0x143: {  	[sflag:s18] =	ssyncset.done $0x0  }
0x144: {  	s26 =	sadd.s32 $0x100, s22;
	[sflag:s18] =	ssyncadd.s32 $0xFFFFC000  }
0x145: {  	[tilespmem:s15], [sflag:$0x1] =	stream.indirect.gather [hbm4b:s4+s14], $0x80, s26, s14, $0xb8;
	[tilespmem:$0x1F000] =	vst v63  }
0x146: {  	_ =	swait.ge [sflag:s24], $0x4000  }
0x147: {  	[sflag:s24] =	ssyncset.done $0x0  }
0x148: {  	s28 =	sadd.s32 $0x1880, s22;
	[sflag:s24] =	ssyncadd.s32 $0xFFFFC000  }
0x149: {  	[spmem:s2] =	stream.indirect.scatter.add.f32 [tilespmem:s20], [sflag:$0x3], $0x80, s28, s14, $0xb8;
	[tilespmem:$0x1F000] =	vst v63  }
0x14a: {  	_ =	swait.ge [sflag:s18], $0x4000  }
0x14b: {  	[sflag:s18] =	ssyncset.done $0x0  }
0x14c: {  	[sflag:s18] =	ssyncadd.s32 $0xFFFFC000  }
0x14d: {  	[tilespmem:s20], [sflag:$0x2] =	stream.indirect.gather [hbm4b:s4+s14], $0x80, s29, s14, $0xb8;
	[tilespmem:$0x1F000] =	vst v63  }
0x14e: {  	_ =	swait.ge [sflag:s21], $0x4000  }
0x14f: {  	[sflag:s21] =	ssyncset.done $0x0  }
0x150: {  	[sflag:s21] =	ssyncadd.s32 $0xFFFFC000  }
0x151: {  	[spmem:s2] =	stream.indirect.scatter.add.f32 [tilespmem:s15], [sflag:$0x3], $0x80, s30, s14, $0xb8;
	[tilespmem:$0x1F000] =	vst v63  }
0x152: {  	_ =	swait.ge [sflag:s18], $0x4000  }
0x153: {  	[sflag:s18] =	ssyncset.done $0x0  }
.Ltmp5:
0x154: {  	[sflag:s18] =	ssyncadd.s32 $0xFFFFC000;
	(pc) =	sbr.rel .LBB2_7-.Ltmp5, $4  }
0x155: {  	_ =	swait.ge [sflag:s24], $0x4000  }
0x156: {  	[sflag:s24] =	ssyncset.done $0x0  }
0x157: {  	[sflag:s24] =	ssyncadd.s32 $0xFFFFC000  }
0x158: {  	[spmem:s2] =	stream.indirect.scatter.add.f32 [tilespmem:s20], [sflag:$0x3], $0x80, s0, s14, $0xb8;
	[tilespmem:$0x1F000] =	vst v63  }
.LBB2_8:
0x159: {  	_ =	sfence.sel $0x180000  }
0x15a: {  	[bflag:$0x0] =	sbarrier.arrive $0xFFFF  }
0x15b: {  	_ =	strace $0x9000004D  }
0x15c: {  	s0 =	stileid.u32;
	[bflag:$0x2] =	sbarrier.arrive $0xFFFF  }
0x15d: {  	p0 =	sne.s32 s0, $0x0;
	s0 =	rddreg [dreg:$0x3]  }
0x15e: {  	s0 =	sadd.s32 @!p0 $0x100000, s0  }
0x15f: {  	[sflag:s0] =	ssyncadd.tile.s32 @!p0 $0x1;
	_ =	shalt  }
.Lfunc_end2:
_tile_overlayer_lowered:
.L_overlay_start_2:
0x160: {  	(tag) =	ssettag $0x2  }
0x161: {  	s0 =	rddreg [dreg:$0x0];
	s2 =	stileid.u32  }
0x162: {  	s1 =	rddreg [dreg:$0x1];
	p0 =	sne.s32 s2, $0x0  }
0x163: {  	s3 =	rddreg [dreg:$0x2];
	[bflag:$0x3] =	sbarrier.arrive $0xFFFF;
	s2 =	simm.s32 @!p0 $0x1C03  }
0x164: {  	[timem:s3], [sflag:s2] =	dma.local @!p0 [hbm:s0], s1  }
0x165: {  	s0 =	simm.s32 @!p0 $0x3  }
0x166: {  	_ =	swait.ge @!p0 [sflag:s0], s1  }
0x167: {  	s1 =	ssub.s32 @!p0 $0x0, s1;
	[sflag:s0] =	ssyncset.done @!p0 $0x0  }
0x168: {  	[sflag:s0] =	ssyncadd.s32 @!p0 s1  }
0x169: {  	[bflag:$0x3] =	sbarrier.arrive $0xFFFF  }
0x16a: {  	_ =	shalt  }

</sc_bundles>
